<compile_context>
chip_gen: v7x
topology: tpu7x:2x2x1
jax: 0.10.2.dev20260603
libtpu: 0.0.44.dev20260713+nightly
codegen_flags: <defaults>
</compile_context>

<pallas_src>
import functools

import jax
import jax.numpy as jnp
from jax import lax
from jax.experimental import pallas as pl
from jax.experimental.pallas import tpu as pltpu
from jax.experimental.pallas import tpu_sc as plsc

B = 1024
NNEG = 256
DIM = 128
LANES = 16
NCHUNK = 128
CPR = NNEG // NCHUNK
NBUF = 4
NW = 32
BPW = B // NW
KREG = DIM // LANES
TOTAL = BPW * CPR


def _sc_body(heads_hbm, rels_hbm, negs_hbm, ent_hbm, rel_hbm, out_hbm,
             heads_v, rels_v, negs_v, hrow_v, rrow_v, out_v, buf_v,
             sem_h, sem_r, sems):
    wid = lax.axis_index("s") * 2 + lax.axis_index("c")
    base = wid * BPW

    pltpu.sync_copy(heads_hbm.at[pl.ds(base, BPW)], heads_v)
    pltpu.sync_copy(rels_hbm.at[pl.ds(base, BPW)], rels_v)
    pltpu.sync_copy(negs_hbm.at[pl.ds(base, BPW)], negs_v)

    cp_h = pltpu.async_copy(ent_hbm.at[heads_v], hrow_v, sem_h)
    cp_r = pltpu.async_copy(rel_hbm.at[rels_v], rrow_v, sem_r)
    for s in range(NBUF):
        pltpu.async_copy(ent_hbm.at[negs_v.at[s // CPR, s % CPR]],
                         buf_v.at[s], sems.at[s])
    cp_h.wait()
    cp_r.wait()

    def compute_chunk(j, c, buf):
        h = [hrow_v[j, pl.ds(k * LANES, LANES)] *
             rrow_v[j, pl.ds(k * LANES, LANES)] for k in range(KREG)]
        lane = lax.iota(jnp.int32, LANES)

        dnums = lax.GatherDimensionNumbers(
            offset_dims=(), collapsed_slice_dims=(0,), start_index_map=(0,))

        def lanesum(v):
            for step in (8, 4, 2, 1):
                perm = lane ^ step
                v = v + lax.gather(v, perm[:, None], dnums, slice_sizes=(1,),
                                   mode=lax.GatherScatterMode.PROMISE_IN_BOUNDS)
            return v

        def grp_body(g, _):
            r = jnp.zeros((LANES,), jnp.float32)
            for i in range(LANES):
                n = g * LANES + i
                acc = buf[n, pl.ds(0, LANES)] * h[0]
                for k in range(1, KREG):
                    acc = acc + buf[n, pl.ds(k * LANES, LANES)] * h[k]
                r = jnp.where(lane == i, lanesum(acc), r)
            out_v[j, pl.ds(c * NCHUNK + g * LANES, LANES)] = r
            return 0

        lax.fori_loop(0, NCHUNK // LANES, grp_body, 0)

    def ring_body(k, _):
        s = k % NBUF
        j = k // CPR
        c = k % CPR
        pltpu.make_async_copy(ent_hbm.at[negs_v.at[j, c]],
                              buf_v.at[s], sems.at[s]).wait()
        compute_chunk(j, c, buf_v.at[s])

        kn = k + NBUF

        @pl.when(kn < TOTAL)
        def _():
            pltpu.async_copy(ent_hbm.at[negs_v.at[kn // CPR, kn % CPR]],
                             buf_v.at[s], sems.at[s])

        return 0

    lax.fori_loop(0, TOTAL, ring_body, 0)

    pltpu.sync_copy(out_v, out_hbm.at[pl.ds(base, BPW)])


@functools.partial(jax.jit, static_argnames=())
def _launch(heads, rels, negs3, entity_embedding, relation_embedding):
    mesh = plsc.VectorSubcoreMesh(core_axis_name="c", subcore_axis_name="s")
    return pl.kernel(
        _sc_body,
        out_type=jax.ShapeDtypeStruct((B, NNEG), jnp.float32),
        mesh=mesh,
        scratch_types=[
            pltpu.VMEM((BPW,), jnp.int32),
            pltpu.VMEM((BPW,), jnp.int32),
            pltpu.VMEM((BPW, CPR, NCHUNK), jnp.int32),
            pltpu.VMEM((BPW, DIM), jnp.float32),
            pltpu.VMEM((BPW, DIM), jnp.float32),
            pltpu.VMEM((BPW, NNEG), jnp.float32),
            pltpu.VMEM((NBUF, NCHUNK, DIM), jnp.float32),
            pltpu.SemaphoreType.DMA,
            pltpu.SemaphoreType.DMA,
            pltpu.SemaphoreType.DMA((NBUF,)),
        ],
    )(heads, rels, negs3, entity_embedding, relation_embedding)


def kernel(triples, negs, entity_embedding, relation_embedding):
    heads = triples[:, 0].astype(jnp.int32)
    rels = triples[:, 1].astype(jnp.int32)
    negs3 = negs.astype(jnp.int32).reshape(B, CPR, NCHUNK)
    return _launch(heads, rels, negs3,
                   entity_embedding.astype(jnp.float32),
                   relation_embedding.astype(jnp.float32))

# --- scband reference (transcript-rebuilt; emitter-appended) ---
"""Pipeline reference for scband-kgemodel-79182017069585 (READ-ONLY COPY).

The authoritative reference and input builder live on the scoring server;
editing this copy changes nothing except your own understanding.
"""

import jax, jax.numpy as jnp
import numpy as np

NENTITY = 100000
NRELATION = 1000
DIM = 128
B = 1024
NNEG = 256


def setup_inputs(seed: int = 0) -> dict:
    key = jax.random.key(seed)
    k1, k2, k3, k4 = jax.random.split(key, 4)
    # positive triples: (head, relation, tail); values < 1000 are valid for
    # both the entity table (100000 rows) and the relation table (1000 rows)
    triples = jax.random.randint(k1, (B, 3), 0, 1000)
    # negative tail candidates for 'tail-batch' mode
    negs = jax.random.randint(k2, (B, NNEG), 0, NENTITY)
    entity_embedding = jax.random.normal(k3, (NENTITY, DIM), dtype=jnp.float32) * 0.02
    relation_embedding = jax.random.normal(k4, (NRELATION, DIM), dtype=jnp.float32) * 0.02
    return {
        "triples": triples,
        "negs": negs,
        "entity_embedding": entity_embedding,
        "relation_embedding": relation_embedding,
    }


def reference(triples, negs, entity_embedding, relation_embedding):
    # Faithful translation of KGEModel.tri2emb in 'tail-batch' mode, followed by
    # a DistMult score_func (the standard concrete subclass of this abstract model).
    batch_size, negative_sample_size = negs.shape
    # head_part[:, 0] -> head entity embeddings, unsqueeze(1)
    head_emb = jnp.take(entity_embedding, triples[:, 0], axis=0)[:, None, :]  # [B, 1, d]
    # head_part[:, 1] -> relation embeddings, unsqueeze(1)
    relation_emb = jnp.take(relation_embedding, triples[:, 1], axis=0)[:, None, :]  # [B, 1, d]
    # tail_part.view(-1) -> gather then reshape to [B, NNEG, d]
    tail_emb = jnp.take(entity_embedding, negs.reshape(-1), axis=0).reshape(
        batch_size, negative_sample_size, -1
    )  # [B, NNEG, d]
    # DistMult score: sum(h * r * t, dim=-1)
    score = jnp.sum(head_emb * relation_emb * tail_emb, axis=-1)  # [B, NNEG]
    return score

if __name__ == "__main__":
    import jax
    _d = setup_inputs()
    print(jax.jit(kernel)(*tuple(_d.values())))

</pallas_src>

<mosaic_0001>
#map = affine_map<(d0, d1) -> (0)>
#map1 = affine_map<(d0, d1) -> (0, 0, 0)>
#map2 = affine_map<(d0, d1) -> (0, 0)>
module attributes {stable_mosaic.version = 14 : i64} {
  func.func @_sc_body(%arg0: i32, %arg1: i32, %arg2: memref<1024xi32, #tpu.memory_space<hbm>>, %arg3: memref<1024xi32, #tpu.memory_space<hbm>>, %arg4: memref<1024x2x128xi32, #tpu.memory_space<hbm>>, %arg5: memref<100000x128xf32, #tpu.memory_space<hbm>>, %arg6: memref<1000x128xf32, #tpu.memory_space<hbm>>, %arg7: memref<1024x256xf32, #tpu.memory_space<hbm>>, %arg8: memref<32xi32, #tpu.memory_space<vmem>>, %arg9: memref<32xi32, #tpu.memory_space<vmem>>, %arg10: memref<32x2x128xi32, #tpu.memory_space<vmem>>, %arg11: memref<32x128xf32, #tpu.memory_space<vmem>>, %arg12: memref<32x128xf32, #tpu.memory_space<vmem>>, %arg13: memref<32x256xf32, #tpu.memory_space<vmem>>, %arg14: memref<4x128x128xf32, #tpu.memory_space<vmem>>, %arg15: memref<!tpu.dma_semaphore, #tpu.memory_space<semaphore_mem>>, %arg16: memref<!tpu.dma_semaphore, #tpu.memory_space<semaphore_mem>>, %arg17: memref<4x!tpu.dma_semaphore, #tpu.memory_space<semaphore_mem>>) attributes {dimension_semantics = [#tpu.dimension_semantics<core_parallel>, #tpu.dimension_semantics<subcore_parallel>], iteration_bounds = array<i64: 2, 16>, scalar_prefetch = 0 : i64, scratch_operands = 10 : i64, tpu.core_type = #tpu.core_type<sc_vector_subcore>, window_params = [{transform_indices = #map}, {transform_indices = #map}, {transform_indices = #map1}, {transform_indices = #map2}, {transform_indices = #map2}, {transform_indices = #map2}]} {
    %mul3A = arith.constant 2 : i32
    %mul3A_0 = arith.muli %arg1, %mul3A : i32
    %add3A = arith.addi %mul3A_0, %arg0 : i32
    %mul3A_1 = arith.constant 32 : i32
    %mul3A_2 = arith.muli %add3A, %mul3A_1 : i32
    "tpu.region"() ({
      %run_scoped3A = tpu.sem_alloc : memref<!tpu.dma_semaphore, #tpu.memory_space<semaphore_mem>>
      %dma_start3A_83 = tpu.memref_slice %arg2[%mul3A_2] : memref<1024xi32, #tpu.memory_space<hbm>> -> memref<32xi32, #tpu.memory_space<hbm>>
      %dma_start3A_84 = tpu.memref_slice %arg2[%mul3A_2] : memref<1024xi32, #tpu.memory_space<hbm>> -> memref<32xi32, #tpu.memory_space<hbm>>
      tpu.enqueue_dma source(%dma_start3A_84 : memref<32xi32, #tpu.memory_space<hbm>>) target(%arg8 : memref<32xi32, #tpu.memory_space<vmem>>) target_semaphore(%run_scoped3A : memref<!tpu.dma_semaphore, #tpu.memory_space<semaphore_mem>>)
      %dma_wait3A_85 = tpu.memref_slice %arg2[%mul3A_2] : memref<1024xi32, #tpu.memory_space<hbm>> -> memref<32xi32, #tpu.memory_space<hbm>>
      %dma_wait3A_86 = tpu.memref_slice %arg2[%mul3A_2] : memref<1024xi32, #tpu.memory_space<hbm>> -> memref<32xi32, #tpu.memory_space<hbm>>
      tpu.wait_dma2 semaphore(%run_scoped3A : memref<!tpu.dma_semaphore, #tpu.memory_space<semaphore_mem>>) src(%dma_wait3A_86 : memref<32xi32, #tpu.memory_space<hbm>>) dst(%arg8 : memref<32xi32, #tpu.memory_space<vmem>>)
      tpu.yield
    }) : () -> ()
    "tpu.region"() ({
      %run_scoped3A = tpu.sem_alloc : memref<!tpu.dma_semaphore, #tpu.memory_space<semaphore_mem>>
      %dma_start3A_83 = tpu.memref_slice %arg3[%mul3A_2] : memref<1024xi32, #tpu.memory_space<hbm>> -> memref<32xi32, #tpu.memory_space<hbm>>
      %dma_start3A_84 = tpu.memref_slice %arg3[%mul3A_2] : memref<1024xi32, #tpu.memory_space<hbm>> -> memref<32xi32, #tpu.memory_space<hbm>>
      tpu.enqueue_dma source(%dma_start3A_84 : memref<32xi32, #tpu.memory_space<hbm>>) target(%arg9 : memref<32xi32, #tpu.memory_space<vmem>>) target_semaphore(%run_scoped3A : memref<!tpu.dma_semaphore, #tpu.memory_space<semaphore_mem>>)
      %dma_wait3A_85 = tpu.memref_slice %arg3[%mul3A_2] : memref<1024xi32, #tpu.memory_space<hbm>> -> memref<32xi32, #tpu.memory_space<hbm>>
      %dma_wait3A_86 = tpu.memref_slice %arg3[%mul3A_2] : memref<1024xi32, #tpu.memory_space<hbm>> -> memref<32xi32, #tpu.memory_space<hbm>>
      tpu.wait_dma2 semaphore(%run_scoped3A : memref<!tpu.dma_semaphore, #tpu.memory_space<semaphore_mem>>) src(%dma_wait3A_86 : memref<32xi32, #tpu.memory_space<hbm>>) dst(%arg9 : memref<32xi32, #tpu.memory_space<vmem>>)
      tpu.yield
    }) : () -> ()
    "tpu.region"() ({
      %run_scoped3A = tpu.sem_alloc : memref<!tpu.dma_semaphore, #tpu.memory_space<semaphore_mem>>
      %dma_start3A_83 = arith.constant 0 : i32
      %dma_start3A_84 = arith.constant 0 : i32
      %dma_start3A_85 = tpu.memref_slice %arg4[%mul3A_2, %dma_start3A_83, %dma_start3A_84] : memref<1024x2x128xi32, #tpu.memory_space<hbm>> -> memref<32x2x128xi32, #tpu.memory_space<hbm>>
      %dma_start3A_86 = arith.constant 0 : i32
      %dma_start3A_87 = arith.constant 0 : i32
      %dma_start3A_88 = tpu.memref_slice %arg4[%mul3A_2, %dma_start3A_86, %dma_start3A_87] : memref<1024x2x128xi32, #tpu.memory_space<hbm>> -> memref<32x2x128xi32, #tpu.memory_space<hbm>>
      tpu.enqueue_dma source(%dma_start3A_88 : memref<32x2x128xi32, #tpu.memory_space<hbm>>) target(%arg10 : memref<32x2x128xi32, #tpu.memory_space<vmem>>) target_semaphore(%run_scoped3A : memref<!tpu.dma_semaphore, #tpu.memory_space<semaphore_mem>>)
      %dma_wait3A_89 = arith.constant 0 : i32
      %dma_wait3A_90 = arith.constant 0 : i32
      %dma_wait3A_91 = tpu.memref_slice %arg4[%mul3A_2, %dma_wait3A_89, %dma_wait3A_90] : memref<1024x2x128xi32, #tpu.memory_space<hbm>> -> memref<32x2x128xi32, #tpu.memory_space<hbm>>
      %dma_wait3A_92 = arith.constant 0 : i32
      %dma_wait3A_93 = arith.constant 0 : i32
      %dma_wait3A_94 = tpu.memref_slice %arg4[%mul3A_2, %dma_wait3A_92, %dma_wait3A_93] : memref<1024x2x128xi32, #tpu.memory_space<hbm>> -> memref<32x2x128xi32, #tpu.memory_space<hbm>>
      tpu.wait_dma2 semaphore(%run_scoped3A : memref<!tpu.dma_semaphore, #tpu.memory_space<semaphore_mem>>) src(%dma_wait3A_94 : memref<32x2x128xi32, #tpu.memory_space<hbm>>) dst(%arg10 : memref<32x2x128xi32, #tpu.memory_space<vmem>>)
      tpu.yield
    }) : () -> ()
    %dma_start3A = arith.constant 0 : i32
    %dma_start3A_3 = arith.constant 0 : i32
    %dma_start3A_4 = tpu.memref_slice %arg5[%dma_start3A, %dma_start3A_3] : memref<100000x128xf32, #tpu.memory_space<hbm>> -> memref<100000x128xf32, #tpu.memory_space<hbm>>
    tpu.enqueue_indirect_dma source(%dma_start3A_4 : memref<100000x128xf32, #tpu.memory_space<hbm>>) target(%arg11 : memref<32x128xf32, #tpu.memory_space<vmem>>) offsets(%arg8 : memref<32xi32, #tpu.memory_space<vmem>>) semaphore(%arg15 : memref<!tpu.dma_semaphore, #tpu.memory_space<semaphore_mem>>)
    %dma_start3A_5 = arith.constant 0 : i32
    %dma_start3A_6 = arith.constant 0 : i32
    %dma_start3A_7 = tpu.memref_slice %arg6[%dma_start3A_5, %dma_start3A_6] : memref<1000x128xf32, #tpu.memory_space<hbm>> -> memref<1000x128xf32, #tpu.memory_space<hbm>>
    tpu.enqueue_indirect_dma source(%dma_start3A_7 : memref<1000x128xf32, #tpu.memory_space<hbm>>) target(%arg12 : memref<32x128xf32, #tpu.memory_space<vmem>>) offsets(%arg9 : memref<32xi32, #tpu.memory_space<vmem>>) semaphore(%arg16 : memref<!tpu.dma_semaphore, #tpu.memory_space<semaphore_mem>>)
    %dma_start3A_8 = arith.constant 0 : i32
    %dma_start3A_9 = arith.constant 0 : i32
    %dma_start3A_10 = arith.constant 0 : i32
    %dma_start3A_11 = arith.constant 0 : i32
    %dma_start3A_12 = arith.constant 0 : i32
    %dma_start3A_13 = arith.constant 0 : i32
    %dma_start3A_14 = tpu.memref_slice %arg14[%dma_start3A_10, %dma_start3A_12, %dma_start3A_13] : memref<4x128x128xf32, #tpu.memory_space<vmem>> -> memref<1x128x128xf32, #tpu.memory_space<vmem>>
    %dma_start3A_15 = tpu.memref_squeeze %dma_start3A_14 : memref<1x128x128xf32, #tpu.memory_space<vmem>> -> memref<128x128xf32, #tpu.memory_space<vmem>>
    %dma_start3A_16 = arith.constant 0 : i32
    %dma_start3A_17 = tpu.memref_slice %arg10[%dma_start3A_8, %dma_start3A_9, %dma_start3A_16] : memref<32x2x128xi32, #tpu.memory_space<vmem>> -> memref<1x1x128xi32, #tpu.memory_space<vmem>>
    %dma_start3A_18 = tpu.memref_squeeze %dma_start3A_17 : memref<1x1x128xi32, #tpu.memory_space<vmem>> -> memref<128xi32, #tpu.memory_space<vmem>>
    %dma_start3A_19 = arith.constant 0 : i32
    %dma_start3A_20 = arith.constant 0 : i32
    %dma_start3A_21 = tpu.memref_slice %arg5[%dma_start3A_19, %dma_start3A_20] : memref<100000x128xf32, #tpu.memory_space<hbm>> -> memref<100000x128xf32, #tpu.memory_space<hbm>>
    %dma_start3A_22 = tpu.memref_slice %arg17[%dma_start3A_11] : memref<4x!tpu.dma_semaphore, #tpu.memory_space<semaphore_mem>> -> memref<1x!tpu.dma_semaphore, #tpu.memory_space<semaphore_mem>>
    %dma_start3A_23 = tpu.memref_squeeze %dma_start3A_22 : memref<1x!tpu.dma_semaphore, #tpu.memory_space<semaphore_mem>> -> memref<!tpu.dma_semaphore, #tpu.memory_space<semaphore_mem>>
    tpu.enqueue_indirect_dma source(%dma_start3A_21 : memref<100000x128xf32, #tpu.memory_space<hbm>>) target(%dma_start3A_15 : memref<128x128xf32, #tpu.memory_space<vmem>>) offsets(%dma_start3A_18 : memref<128xi32, #tpu.memory_space<vmem>>) semaphore(%dma_start3A_23 : memref<!tpu.dma_semaphore, #tpu.memory_space<semaphore_mem>>)
    %dma_start3A_24 = arith.constant 0 : i32
    %dma_start3A_25 = arith.constant 1 : i32
    %dma_start3A_26 = arith.constant 1 : i32
    %dma_start3A_27 = arith.constant 1 : i32
    %dma_start3A_28 = arith.constant 0 : i32
    %dma_start3A_29 = arith.constant 0 : i32
    %dma_start3A_30 = tpu.memref_slice %arg14[%dma_start3A_26, %dma_start3A_28, %dma_start3A_29] : memref<4x128x128xf32, #tpu.memory_space<vmem>> -> memref<1x128x128xf32, #tpu.memory_space<vmem>>
    %dma_start3A_31 = tpu.memref_squeeze %dma_start3A_30 : memref<1x128x128xf32, #tpu.memory_space<vmem>> -> memref<128x128xf32, #tpu.memory_space<vmem>>
    %dma_start3A_32 = arith.constant 0 : i32
    %dma_start3A_33 = tpu.memref_slice %arg10[%dma_start3A_24, %dma_start3A_25, %dma_start3A_32] : memref<32x2x128xi32, #tpu.memory_space<vmem>> -> memref<1x1x128xi32, #tpu.memory_space<vmem>>
    %dma_start3A_34 = tpu.memref_squeeze %dma_start3A_33 : memref<1x1x128xi32, #tpu.memory_space<vmem>> -> memref<128xi32, #tpu.memory_space<vmem>>
    %dma_start3A_35 = arith.constant 0 : i32
    %dma_start3A_36 = arith.constant 0 : i32
    %dma_start3A_37 = tpu.memref_slice %arg5[%dma_start3A_35, %dma_start3A_36] : memref<100000x128xf32, #tpu.memory_space<hbm>> -> memref<100000x128xf32, #tpu.memory_space<hbm>>
    %dma_start3A_38 = tpu.memref_slice %arg17[%dma_start3A_27] : memref<4x!tpu.dma_semaphore, #tpu.memory_space<semaphore_mem>> -> memref<1x!tpu.dma_semaphore, #tpu.memory_space<semaphore_mem>>
    %dma_start3A_39 = tpu.memref_squeeze %dma_start3A_38 : memref<1x!tpu.dma_semaphore, #tpu.memory_space<semaphore_mem>> -> memref<!tpu.dma_semaphore, #tpu.memory_space<semaphore_mem>>
    tpu.enqueue_indirect_dma source(%dma_start3A_37 : memref<100000x128xf32, #tpu.memory_space<hbm>>) target(%dma_start3A_31 : memref<128x128xf32, #tpu.memory_space<vmem>>) offsets(%dma_start3A_34 : memref<128xi32, #tpu.memory_space<vmem>>) semaphore(%dma_start3A_39 : memref<!tpu.dma_semaphore, #tpu.memory_space<semaphore_mem>>)
    %dma_start3A_40 = arith.constant 1 : i32
    %dma_start3A_41 = arith.constant 0 : i32
    %dma_start3A_42 = arith.constant 2 : i32
    %dma_start3A_43 = arith.constant 2 : i32
    %dma_start3A_44 = arith.constant 0 : i32
    %dma_start3A_45 = arith.constant 0 : i32
    %dma_start3A_46 = tpu.memref_slice %arg14[%dma_start3A_42, %dma_start3A_44, %dma_start3A_45] : memref<4x128x128xf32, #tpu.memory_space<vmem>> -> memref<1x128x128xf32, #tpu.memory_space<vmem>>
    %dma_start3A_47 = tpu.memref_squeeze %dma_start3A_46 : memref<1x128x128xf32, #tpu.memory_space<vmem>> -> memref<128x128xf32, #tpu.memory_space<vmem>>
    %dma_start3A_48 = arith.constant 0 : i32
    %dma_start3A_49 = tpu.memref_slice %arg10[%dma_start3A_40, %dma_start3A_41, %dma_start3A_48] : memref<32x2x128xi32, #tpu.memory_space<vmem>> -> memref<1x1x128xi32, #tpu.memory_space<vmem>>
    %dma_start3A_50 = tpu.memref_squeeze %dma_start3A_49 : memref<1x1x128xi32, #tpu.memory_space<vmem>> -> memref<128xi32, #tpu.memory_space<vmem>>
    %dma_start3A_51 = arith.constant 0 : i32
    %dma_start3A_52 = arith.constant 0 : i32
    %dma_start3A_53 = tpu.memref_slice %arg5[%dma_start3A_51, %dma_start3A_52] : memref<100000x128xf32, #tpu.memory_space<hbm>> -> memref<100000x128xf32, #tpu.memory_space<hbm>>
    %dma_start3A_54 = tpu.memref_slice %arg17[%dma_start3A_43] : memref<4x!tpu.dma_semaphore, #tpu.memory_space<semaphore_mem>> -> memref<1x!tpu.dma_semaphore, #tpu.memory_space<semaphore_mem>>
    %dma_start3A_55 = tpu.memref_squeeze %dma_start3A_54 : memref<1x!tpu.dma_semaphore, #tpu.memory_space<semaphore_mem>> -> memref<!tpu.dma_semaphore, #tpu.memory_space<semaphore_mem>>
    tpu.enqueue_indirect_dma source(%dma_start3A_53 : memref<100000x128xf32, #tpu.memory_space<hbm>>) target(%dma_start3A_47 : memref<128x128xf32, #tpu.memory_space<vmem>>) offsets(%dma_start3A_50 : memref<128xi32, #tpu.memory_space<vmem>>) semaphore(%dma_start3A_55 : memref<!tpu.dma_semaphore, #tpu.memory_space<semaphore_mem>>)
    %dma_start3A_56 = arith.constant 1 : i32
    %dma_start3A_57 = arith.constant 1 : i32
    %dma_start3A_58 = arith.constant 3 : i32
    %dma_start3A_59 = arith.constant 3 : i32
    %dma_start3A_60 = arith.constant 0 : i32
    %dma_start3A_61 = arith.constant 0 : i32
    %dma_start3A_62 = tpu.memref_slice %arg14[%dma_start3A_58, %dma_start3A_60, %dma_start3A_61] : memref<4x128x128xf32, #tpu.memory_space<vmem>> -> memref<1x128x128xf32, #tpu.memory_space<vmem>>
    %dma_start3A_63 = tpu.memref_squeeze %dma_start3A_62 : memref<1x128x128xf32, #tpu.memory_space<vmem>> -> memref<128x128xf32, #tpu.memory_space<vmem>>
    %dma_start3A_64 = arith.constant 0 : i32
    %dma_start3A_65 = tpu.memref_slice %arg10[%dma_start3A_56, %dma_start3A_57, %dma_start3A_64] : memref<32x2x128xi32, #tpu.memory_space<vmem>> -> memref<1x1x128xi32, #tpu.memory_space<vmem>>
    %dma_start3A_66 = tpu.memref_squeeze %dma_start3A_65 : memref<1x1x128xi32, #tpu.memory_space<vmem>> -> memref<128xi32, #tpu.memory_space<vmem>>
    %dma_start3A_67 = arith.constant 0 : i32
    %dma_start3A_68 = arith.constant 0 : i32
    %dma_start3A_69 = tpu.memref_slice %arg5[%dma_start3A_67, %dma_start3A_68] : memref<100000x128xf32, #tpu.memory_space<hbm>> -> memref<100000x128xf32, #tpu.memory_space<hbm>>
    %dma_start3A_70 = tpu.memref_slice %arg17[%dma_start3A_59] : memref<4x!tpu.dma_semaphore, #tpu.memory_space<semaphore_mem>> -> memref<1x!tpu.dma_semaphore, #tpu.memory_space<semaphore_mem>>
    %dma_start3A_71 = tpu.memref_squeeze %dma_start3A_70 : memref<1x!tpu.dma_semaphore, #tpu.memory_space<semaphore_mem>> -> memref<!tpu.dma_semaphore, #tpu.memory_space<semaphore_mem>>
    tpu.enqueue_indirect_dma source(%dma_start3A_69 : memref<100000x128xf32, #tpu.memory_space<hbm>>) target(%dma_start3A_63 : memref<128x128xf32, #tpu.memory_space<vmem>>) offsets(%dma_start3A_66 : memref<128xi32, #tpu.memory_space<vmem>>) semaphore(%dma_start3A_71 : memref<!tpu.dma_semaphore, #tpu.memory_space<semaphore_mem>>)
    %dma_wait3A = arith.constant 0 : i32
    %dma_wait3A_72 = arith.constant 0 : i32
    %dma_wait3A_73 = tpu.memref_slice %arg5[%dma_wait3A, %dma_wait3A_72] : memref<100000x128xf32, #tpu.memory_space<hbm>> -> memref<100000x128xf32, #tpu.memory_space<hbm>>
    tpu.wait_indirect_dma semaphore(%arg15 : memref<!tpu.dma_semaphore, #tpu.memory_space<semaphore_mem>>) src(%dma_wait3A_73 : memref<100000x128xf32, #tpu.memory_space<hbm>>) dst(%arg11 : memref<32x128xf32, #tpu.memory_space<vmem>>)
    %dma_wait3A_74 = arith.constant 0 : i32
    %dma_wait3A_75 = arith.constant 0 : i32
    %dma_wait3A_76 = tpu.memref_slice %arg6[%dma_wait3A_74, %dma_wait3A_75] : memref<1000x128xf32, #tpu.memory_space<hbm>> -> memref<1000x128xf32, #tpu.memory_space<hbm>>
    tpu.wait_indirect_dma semaphore(%arg16 : memref<!tpu.dma_semaphore, #tpu.memory_space<semaphore_mem>>) src(%dma_wait3A_76 : memref<1000x128xf32, #tpu.memory_space<hbm>>) dst(%arg12 : memref<32x128xf32, #tpu.memory_space<vmem>>)
    %scan3A = arith.constant 0 : i32
    %scan3A_77 = arith.constant 0 : i32
    %scan3A_78 = arith.constant 64 : i32
    %scan3A_79 = arith.addi %scan3A_77, %scan3A_78 : i32
    %scan3A_80 = arith.constant 1 : i32
    %scan3A_81 = scf.for %scan3A_83 = %scan3A_77 to %scan3A_79 step %scan3A_80 iter_args(%scan3A_84 = %scan3A) -> (i32)  : i32 {
      %jit3A = arith.constant 4 : i32
      %eq3A = arith.constant 0 : i32
      %eq3A_85 = arith.cmpi eq, %jit3A, %eq3A : i32
      %jit3A_86 = arith.constant 1 : i32
      %select_n3A = arith.select %eq3A_85, %jit3A_86, %jit3A : i32
      %rem3A = arith.remsi %scan3A_83, %select_n3A : i32
      %ne3A = arith.constant 0 : i32
      %ne3A_87 = arith.cmpi ne, %rem3A, %ne3A : i32
      %lt3A = arith.constant 0 : i32
      %lt3A_88 = arith.cmpi slt, %rem3A, %lt3A : i32
      %lt3A_89 = arith.constant 0 : i32
      %lt3A_90 = arith.cmpi slt, %select_n3A, %lt3A_89 : i32
      %ne3A_91 = arith.xori %lt3A_88, %lt3A_90 : i1
      %and3A = arith.andi %ne3A_91, %ne3A_87 : i1
      %add3A_92 = arith.addi %rem3A, %select_n3A : i32
      %select_n3A_93 = arith.select %and3A, %add3A_92, %rem3A : i32
      %jit3A_94 = arith.constant 2 : i32
      %div3A = arith.divsi %scan3A_83, %jit3A_94 : i32
      %sign3A = arith.constant 0 : i32
      %sign3A_95 = arith.cmpi sgt, %scan3A_83, %sign3A : i32
      %sign3A_96 = arith.extui %sign3A_95 : i1 to i32
      %sign3A_97 = arith.constant 0 : i32
      %sign3A_98 = arith.cmpi slt, %scan3A_83, %sign3A_97 : i32
      %sign3A_99 = arith.extui %sign3A_98 : i1 to i32
      %sign3A_100 = arith.subi %sign3A_96, %sign3A_99 : i32
      %sign3A_101 = arith.constant 0 : i32
      %sign3A_102 = arith.cmpi sgt, %jit3A_94, %sign3A_101 : i32
      %sign3A_103 = arith.extui %sign3A_102 : i1 to i32
      %sign3A_104 = arith.constant 0 : i32
      %sign3A_105 = arith.cmpi slt, %jit3A_94, %sign3A_104 : i32
      %sign3A_106 = arith.extui %sign3A_105 : i1 to i32
      %sign3A_107 = arith.subi %sign3A_103, %sign3A_106 : i32
      %ne3A_108 = arith.cmpi ne, %sign3A_100, %sign3A_107 : i32
      %rem3A_109 = arith.remsi %scan3A_83, %jit3A_94 : i32
      %ne3A_110 = arith.constant 0 : i32
      %ne3A_111 = arith.cmpi ne, %rem3A_109, %ne3A_110 : i32
      %and3A_112 = arith.andi %ne3A_108, %ne3A_111 : i1
      %sub3A = arith.constant 1 : i32
      %sub3A_113 = arith.subi %div3A, %sub3A : i32
      %select_n3A_114 = arith.select %and3A_112, %sub3A_113, %div3A : i32
      %jit3A_115 = arith.constant 2 : i32
      %eq3A_116 = arith.constant 0 : i32
      %eq3A_117 = arith.cmpi eq, %jit3A_115, %eq3A_116 : i32
      %jit3A_118 = arith.constant 1 : i32
      %select_n3A_119 = arith.select %eq3A_117, %jit3A_118, %jit3A_115 : i32
      %rem3A_120 = arith.remsi %scan3A_83, %select_n3A_119 : i32
      %ne3A_121 = arith.constant 0 : i32
      %ne3A_122 = arith.cmpi ne, %rem3A_120, %ne3A_121 : i32
      %lt3A_123 = arith.constant 0 : i32
      %lt3A_124 = arith.cmpi slt, %rem3A_120, %lt3A_123 : i32
      %lt3A_125 = arith.constant 0 : i32
      %lt3A_126 = arith.cmpi slt, %select_n3A_119, %lt3A_125 : i32
      %ne3A_127 = arith.xori %lt3A_124, %lt3A_126 : i1
      %and3A_128 = arith.andi %ne3A_127, %ne3A_122 : i1
      %add3A_129 = arith.addi %rem3A_120, %select_n3A_119 : i32
      %select_n3A_130 = arith.select %and3A_128, %add3A_129, %rem3A_120 : i32
      %dma_wait3A_131 = arith.constant 0 : i32
      %dma_wait3A_132 = arith.constant 0 : i32
      %dma_wait3A_133 = tpu.memref_slice %arg14[%select_n3A_93, %dma_wait3A_131, %dma_wait3A_132] : memref<4x128x128xf32, #tpu.memory_space<vmem>> -> memref<1x128x128xf32, #tpu.memory_space<vmem>>
      %dma_wait3A_134 = tpu.memref_squeeze %dma_wait3A_133 : memref<1x128x128xf32, #tpu.memory_space<vmem>> -> memref<128x128xf32, #tpu.memory_space<vmem>>
      %dma_wait3A_135 = arith.constant 0 : i32
      %dma_wait3A_136 = tpu.memref_slice %arg10[%select_n3A_114, %select_n3A_130, %dma_wait3A_135] : memref<32x2x128xi32, #tpu.memory_space<vmem>> -> memref<1x1x128xi32, #tpu.memory_space<vmem>>
      %dma_wait3A_137 = tpu.memref_squeeze %dma_wait3A_136 : memref<1x1x128xi32, #tpu.memory_space<vmem>> -> memref<128xi32, #tpu.memory_space<vmem>>
      %dma_wait3A_138 = arith.constant 0 : i32
      %dma_wait3A_139 = arith.constant 0 : i32
      %dma_wait3A_140 = tpu.memref_slice %arg5[%dma_wait3A_138, %dma_wait3A_139] : memref<100000x128xf32, #tpu.memory_space<hbm>> -> memref<100000x128xf32, #tpu.memory_space<hbm>>
      %dma_wait3A_141 = tpu.memref_slice %arg17[%select_n3A_93] : memref<4x!tpu.dma_semaphore, #tpu.memory_space<semaphore_mem>> -> memref<1x!tpu.dma_semaphore, #tpu.memory_space<semaphore_mem>>
      %dma_wait3A_142 = tpu.memref_squeeze %dma_wait3A_141 : memref<1x!tpu.dma_semaphore, #tpu.memory_space<semaphore_mem>> -> memref<!tpu.dma_semaphore, #tpu.memory_space<semaphore_mem>>
      tpu.wait_indirect_dma semaphore(%dma_wait3A_142 : memref<!tpu.dma_semaphore, #tpu.memory_space<semaphore_mem>>) src(%dma_wait3A_140 : memref<100000x128xf32, #tpu.memory_space<hbm>>) dst(%dma_wait3A_134 : memref<128x128xf32, #tpu.memory_space<vmem>>)
      %get3A = arith.index_cast %select_n3A_114 : i32 to index
      %get3A_143 = arith.constant 0 : index
      %get3A_144 = tpu.vector_load %arg11[%get3A, %get3A_143] {strides = array<i32>} : memref<32x128xf32, #tpu.memory_space<vmem>>, vector<1x16xf32>,
      %get3A_145 = vector.shape_cast %get3A_144 : vector<1x16xf32> to vector<16xf32>
      %get3A_146 = arith.index_cast %select_n3A_114 : i32 to index
      %get3A_147 = arith.constant 0 : index
      %get3A_148 = tpu.vector_load %arg12[%get3A_146, %get3A_147] {strides = array<i32>} : memref<32x128xf32, #tpu.memory_space<vmem>>, vector<1x16xf32>,
      %get3A_149 = vector.shape_cast %get3A_148 : vector<1x16xf32> to vector<16xf32>
      %mul3A_150 = arith.mulf %get3A_145, %get3A_149 : vector<16xf32>
      %get3A_151 = arith.index_cast %select_n3A_114 : i32 to index
      %get3A_152 = arith.constant 16 : index
      %get3A_153 = tpu.vector_load %arg11[%get3A_151, %get3A_152] {strides = array<i32>} : memref<32x128xf32, #tpu.memory_space<vmem>>, vector<1x16xf32>,
      %get3A_154 = vector.shape_cast %get3A_153 : vector<1x16xf32> to vector<16xf32>
      %get3A_155 = arith.index_cast %select_n3A_114 : i32 to index
      %get3A_156 = arith.constant 16 : index
      %get3A_157 = tpu.vector_load %arg12[%get3A_155, %get3A_156] {strides = array<i32>} : memref<32x128xf32, #tpu.memory_space<vmem>>, vector<1x16xf32>,
      %get3A_158 = vector.shape_cast %get3A_157 : vector<1x16xf32> to vector<16xf32>
      %mul3A_159 = arith.mulf %get3A_154, %get3A_158 : vector<16xf32>
      %get3A_160 = arith.index_cast %select_n3A_114 : i32 to index
      %get3A_161 = arith.constant 32 : index
      %get3A_162 = tpu.vector_load %arg11[%get3A_160, %get3A_161] {strides = array<i32>} : memref<32x128xf32, #tpu.memory_space<vmem>>, vector<1x16xf32>,
      %get3A_163 = vector.shape_cast %get3A_162 : vector<1x16xf32> to vector<16xf32>
      %get3A_164 = arith.index_cast %select_n3A_114 : i32 to index
      %get3A_165 = arith.constant 32 : index
      %get3A_166 = tpu.vector_load %arg12[%get3A_164, %get3A_165] {strides = array<i32>} : memref<32x128xf32, #tpu.memory_space<vmem>>, vector<1x16xf32>,
      %get3A_167 = vector.shape_cast %get3A_166 : vector<1x16xf32> to vector<16xf32>
      %mul3A_168 = arith.mulf %get3A_163, %get3A_167 : vector<16xf32>
      %get3A_169 = arith.index_cast %select_n3A_114 : i32 to index
      %get3A_170 = arith.constant 48 : index
      %get3A_171 = tpu.vector_load %arg11[%get3A_169, %get3A_170] {strides = array<i32>} : memref<32x128xf32, #tpu.memory_space<vmem>>, vector<1x16xf32>,
      %get3A_172 = vector.shape_cast %get3A_171 : vector<1x16xf32> to vector<16xf32>
      %get3A_173 = arith.index_cast %select_n3A_114 : i32 to index
      %get3A_174 = arith.constant 48 : index
      %get3A_175 = tpu.vector_load %arg12[%get3A_173, %get3A_174] {strides = array<i32>} : memref<32x128xf32, #tpu.memory_space<vmem>>, vector<1x16xf32>,
      %get3A_176 = vector.shape_cast %get3A_175 : vector<1x16xf32> to vector<16xf32>
      %mul3A_177 = arith.mulf %get3A_172, %get3A_176 : vector<16xf32>
      %get3A_178 = arith.index_cast %select_n3A_114 : i32 to index
      %get3A_179 = arith.constant 64 : index
      %get3A_180 = tpu.vector_load %arg11[%get3A_178, %get3A_179] {strides = array<i32>} : memref<32x128xf32, #tpu.memory_space<vmem>>, vector<1x16xf32>,
      %get3A_181 = vector.shape_cast %get3A_180 : vector<1x16xf32> to vector<16xf32>
      %get3A_182 = arith.index_cast %select_n3A_114 : i32 to index
      %get3A_183 = arith.constant 64 : index
      %get3A_184 = tpu.vector_load %arg12[%get3A_182, %get3A_183] {strides = array<i32>} : memref<32x128xf32, #tpu.memory_space<vmem>>, vector<1x16xf32>,
      %get3A_185 = vector.shape_cast %get3A_184 : vector<1x16xf32> to vector<16xf32>
      %mul3A_186 = arith.mulf %get3A_181, %get3A_185 : vector<16xf32>
      %get3A_187 = arith.index_cast %select_n3A_114 : i32 to index
      %get3A_188 = arith.constant 80 : index
      %get3A_189 = tpu.vector_load %arg11[%get3A_187, %get3A_188] {strides = array<i32>} : memref<32x128xf32, #tpu.memory_space<vmem>>, vector<1x16xf32>,
      %get3A_190 = vector.shape_cast %get3A_189 : vector<1x16xf32> to vector<16xf32>
      %get3A_191 = arith.index_cast %select_n3A_114 : i32 to index
      %get3A_192 = arith.constant 80 : index
      %get3A_193 = tpu.vector_load %arg12[%get3A_191, %get3A_192] {strides = array<i32>} : memref<32x128xf32, #tpu.memory_space<vmem>>, vector<1x16xf32>,
      %get3A_194 = vector.shape_cast %get3A_193 : vector<1x16xf32> to vector<16xf32>
      %mul3A_195 = arith.mulf %get3A_190, %get3A_194 : vector<16xf32>
      %get3A_196 = arith.index_cast %select_n3A_114 : i32 to index
      %get3A_197 = arith.constant 96 : index
      %get3A_198 = tpu.vector_load %arg11[%get3A_196, %get3A_197] {strides = array<i32>} : memref<32x128xf32, #tpu.memory_space<vmem>>, vector<1x16xf32>,
      %get3A_199 = vector.shape_cast %get3A_198 : vector<1x16xf32> to vector<16xf32>
      %get3A_200 = arith.index_cast %select_n3A_114 : i32 to index
      %get3A_201 = arith.constant 96 : index
      %get3A_202 = tpu.vector_load %arg12[%get3A_200, %get3A_201] {strides = array<i32>} : memref<32x128xf32, #tpu.memory_space<vmem>>, vector<1x16xf32>,
      %get3A_203 = vector.shape_cast %get3A_202 : vector<1x16xf32> to vector<16xf32>
      %mul3A_204 = arith.mulf %get3A_199, %get3A_203 : vector<16xf32>
      %get3A_205 = arith.index_cast %select_n3A_114 : i32 to index
      %get3A_206 = arith.constant 112 : index
      %get3A_207 = tpu.vector_load %arg11[%get3A_205, %get3A_206] {strides = array<i32>} : memref<32x128xf32, #tpu.memory_space<vmem>>, vector<1x16xf32>,
      %get3A_208 = vector.shape_cast %get3A_207 : vector<1x16xf32> to vector<16xf32>
      %get3A_209 = arith.index_cast %select_n3A_114 : i32 to index
      %get3A_210 = arith.constant 112 : index
      %get3A_211 = tpu.vector_load %arg12[%get3A_209, %get3A_210] {strides = array<i32>} : memref<32x128xf32, #tpu.memory_space<vmem>>, vector<1x16xf32>,
      %get3A_212 = vector.shape_cast %get3A_211 : vector<1x16xf32> to vector<16xf32>
      %mul3A_213 = arith.mulf %get3A_208, %get3A_212 : vector<16xf32>
      %iota3A = tpu.iota {dimensions = array<i32: 0>} : vector<16xi32>
      %scan3A_214 = arith.constant 0 : i32
      %scan3A_215 = arith.constant 0 : i32
      %scan3A_216 = arith.constant 8 : i32
      %scan3A_217 = arith.addi %scan3A_215, %scan3A_216 : i32
      %scan3A_218 = arith.constant 1 : i32
      %scan3A_219 = scf.for %scan3A_227 = %scan3A_215 to %scan3A_217 step %scan3A_218 iter_args(%scan3A_228 = %scan3A_214) -> (i32)  : i32 {
        %broadcast_in_dim3A = arith.constant 0.000000e+00 : f32
        %broadcast_in_dim3A_229 = vector.broadcast %broadcast_in_dim3A : f32 to vector<16xf32>
        %mul3A_230 = arith.constant 16 : i32
        %mul3A_231 = arith.muli %scan3A_227, %mul3A_230 : i32
        %add3A_232 = arith.constant 0 : i32
        %add3A_233 = arith.addi %mul3A_231, %add3A_232 : i32
        %get3A_234 = arith.constant 0 : i32
        %get3A_235 = arith.constant 0 : i32
        %get3A_236 = tpu.memref_slice %arg14[%select_n3A_93, %get3A_234, %get3A_235] : memref<4x128x128xf32, #tpu.memory_space<vmem>> -> memref<1x128x128xf32, #tpu.memory_space<vmem>>
        %get3A_237 = tpu.memref_squeeze %get3A_236 : memref<1x128x128xf32, #tpu.memory_space<vmem>> -> memref<128x128xf32, #tpu.memory_space<vmem>>
        %get3A_238 = arith.index_cast %add3A_233 : i32 to index
        %get3A_239 = arith.constant 0 : index
        %get3A_240 = tpu.vector_load %get3A_237[%get3A_238, %get3A_239] {strides = array<i32>} : memref<128x128xf32, #tpu.memory_space<vmem>>, vector<1x16xf32>,
        %get3A_241 = vector.shape_cast %get3A_240 : vector<1x16xf32> to vector<16xf32>
        %mul3A_242 = arith.mulf %get3A_241, %mul3A_150 : vector<16xf32>
        %get3A_243 = arith.constant 0 : i32
        %get3A_244 = arith.constant 0 : i32
        %get3A_245 = tpu.memref_slice %arg14[%select_n3A_93, %get3A_243, %get3A_244] : memref<4x128x128xf32, #tpu.memory_space<vmem>> -> memref<1x128x128xf32, #tpu.memory_space<vmem>>
        %get3A_246 = tpu.memref_squeeze %get3A_245 : memref<1x128x128xf32, #tpu.memory_space<vmem>> -> memref<128x128xf32, #tpu.memory_space<vmem>>
        %get3A_247 = arith.index_cast %add3A_233 : i32 to index
        %get3A_248 = arith.constant 16 : index
        %get3A_249 = tpu.vector_load %get3A_246[%get3A_247, %get3A_248] {strides = array<i32>} : memref<128x128xf32, #tpu.memory_space<vmem>>, vector<1x16xf32>,
        %get3A_250 = vector.shape_cast %get3A_249 : vector<1x16xf32> to vector<16xf32>
        %mul3A_251 = arith.mulf %get3A_250, %mul3A_159 : vector<16xf32>
        %add3A_252 = arith.addf %mul3A_242, %mul3A_251 : vector<16xf32>
        %get3A_253 = arith.constant 0 : i32
        %get3A_254 = arith.constant 0 : i32
        %get3A_255 = tpu.memref_slice %arg14[%select_n3A_93, %get3A_253, %get3A_254] : memref<4x128x128xf32, #tpu.memory_space<vmem>> -> memref<1x128x128xf32, #tpu.memory_space<vmem>>
        %get3A_256 = tpu.memref_squeeze %get3A_255 : memref<1x128x128xf32, #tpu.memory_space<vmem>> -> memref<128x128xf32, #tpu.memory_space<vmem>>
        %get3A_257 = arith.index_cast %add3A_233 : i32 to index
        %get3A_258 = arith.constant 32 : index
        %get3A_259 = tpu.vector_load %get3A_256[%get3A_257, %get3A_258] {strides = array<i32>} : memref<128x128xf32, #tpu.memory_space<vmem>>, vector<1x16xf32>,
        %get3A_260 = vector.shape_cast %get3A_259 : vector<1x16xf32> to vector<16xf32>
        %mul3A_261 = arith.mulf %get3A_260, %mul3A_168 : vector<16xf32>
        %add3A_262 = arith.addf %add3A_252, %mul3A_261 : vector<16xf32>
        %get3A_263 = arith.constant 0 : i32
        %get3A_264 = arith.constant 0 : i32
        %get3A_265 = tpu.memref_slice %arg14[%select_n3A_93, %get3A_263, %get3A_264] : memref<4x128x128xf32, #tpu.memory_space<vmem>> -> memref<1x128x128xf32, #tpu.memory_space<vmem>>
        %get3A_266 = tpu.memref_squeeze %get3A_265 : memref<1x128x128xf32, #tpu.memory_space<vmem>> -> memref<128x128xf32, #tpu.memory_space<vmem>>
        %get3A_267 = arith.index_cast %add3A_233 : i32 to index
        %get3A_268 = arith.constant 48 : index
        %get3A_269 = tpu.vector_load %get3A_266[%get3A_267, %get3A_268] {strides = array<i32>} : memref<128x128xf32, #tpu.memory_space<vmem>>, vector<1x16xf32>,
        %get3A_270 = vector.shape_cast %get3A_269 : vector<1x16xf32> to vector<16xf32>
        %mul3A_271 = arith.mulf %get3A_270, %mul3A_177 : vector<16xf32>
        %add3A_272 = arith.addf %add3A_262, %mul3A_271 : vector<16xf32>
        %get3A_273 = arith.constant 0 : i32
        %get3A_274 = arith.constant 0 : i32
        %get3A_275 = tpu.memref_slice %arg14[%select_n3A_93, %get3A_273, %get3A_274] : memref<4x128x128xf32, #tpu.memory_space<vmem>> -> memref<1x128x128xf32, #tpu.memory_space<vmem>>
        %get3A_276 = tpu.memref_squeeze %get3A_275 : memref<1x128x128xf32, #tpu.memory_space<vmem>> -> memref<128x128xf32, #tpu.memory_space<vmem>>
        %get3A_277 = arith.index_cast %add3A_233 : i32 to index
        %get3A_278 = arith.constant 64 : index
        %get3A_279 = tpu.vector_load %get3A_276[%get3A_277, %get3A_278] {strides = array<i32>} : memref<128x128xf32, #tpu.memory_space<vmem>>, vector<1x16xf32>,
        %get3A_280 = vector.shape_cast %get3A_279 : vector<1x16xf32> to vector<16xf32>
        %mul3A_281 = arith.mulf %get3A_280, %mul3A_186 : vector<16xf32>
        %add3A_282 = arith.addf %add3A_272, %mul3A_281 : vector<16xf32>
        %get3A_283 = arith.constant 0 : i32
        %get3A_284 = arith.constant 0 : i32
        %get3A_285 = tpu.memref_slice %arg14[%select_n3A_93, %get3A_283, %get3A_284] : memref<4x128x128xf32, #tpu.memory_space<vmem>> -> memref<1x128x128xf32, #tpu.memory_space<vmem>>
        %get3A_286 = tpu.memref_squeeze %get3A_285 : memref<1x128x128xf32, #tpu.memory_space<vmem>> -> memref<128x128xf32, #tpu.memory_space<vmem>>
        %get3A_287 = arith.index_cast %add3A_233 : i32 to index
        %get3A_288 = arith.constant 80 : index
        %get3A_289 = tpu.vector_load %get3A_286[%get3A_287, %get3A_288] {strides = array<i32>} : memref<128x128xf32, #tpu.memory_space<vmem>>, vector<1x16xf32>,
        %get3A_290 = vector.shape_cast %get3A_289 : vector<1x16xf32> to vector<16xf32>
        %mul3A_291 = arith.mulf %get3A_290, %mul3A_195 : vector<16xf32>
        %add3A_292 = arith.addf %add3A_282, %mul3A_291 : vector<16xf32>
        %get3A_293 = arith.constant 0 : i32
        %get3A_294 = arith.constant 0 : i32
        %get3A_295 = tpu.memref_slice %arg14[%select_n3A_93, %get3A_293, %get3A_294] : memref<4x128x128xf32, #tpu.memory_space<vmem>> -> memref<1x128x128xf32, #tpu.memory_space<vmem>>
        %get3A_296 = tpu.memref_squeeze %get3A_295 : memref<1x128x128xf32, #tpu.memory_space<vmem>> -> memref<128x128xf32, #tpu.memory_space<vmem>>
        %get3A_297 = arith.index_cast %add3A_233 : i32 to index
        %get3A_298 = arith.constant 96 : index
        %get3A_299 = tpu.vector_load %get3A_296[%get3A_297, %get3A_298] {strides = array<i32>} : memref<128x128xf32, #tpu.memory_space<vmem>>, vector<1x16xf32>,
        %get3A_300 = vector.shape_cast %get3A_299 : vector<1x16xf32> to vector<16xf32>
        %mul3A_301 = arith.mulf %get3A_300, %mul3A_204 : vector<16xf32>
        %add3A_302 = arith.addf %add3A_292, %mul3A_301 : vector<16xf32>
        %get3A_303 = arith.constant 0 : i32
        %get3A_304 = arith.constant 0 : i32
        %get3A_305 = tpu.memref_slice %arg14[%select_n3A_93, %get3A_303, %get3A_304] : memref<4x128x128xf32, #tpu.memory_space<vmem>> -> memref<1x128x128xf32, #tpu.memory_space<vmem>>
        %get3A_306 = tpu.memref_squeeze %get3A_305 : memref<1x128x128xf32, #tpu.memory_space<vmem>> -> memref<128x128xf32, #tpu.memory_space<vmem>>
        %get3A_307 = arith.index_cast %add3A_233 : i32 to index
        %get3A_308 = arith.constant 112 : index
        %get3A_309 = tpu.vector_load %get3A_306[%get3A_307, %get3A_308] {strides = array<i32>} : memref<128x128xf32, #tpu.memory_space<vmem>>, vector<1x16xf32>,
        %get3A_310 = vector.shape_cast %get3A_309 : vector<1x16xf32> to vector<16xf32>
        %mul3A_311 = arith.mulf %get3A_310, %mul3A_213 : vector<16xf32>
        %add3A_312 = arith.addf %add3A_302, %mul3A_311 : vector<16xf32>
        %eq3A_313 = arith.constant 0 : i32
        %eq3A_314 = vector.broadcast %eq3A_313 : i32 to vector<16xi32>
        %eq3A_315 = arith.cmpi eq, %iota3A, %eq3A_314 : vector<16xi32>
        %xor3A = arith.constant 8 : i32
        %xor3A_316 = vector.broadcast %xor3A : i32 to vector<16xi32>
        %xor3A_317 = arith.xori %iota3A, %xor3A_316 : vector<16xi32>
        %broadcast_in_dim3A_318 = vector.shape_cast %xor3A_317 : vector<16xi32> to vector<16x1xi32>
        %gather3A = vector.shape_cast %broadcast_in_dim3A_318 : vector<16x1xi32> to vector<16xi32>
        %gather3A_319 = tpu.dynamic_gather %add3A_312[%gather3A] in [0] : vector<16xf32>, vector<16xi32> -> vector<16xf32>
        %add3A_320 = arith.addf %add3A_312, %gather3A_319 : vector<16xf32>
        %xor3A_321 = arith.constant 4 : i32
        %xor3A_322 = vector.broadcast %xor3A_321 : i32 to vector<16xi32>
        %xor3A_323 = arith.xori %iota3A, %xor3A_322 : vector<16xi32>
        %broadcast_in_dim3A_324 = vector.shape_cast %xor3A_323 : vector<16xi32> to vector<16x1xi32>
        %gather3A_325 = vector.shape_cast %broadcast_in_dim3A_324 : vector<16x1xi32> to vector<16xi32>
        %gather3A_326 = tpu.dynamic_gather %add3A_320[%gather3A_325] in [0] : vector<16xf32>, vector<16xi32> -> vector<16xf32>
        %add3A_327 = arith.addf %add3A_320, %gather3A_326 : vector<16xf32>
        %xor3A_328 = arith.constant 2 : i32
        %xor3A_329 = vector.broadcast %xor3A_328 : i32 to vector<16xi32>
        %xor3A_330 = arith.xori %iota3A, %xor3A_329 : vector<16xi32>
        %broadcast_in_dim3A_331 = vector.shape_cast %xor3A_330 : vector<16xi32> to vector<16x1xi32>
        %gather3A_332 = vector.shape_cast %broadcast_in_dim3A_331 : vector<16x1xi32> to vector<16xi32>
        %gather3A_333 = tpu.dynamic_gather %add3A_327[%gather3A_332] in [0] : vector<16xf32>, vector<16xi32> -> vector<16xf32>
        %add3A_334 = arith.addf %add3A_327, %gather3A_333 : vector<16xf32>
        %xor3A_335 = arith.constant 1 : i32
        %xor3A_336 = vector.broadcast %xor3A_335 : i32 to vector<16xi32>
        %xor3A_337 = arith.xori %iota3A, %xor3A_336 : vector<16xi32>
        %broadcast_in_dim3A_338 = vector.shape_cast %xor3A_337 : vector<16xi32> to vector<16x1xi32>
        %gather3A_339 = vector.shape_cast %broadcast_in_dim3A_338 : vector<16x1xi32> to vector<16xi32>
        %gather3A_340 = tpu.dynamic_gather %add3A_334[%gather3A_339] in [0] : vector<16xf32>, vector<16xi32> -> vector<16xf32>
        %add3A_341 = arith.addf %add3A_334, %gather3A_340 : vector<16xf32>
        %select_n3A_342 = arith.select %eq3A_315, %add3A_341, %broadcast_in_dim3A_229 : vector<16xi1>, vector<16xf32>
        %mul3A_343 = arith.constant 16 : i32
        %mul3A_344 = arith.muli %scan3A_227, %mul3A_343 : i32
        %add3A_345 = arith.constant 1 : i32
        %add3A_346 = arith.addi %mul3A_344, %add3A_345 : i32
        %get3A_347 = arith.constant 0 : i32
        %get3A_348 = arith.constant 0 : i32
        %get3A_349 = tpu.memref_slice %arg14[%select_n3A_93, %get3A_347, %get3A_348] : memref<4x128x128xf32, #tpu.memory_space<vmem>> -> memref<1x128x128xf32, #tpu.memory_space<vmem>>
        %get3A_350 = tpu.memref_squeeze %get3A_349 : memref<1x128x128xf32, #tpu.memory_space<vmem>> -> memref<128x128xf32, #tpu.memory_space<vmem>>
        %get3A_351 = arith.index_cast %add3A_346 : i32 to index
        %get3A_352 = arith.constant 0 : index
        %get3A_353 = tpu.vector_load %get3A_350[%get3A_351, %get3A_352] {strides = array<i32>} : memref<128x128xf32, #tpu.memory_space<vmem>>, vector<1x16xf32>,
        %get3A_354 = vector.shape_cast %get3A_353 : vector<1x16xf32> to vector<16xf32>
        %mul3A_355 = arith.mulf %get3A_354, %mul3A_150 : vector<16xf32>
        %get3A_356 = arith.constant 0 : i32
        %get3A_357 = arith.constant 0 : i32
        %get3A_358 = tpu.memref_slice %arg14[%select_n3A_93, %get3A_356, %get3A_357] : memref<4x128x128xf32, #tpu.memory_space<vmem>> -> memref<1x128x128xf32, #tpu.memory_space<vmem>>
        %get3A_359 = tpu.memref_squeeze %get3A_358 : memref<1x128x128xf32, #tpu.memory_space<vmem>> -> memref<128x128xf32, #tpu.memory_space<vmem>>
        %get3A_360 = arith.index_cast %add3A_346 : i32 to index
        %get3A_361 = arith.constant 16 : index
        %get3A_362 = tpu.vector_load %get3A_359[%get3A_360, %get3A_361] {strides = array<i32>} : memref<128x128xf32, #tpu.memory_space<vmem>>, vector<1x16xf32>,
        %get3A_363 = vector.shape_cast %get3A_362 : vector<1x16xf32> to vector<16xf32>
        %mul3A_364 = arith.mulf %get3A_363, %mul3A_159 : vector<16xf32>
        %add3A_365 = arith.addf %mul3A_355, %mul3A_364 : vector<16xf32>
        %get3A_366 = arith.constant 0 : i32
        %get3A_367 = arith.constant 0 : i32
        %get3A_368 = tpu.memref_slice %arg14[%select_n3A_93, %get3A_366, %get3A_367] : memref<4x128x128xf32, #tpu.memory_space<vmem>> -> memref<1x128x128xf32, #tpu.memory_space<vmem>>
        %get3A_369 = tpu.memref_squeeze %get3A_368 : memref<1x128x128xf32, #tpu.memory_space<vmem>> -> memref<128x128xf32, #tpu.memory_space<vmem>>
        %get3A_370 = arith.index_cast %add3A_346 : i32 to index
        %get3A_371 = arith.constant 32 : index
        %get3A_372 = tpu.vector_load %get3A_369[%get3A_370, %get3A_371] {strides = array<i32>} : memref<128x128xf32, #tpu.memory_space<vmem>>, vector<1x16xf32>,
        %get3A_373 = vector.shape_cast %get3A_372 : vector<1x16xf32> to vector<16xf32>
        %mul3A_374 = arith.mulf %get3A_373, %mul3A_168 : vector<16xf32>
        %add3A_375 = arith.addf %add3A_365, %mul3A_374 : vector<16xf32>
        %get3A_376 = arith.constant 0 : i32
        %get3A_377 = arith.constant 0 : i32
        %get3A_378 = tpu.memref_slice %arg14[%select_n3A_93, %get3A_376, %get3A_377] : memref<4x128x128xf32, #tpu.memory_space<vmem>> -> memref<1x128x128xf32, #tpu.memory_space<vmem>>
        %get3A_379 = tpu.memref_squeeze %get3A_378 : memref<1x128x128xf32, #tpu.memory_space<vmem>> -> memref<128x128xf32, #tpu.memory_space<vmem>>
        %get3A_380 = arith.index_cast %add3A_346 : i32 to index
        %get3A_381 = arith.constant 48 : index
        %get3A_382 = tpu.vector_load %get3A_379[%get3A_380, %get3A_381] {strides = array<i32>} : memref<128x128xf32, #tpu.memory_space<vmem>>, vector<1x16xf32>,
        %get3A_383 = vector.shape_cast %get3A_382 : vector<1x16xf32> to vector<16xf32>
        %mul3A_384 = arith.mulf %get3A_383, %mul3A_177 : vector<16xf32>
        %add3A_385 = arith.addf %add3A_375, %mul3A_384 : vector<16xf32>
        %get3A_386 = arith.constant 0 : i32
        %get3A_387 = arith.constant 0 : i32
        %get3A_388 = tpu.memref_slice %arg14[%select_n3A_93, %get3A_386, %get3A_387] : memref<4x128x128xf32, #tpu.memory_space<vmem>> -> memref<1x128x128xf32, #tpu.memory_space<vmem>>
        %get3A_389 = tpu.memref_squeeze %get3A_388 : memref<1x128x128xf32, #tpu.memory_space<vmem>> -> memref<128x128xf32, #tpu.memory_space<vmem>>
        %get3A_390 = arith.index_cast %add3A_346 : i32 to index
        %get3A_391 = arith.constant 64 : index
        %get3A_392 = tpu.vector_load %get3A_389[%get3A_390, %get3A_391] {strides = array<i32>} : memref<128x128xf32, #tpu.memory_space<vmem>>, vector<1x16xf32>,
        %get3A_393 = vector.shape_cast %get3A_392 : vector<1x16xf32> to vector<16xf32>
        %mul3A_394 = arith.mulf %get3A_393, %mul3A_186 : vector<16xf32>
        %add3A_395 = arith.addf %add3A_385, %mul3A_394 : vector<16xf32>
        %get3A_396 = arith.constant 0 : i32
        %get3A_397 = arith.constant 0 : i32
        %get3A_398 = tpu.memref_slice %arg14[%select_n3A_93, %get3A_396, %get3A_397] : memref<4x128x128xf32, #tpu.memory_space<vmem>> -> memref<1x128x128xf32, #tpu.memory_space<vmem>>
        %get3A_399 = tpu.memref_squeeze %get3A_398 : memref<1x128x128xf32, #tpu.memory_space<vmem>> -> memref<128x128xf32, #tpu.memory_space<vmem>>
        %get3A_400 = arith.index_cast %add3A_346 : i32 to index
        %get3A_401 = arith.constant 80 : index
        %get3A_402 = tpu.vector_load %get3A_399[%get3A_400, %get3A_401] {strides = array<i32>} : memref<128x128xf32, #tpu.memory_space<vmem>>, vector<1x16xf32>,
        %get3A_403 = vector.shape_cast %get3A_402 : vector<1x16xf32> to vector<16xf32>
        %mul3A_404 = arith.mulf %get3A_403, %mul3A_195 : vector<16xf32>
        %add3A_405 = arith.addf %add3A_395, %mul3A_404 : vector<16xf32>
        %get3A_406 = arith.constant 0 : i32
        %get3A_407 = arith.constant 0 : i32
        %get3A_408 = tpu.memref_slice %arg14[%select_n3A_93, %get3A_406, %get3A_407] : memref<4x128x128xf32, #tpu.memory_space<vmem>> -> memref<1x128x128xf32, #tpu.memory_space<vmem>>
        %get3A_409 = tpu.memref_squeeze %get3A_408 : memref<1x128x128xf32, #tpu.memory_space<vmem>> -> memref<128x128xf32, #tpu.memory_space<vmem>>
        %get3A_410 = arith.index_cast %add3A_346 : i32 to index
        %get3A_411 = arith.constant 96 : index
        %get3A_412 = tpu.vector_load %get3A_409[%get3A_410, %get3A_411] {strides = array<i32>} : memref<128x128xf32, #tpu.memory_space<vmem>>, vector<1x16xf32>,
        %get3A_413 = vector.shape_cast %get3A_412 : vector<1x16xf32> to vector<16xf32>
        %mul3A_414 = arith.mulf %get3A_413, %mul3A_204 : vector<16xf32>
        %add3A_415 = arith.addf %add3A_405, %mul3A_414 : vector<16xf32>
        %get3A_416 = arith.constant 0 : i32
        %get3A_417 = arith.constant 0 : i32
        %get3A_418 = tpu.memref_slice %arg14[%select_n3A_93, %get3A_416, %get3A_417] : memref<4x128x128xf32, #tpu.memory_space<vmem>> -> memref<1x128x128xf32, #tpu.memory_space<vmem>>
        %get3A_419 = tpu.memref_squeeze %get3A_418 : memref<1x128x128xf32, #tpu.memory_space<vmem>> -> memref<128x128xf32, #tpu.memory_space<vmem>>
        %get3A_420 = arith.index_cast %add3A_346 : i32 to index
        %get3A_421 = arith.constant 112 : index
        %get3A_422 = tpu.vector_load %get3A_419[%get3A_420, %get3A_421] {strides = array<i32>} : memref<128x128xf32, #tpu.memory_space<vmem>>, vector<1x16xf32>,
        %get3A_423 = vector.shape_cast %get3A_422 : vector<1x16xf32> to vector<16xf32>
        %mul3A_424 = arith.mulf %get3A_423, %mul3A_213 : vector<16xf32>
        %add3A_425 = arith.addf %add3A_415, %mul3A_424 : vector<16xf32>
        %eq3A_426 = arith.constant 1 : i32
        %eq3A_427 = vector.broadcast %eq3A_426 : i32 to vector<16xi32>
        %eq3A_428 = arith.cmpi eq, %iota3A, %eq3A_427 : vector<16xi32>
        %xor3A_429 = arith.constant 8 : i32
        %xor3A_430 = vector.broadcast %xor3A_429 : i32 to vector<16xi32>
        %xor3A_431 = arith.xori %iota3A, %xor3A_430 : vector<16xi32>
        %broadcast_in_dim3A_432 = vector.shape_cast %xor3A_431 : vector<16xi32> to vector<16x1xi32>
        %gather3A_433 = vector.shape_cast %broadcast_in_dim3A_432 : vector<16x1xi32> to vector<16xi32>
        %gather3A_434 = tpu.dynamic_gather %add3A_425[%gather3A_433] in [0] : vector<16xf32>, vector<16xi32> -> vector<16xf32>
        %add3A_435 = arith.addf %add3A_425, %gather3A_434 : vector<16xf32>
        %xor3A_436 = arith.constant 4 : i32
        %xor3A_437 = vector.broadcast %xor3A_436 : i32 to vector<16xi32>
        %xor3A_438 = arith.xori %iota3A, %xor3A_437 : vector<16xi32>
        %broadcast_in_dim3A_439 = vector.shape_cast %xor3A_438 : vector<16xi32> to vector<16x1xi32>
        %gather3A_440 = vector.shape_cast %broadcast_in_dim3A_439 : vector<16x1xi32> to vector<16xi32>
        %gather3A_441 = tpu.dynamic_gather %add3A_435[%gather3A_440] in [0] : vector<16xf32>, vector<16xi32> -> vector<16xf32>
        %add3A_442 = arith.addf %add3A_435, %gather3A_441 : vector<16xf32>
        %xor3A_443 = arith.constant 2 : i32
        %xor3A_444 = vector.broadcast %xor3A_443 : i32 to vector<16xi32>
        %xor3A_445 = arith.xori %iota3A, %xor3A_444 : vector<16xi32>
        %broadcast_in_dim3A_446 = vector.shape_cast %xor3A_445 : vector<16xi32> to vector<16x1xi32>
        %gather3A_447 = vector.shape_cast %broadcast_in_dim3A_446 : vector<16x1xi32> to vector<16xi32>
        %gather3A_448 = tpu.dynamic_gather %add3A_442[%gather3A_447] in [0] : vector<16xf32>, vector<16xi32> -> vector<16xf32>
        %add3A_449 = arith.addf %add3A_442, %gather3A_448 : vector<16xf32>
        %xor3A_450 = arith.constant 1 : i32
        %xor3A_451 = vector.broadcast %xor3A_450 : i32 to vector<16xi32>
        %xor3A_452 = arith.xori %iota3A, %xor3A_451 : vector<16xi32>
        %broadcast_in_dim3A_453 = vector.shape_cast %xor3A_452 : vector<16xi32> to vector<16x1xi32>
        %gather3A_454 = vector.shape_cast %broadcast_in_dim3A_453 : vector<16x1xi32> to vector<16xi32>
        %gather3A_455 = tpu.dynamic_gather %add3A_449[%gather3A_454] in [0] : vector<16xf32>, vector<16xi32> -> vector<16xf32>
        %add3A_456 = arith.addf %add3A_449, %gather3A_455 : vector<16xf32>
        %select_n3A_457 = arith.select %eq3A_428, %add3A_456, %select_n3A_342 : vector<16xi1>, vector<16xf32>
        %mul3A_458 = arith.constant 16 : i32
        %mul3A_459 = arith.muli %scan3A_227, %mul3A_458 : i32
        %add3A_460 = arith.constant 2 : i32
        %add3A_461 = arith.addi %mul3A_459, %add3A_460 : i32
        %get3A_462 = arith.constant 0 : i32
        %get3A_463 = arith.constant 0 : i32
        %get3A_464 = tpu.memref_slice %arg14[%select_n3A_93, %get3A_462, %get3A_463] : memref<4x128x128xf32, #tpu.memory_space<vmem>> -> memref<1x128x128xf32, #tpu.memory_space<vmem>>
        %get3A_465 = tpu.memref_squeeze %get3A_464 : memref<1x128x128xf32, #tpu.memory_space<vmem>> -> memref<128x128xf32, #tpu.memory_space<vmem>>
        %get3A_466 = arith.index_cast %add3A_461 : i32 to index
        %get3A_467 = arith.constant 0 : index
        %get3A_468 = tpu.vector_load %get3A_465[%get3A_466, %get3A_467] {strides = array<i32>} : memref<128x128xf32, #tpu.memory_space<vmem>>, vector<1x16xf32>,
        %get3A_469 = vector.shape_cast %get3A_468 : vector<1x16xf32> to vector<16xf32>
        %mul3A_470 = arith.mulf %get3A_469, %mul3A_150 : vector<16xf32>
        %get3A_471 = arith.constant 0 : i32
        %get3A_472 = arith.constant 0 : i32
        %get3A_473 = tpu.memref_slice %arg14[%select_n3A_93, %get3A_471, %get3A_472] : memref<4x128x128xf32, #tpu.memory_space<vmem>> -> memref<1x128x128xf32, #tpu.memory_space<vmem>>
        %get3A_474 = tpu.memref_squeeze %get3A_473 : memref<1x128x128xf32, #tpu.memory_space<vmem>> -> memref<128x128xf32, #tpu.memory_space<vmem>>
        %get3A_475 = arith.index_cast %add3A_461 : i32 to index
        %get3A_476 = arith.constant 16 : index
        %get3A_477 = tpu.vector_load %get3A_474[%get3A_475, %get3A_476] {strides = array<i32>} : memref<128x128xf32, #tpu.memory_space<vmem>>, vector<1x16xf32>,
        %get3A_478 = vector.shape_cast %get3A_477 : vector<1x16xf32> to vector<16xf32>
        %mul3A_479 = arith.mulf %get3A_478, %mul3A_159 : vector<16xf32>
        %add3A_480 = arith.addf %mul3A_470, %mul3A_479 : vector<16xf32>
        %get3A_481 = arith.constant 0 : i32
        %get3A_482 = arith.constant 0 : i32
        %get3A_483 = tpu.memref_slice %arg14[%select_n3A_93, %get3A_481, %get3A_482] : memref<4x128x128xf32, #tpu.memory_space<vmem>> -> memref<1x128x128xf32, #tpu.memory_space<vmem>>
        %get3A_484 = tpu.memref_squeeze %get3A_483 : memref<1x128x128xf32, #tpu.memory_space<vmem>> -> memref<128x128xf32, #tpu.memory_space<vmem>>
        %get3A_485 = arith.index_cast %add3A_461 : i32 to index
        %get3A_486 = arith.constant 32 : index
        %get3A_487 = tpu.vector_load %get3A_484[%get3A_485, %get3A_486] {strides = array<i32>} : memref<128x128xf32, #tpu.memory_space<vmem>>, vector<1x16xf32>,
        %get3A_488 = vector.shape_cast %get3A_487 : vector<1x16xf32> to vector<16xf32>
        %mul3A_489 = arith.mulf %get3A_488, %mul3A_168 : vector<16xf32>
        %add3A_490 = arith.addf %add3A_480, %mul3A_489 : vector<16xf32>
        %get3A_491 = arith.constant 0 : i32
        %get3A_492 = arith.constant 0 : i32
        %get3A_493 = tpu.memref_slice %arg14[%select_n3A_93, %get3A_491, %get3A_492] : memref<4x128x128xf32, #tpu.memory_space<vmem>> -> memref<1x128x128xf32, #tpu.memory_space<vmem>>
        %get3A_494 = tpu.memref_squeeze %get3A_493 : memref<1x128x128xf32, #tpu.memory_space<vmem>> -> memref<128x128xf32, #tpu.memory_space<vmem>>
        %get3A_495 = arith.index_cast %add3A_461 : i32 to index
        %get3A_496 = arith.constant 48 : index
        %get3A_497 = tpu.vector_load %get3A_494[%get3A_495, %get3A_496] {strides = array<i32>} : memref<128x128xf32, #tpu.memory_space<vmem>>, vector<1x16xf32>,
        %get3A_498 = vector.shape_cast %get3A_497 : vector<1x16xf32> to vector<16xf32>
        %mul3A_499 = arith.mulf %get3A_498, %mul3A_177 : vector<16xf32>
        %add3A_500 = arith.addf %add3A_490, %mul3A_499 : vector<16xf32>
        %get3A_501 = arith.constant 0 : i32
        %get3A_502 = arith.constant 0 : i32
        %get3A_503 = tpu.memref_slice %arg14[%select_n3A_93, %get3A_501, %get3A_502] : memref<4x128x128xf32, #tpu.memory_space<vmem>> -> memref<1x128x128xf32, #tpu.memory_space<vmem>>
        %get3A_504 = tpu.memref_squeeze %get3A_503 : memref<1x128x128xf32, #tpu.memory_space<vmem>> -> memref<128x128xf32, #tpu.memory_space<vmem>>
        %get3A_505 = arith.index_cast %add3A_461 : i32 to index
        %get3A_506 = arith.constant 64 : index
        %get3A_507 = tpu.vector_load %get3A_504[%get3A_505, %get3A_506] {strides = array<i32>} : memref<128x128xf32, #tpu.memory_space<vmem>>, vector<1x16xf32>,
        %get3A_508 = vector.shape_cast %get3A_507 : vector<1x16xf32> to vector<16xf32>
        %mul3A_509 = arith.mulf %get3A_508, %mul3A_186 : vector<16xf32>
        %add3A_510 = arith.addf %add3A_500, %mul3A_509 : vector<16xf32>
        %get3A_511 = arith.constant 0 : i32
        %get3A_512 = arith.constant 0 : i32
        %get3A_513 = tpu.memref_slice %arg14[%select_n3A_93, %get3A_511, %get3A_512] : memref<4x128x128xf32, #tpu.memory_space<vmem>> -> memref<1x128x128xf32, #tpu.memory_space<vmem>>
        %get3A_514 = tpu.memref_squeeze %get3A_513 : memref<1x128x128xf32, #tpu.memory_space<vmem>> -> memref<128x128xf32, #tpu.memory_space<vmem>>
        %get3A_515 = arith.index_cast %add3A_461 : i32 to index
        %get3A_516 = arith.constant 80 : index
        %get3A_517 = tpu.vector_load %get3A_514[%get3A_515, %get3A_516] {strides = array<i32>} : memref<128x128xf32, #tpu.memory_space<vmem>>, vector<1x16xf32>,
        %get3A_518 = vector.shape_cast %get3A_517 : vector<1x16xf32> to vector<16xf32>
        %mul3A_519 = arith.mulf %get3A_518, %mul3A_195 : vector<16xf32>
        %add3A_520 = arith.addf %add3A_510, %mul3A_519 : vector<16xf32>
        %get3A_521 = arith.constant 0 : i32
        %get3A_522 = arith.constant 0 : i32
        %get3A_523 = tpu.memref_slice %arg14[%select_n3A_93, %get3A_521, %get3A_522] : memref<4x128x128xf32, #tpu.memory_space<vmem>> -> memref<1x128x128xf32, #tpu.memory_space<vmem>>
        %get3A_524 = tpu.memref_squeeze %get3A_523 : memref<1x128x128xf32, #tpu.memory_space<vmem>> -> memref<128x128xf32, #tpu.memory_space<vmem>>
        %get3A_525 = arith.index_cast %add3A_461 : i32 to index
        %get3A_526 = arith.constant 96 : index
        %get3A_527 = tpu.vector_load %get3A_524[%get3A_525, %get3A_526] {strides = array<i32>} : memref<128x128xf32, #tpu.memory_space<vmem>>, vector<1x16xf32>,
        %get3A_528 = vector.shape_cast %get3A_527 : vector<1x16xf32> to vector<16xf32>
        %mul3A_529 = arith.mulf %get3A_528, %mul3A_204 : vector<16xf32>
        %add3A_530 = arith.addf %add3A_520, %mul3A_529 : vector<16xf32>
        %get3A_531 = arith.constant 0 : i32
        %get3A_532 = arith.constant 0 : i32
        %get3A_533 = tpu.memref_slice %arg14[%select_n3A_93, %get3A_531, %get3A_532] : memref<4x128x128xf32, #tpu.memory_space<vmem>> -> memref<1x128x128xf32, #tpu.memory_space<vmem>>
        %get3A_534 = tpu.memref_squeeze %get3A_533 : memref<1x128x128xf32, #tpu.memory_space<vmem>> -> memref<128x128xf32, #tpu.memory_space<vmem>>
        %get3A_535 = arith.index_cast %add3A_461 : i32 to index
        %get3A_536 = arith.constant 112 : index
        %get3A_537 = tpu.vector_load %get3A_534[%get3A_535, %get3A_536] {strides = array<i32>} : memref<128x128xf32, #tpu.memory_space<vmem>>, vector<1x16xf32>,
        %get3A_538 = vector.shape_cast %get3A_537 : vector<1x16xf32> to vector<16xf32>
        %mul3A_539 = arith.mulf %get3A_538, %mul3A_213 : vector<16xf32>
        %add3A_540 = arith.addf %add3A_530, %mul3A_539 : vector<16xf32>
        %eq3A_541 = arith.constant 2 : i32
        %eq3A_542 = vector.broadcast %eq3A_541 : i32 to vector<16xi32>
        %eq3A_543 = arith.cmpi eq, %iota3A, %eq3A_542 : vector<16xi32>
        %xor3A_544 = arith.constant 8 : i32
        %xor3A_545 = vector.broadcast %xor3A_544 : i32 to vector<16xi32>
        %xor3A_546 = arith.xori %iota3A, %xor3A_545 : vector<16xi32>
        %broadcast_in_dim3A_547 = vector.shape_cast %xor3A_546 : vector<16xi32> to vector<16x1xi32>
        %gather3A_548 = vector.shape_cast %broadcast_in_dim3A_547 : vector<16x1xi32> to vector<16xi32>
        %gather3A_549 = tpu.dynamic_gather %add3A_540[%gather3A_548] in [0] : vector<16xf32>, vector<16xi32> -> vector<16xf32>
        %add3A_550 = arith.addf %add3A_540, %gather3A_549 : vector<16xf32>
        %xor3A_551 = arith.constant 4 : i32
        %xor3A_552 = vector.broadcast %xor3A_551 : i32 to vector<16xi32>
        %xor3A_553 = arith.xori %iota3A, %xor3A_552 : vector<16xi32>
        %broadcast_in_dim3A_554 = vector.shape_cast %xor3A_553 : vector<16xi32> to vector<16x1xi32>
        %gather3A_555 = vector.shape_cast %broadcast_in_dim3A_554 : vector<16x1xi32> to vector<16xi32>
        %gather3A_556 = tpu.dynamic_gather %add3A_550[%gather3A_555] in [0] : vector<16xf32>, vector<16xi32> -> vector<16xf32>
        %add3A_557 = arith.addf %add3A_550, %gather3A_556 : vector<16xf32>
        %xor3A_558 = arith.constant 2 : i32
        %xor3A_559 = vector.broadcast %xor3A_558 : i32 to vector<16xi32>
        %xor3A_560 = arith.xori %iota3A, %xor3A_559 : vector<16xi32>
        %broadcast_in_dim3A_561 = vector.shape_cast %xor3A_560 : vector<16xi32> to vector<16x1xi32>
        %gather3A_562 = vector.shape_cast %broadcast_in_dim3A_561 : vector<16x1xi32> to vector<16xi32>
        %gather3A_563 = tpu.dynamic_gather %add3A_557[%gather3A_562] in [0] : vector<16xf32>, vector<16xi32> -> vector<16xf32>
        %add3A_564 = arith.addf %add3A_557, %gather3A_563 : vector<16xf32>
        %xor3A_565 = arith.constant 1 : i32
        %xor3A_566 = vector.broadcast %xor3A_565 : i32 to vector<16xi32>
        %xor3A_567 = arith.xori %iota3A, %xor3A_566 : vector<16xi32>
        %broadcast_in_dim3A_568 = vector.shape_cast %xor3A_567 : vector<16xi32> to vector<16x1xi32>
        %gather3A_569 = vector.shape_cast %broadcast_in_dim3A_568 : vector<16x1xi32> to vector<16xi32>
        %gather3A_570 = tpu.dynamic_gather %add3A_564[%gather3A_569] in [0] : vector<16xf32>, vector<16xi32> -> vector<16xf32>
        %add3A_571 = arith.addf %add3A_564, %gather3A_570 : vector<16xf32>
        %select_n3A_572 = arith.select %eq3A_543, %add3A_571, %select_n3A_457 : vector<16xi1>, vector<16xf32>
        %mul3A_573 = arith.constant 16 : i32
        %mul3A_574 = arith.muli %scan3A_227, %mul3A_573 : i32
        %add3A_575 = arith.constant 3 : i32
        %add3A_576 = arith.addi %mul3A_574, %add3A_575 : i32
        %get3A_577 = arith.constant 0 : i32
        %get3A_578 = arith.constant 0 : i32
        %get3A_579 = tpu.memref_slice %arg14[%select_n3A_93, %get3A_577, %get3A_578] : memref<4x128x128xf32, #tpu.memory_space<vmem>> -> memref<1x128x128xf32, #tpu.memory_space<vmem>>
        %get3A_580 = tpu.memref_squeeze %get3A_579 : memref<1x128x128xf32, #tpu.memory_space<vmem>> -> memref<128x128xf32, #tpu.memory_space<vmem>>
        %get3A_581 = arith.index_cast %add3A_576 : i32 to index
        %get3A_582 = arith.constant 0 : index
        %get3A_583 = tpu.vector_load %get3A_580[%get3A_581, %get3A_582] {strides = array<i32>} : memref<128x128xf32, #tpu.memory_space<vmem>>, vector<1x16xf32>,
        %get3A_584 = vector.shape_cast %get3A_583 : vector<1x16xf32> to vector<16xf32>
        %mul3A_585 = arith.mulf %get3A_584, %mul3A_150 : vector<16xf32>
        %get3A_586 = arith.constant 0 : i32
        %get3A_587 = arith.constant 0 : i32
        %get3A_588 = tpu.memref_slice %arg14[%select_n3A_93, %get3A_586, %get3A_587] : memref<4x128x128xf32, #tpu.memory_space<vmem>> -> memref<1x128x128xf32, #tpu.memory_space<vmem>>
        %get3A_589 = tpu.memref_squeeze %get3A_588 : memref<1x128x128xf32, #tpu.memory_space<vmem>> -> memref<128x128xf32, #tpu.memory_space<vmem>>
        %get3A_590 = arith.index_cast %add3A_576 : i32 to index
        %get3A_591 = arith.constant 16 : index
        %get3A_592 = tpu.vector_load %get3A_589[%get3A_590, %get3A_591] {strides = array<i32>} : memref<128x128xf32, #tpu.memory_space<vmem>>, vector<1x16xf32>,
        %get3A_593 = vector.shape_cast %get3A_592 : vector<1x16xf32> to vector<16xf32>
        %mul3A_594 = arith.mulf %get3A_593, %mul3A_159 : vector<16xf32>
        %add3A_595 = arith.addf %mul3A_585, %mul3A_594 : vector<16xf32>
        %get3A_596 = arith.constant 0 : i32
        %get3A_597 = arith.constant 0 : i32
        %get3A_598 = tpu.memref_slice %arg14[%select_n3A_93, %get3A_596, %get3A_597] : memref<4x128x128xf32, #tpu.memory_space<vmem>> -> memref<1x128x128xf32, #tpu.memory_space<vmem>>
        %get3A_599 = tpu.memref_squeeze %get3A_598 : memref<1x128x128xf32, #tpu.memory_space<vmem>> -> memref<128x128xf32, #tpu.memory_space<vmem>>
        %get3A_600 = arith.index_cast %add3A_576 : i32 to index
        %get3A_601 = arith.constant 32 : index
        %get3A_602 = tpu.vector_load %get3A_599[%get3A_600, %get3A_601] {strides = array<i32>} : memref<128x128xf32, #tpu.memory_space<vmem>>, vector<1x16xf32>,
        %get3A_603 = vector.shape_cast %get3A_602 : vector<1x16xf32> to vector<16xf32>
        %mul3A_604 = arith.mulf %get3A_603, %mul3A_168 : vector<16xf32>
        %add3A_605 = arith.addf %add3A_595, %mul3A_604 : vector<16xf32>
        %get3A_606 = arith.constant 0 : i32
        %get3A_607 = arith.constant 0 : i32
        %get3A_608 = tpu.memref_slice %arg14[%select_n3A_93, %get3A_606, %get3A_607] : memref<4x128x128xf32, #tpu.memory_space<vmem>> -> memref<1x128x128xf32, #tpu.memory_space<vmem>>
        %get3A_609 = tpu.memref_squeeze %get3A_608 : memref<1x128x128xf32, #tpu.memory_space<vmem>> -> memref<128x128xf32, #tpu.memory_space<vmem>>
        %get3A_610 = arith.index_cast %add3A_576 : i32 to index
        %get3A_611 = arith.constant 48 : index
        %get3A_612 = tpu.vector_load %get3A_609[%get3A_610, %get3A_611] {strides = array<i32>} : memref<128x128xf32, #tpu.memory_space<vmem>>, vector<1x16xf32>,
        %get3A_613 = vector.shape_cast %get3A_612 : vector<1x16xf32> to vector<16xf32>
        %mul3A_614 = arith.mulf %get3A_613, %mul3A_177 : vector<16xf32>
        %add3A_615 = arith.addf %add3A_605, %mul3A_614 : vector<16xf32>
        %get3A_616 = arith.constant 0 : i32
        %get3A_617 = arith.constant 0 : i32
        %get3A_618 = tpu.memref_slice %arg14[%select_n3A_93, %get3A_616, %get3A_617] : memref<4x128x128xf32, #tpu.memory_space<vmem>> -> memref<1x128x128xf32, #tpu.memory_space<vmem>>
        %get3A_619 = tpu.memref_squeeze %get3A_618 : memref<1x128x128xf32, #tpu.memory_space<vmem>> -> memref<128x128xf32, #tpu.memory_space<vmem>>
        %get3A_620 = arith.index_cast %add3A_576 : i32 to index
        %get3A_621 = arith.constant 64 : index
        %get3A_622 = tpu.vector_load %get3A_619[%get3A_620, %get3A_621] {strides = array<i32>} : memref<128x128xf32, #tpu.memory_space<vmem>>, vector<1x16xf32>,
        %get3A_623 = vector.shape_cast %get3A_622 : vector<1x16xf32> to vector<16xf32>
        %mul3A_624 = arith.mulf %get3A_623, %mul3A_186 : vector<16xf32>
        %add3A_625 = arith.addf %add3A_615, %mul3A_624 : vector<16xf32>
        %get3A_626 = arith.constant 0 : i32
        %get3A_627 = arith.constant 0 : i32
        %get3A_628 = tpu.memref_slice %arg14[%select_n3A_93, %get3A_626, %get3A_627] : memref<4x128x128xf32, #tpu.memory_space<vmem>> -> memref<1x128x128xf32, #tpu.memory_space<vmem>>
        %get3A_629 = tpu.memref_squeeze %get3A_628 : memref<1x128x128xf32, #tpu.memory_space<vmem>> -> memref<128x128xf32, #tpu.memory_space<vmem>>
        %get3A_630 = arith.index_cast %add3A_576 : i32 to index
        %get3A_631 = arith.constant 80 : index
        %get3A_632 = tpu.vector_load %get3A_629[%get3A_630, %get3A_631] {strides = array<i32>} : memref<128x128xf32, #tpu.memory_space<vmem>>, vector<1x16xf32>,
        %get3A_633 = vector.shape_cast %get3A_632 : vector<1x16xf32> to vector<16xf32>
        %mul3A_634 = arith.mulf %get3A_633, %mul3A_195 : vector<16xf32>
        %add3A_635 = arith.addf %add3A_625, %mul3A_634 : vector<16xf32>
        %get3A_636 = arith.constant 0 : i32
        %get3A_637 = arith.constant 0 : i32
        %get3A_638 = tpu.memref_slice %arg14[%select_n3A_93, %get3A_636, %get3A_637] : memref<4x128x128xf32, #tpu.memory_space<vmem>> -> memref<1x128x128xf32, #tpu.memory_space<vmem>>
        %get3A_639 = tpu.memref_squeeze %get3A_638 : memref<1x128x128xf32, #tpu.memory_space<vmem>> -> memref<128x128xf32, #tpu.memory_space<vmem>>
        %get3A_640 = arith.index_cast %add3A_576 : i32 to index
        %get3A_641 = arith.constant 96 : index
        %get3A_642 = tpu.vector_load %get3A_639[%get3A_640, %get3A_641] {strides = array<i32>} : memref<128x128xf32, #tpu.memory_space<vmem>>, vector<1x16xf32>,
        %get3A_643 = vector.shape_cast %get3A_642 : vector<1x16xf32> to vector<16xf32>
        %mul3A_644 = arith.mulf %get3A_643, %mul3A_204 : vector<16xf32>
        %add3A_645 = arith.addf %add3A_635, %mul3A_644 : vector<16xf32>
        %get3A_646 = arith.constant 0 : i32
        %get3A_647 = arith.constant 0 : i32
        %get3A_648 = tpu.memref_slice %arg14[%select_n3A_93, %get3A_646, %get3A_647] : memref<4x128x128xf32, #tpu.memory_space<vmem>> -> memref<1x128x128xf32, #tpu.memory_space<vmem>>
        %get3A_649 = tpu.memref_squeeze %get3A_648 : memref<1x128x128xf32, #tpu.memory_space<vmem>> -> memref<128x128xf32, #tpu.memory_space<vmem>>
        %get3A_650 = arith.index_cast %add3A_576 : i32 to index
        %get3A_651 = arith.constant 112 : index
        %get3A_652 = tpu.vector_load %get3A_649[%get3A_650, %get3A_651] {strides = array<i32>} : memref<128x128xf32, #tpu.memory_space<vmem>>, vector<1x16xf32>,
        %get3A_653 = vector.shape_cast %get3A_652 : vector<1x16xf32> to vector<16xf32>
        %mul3A_654 = arith.mulf %get3A_653, %mul3A_213 : vector<16xf32>
        %add3A_655 = arith.addf %add3A_645, %mul3A_654 : vector<16xf32>
        %eq3A_656 = arith.constant 3 : i32
        %eq3A_657 = vector.broadcast %eq3A_656 : i32 to vector<16xi32>
        %eq3A_658 = arith.cmpi eq, %iota3A, %eq3A_657 : vector<16xi32>
        %xor3A_659 = arith.constant 8 : i32
        %xor3A_660 = vector.broadcast %xor3A_659 : i32 to vector<16xi32>
        %xor3A_661 = arith.xori %iota3A, %xor3A_660 : vector<16xi32>
        %broadcast_in_dim3A_662 = vector.shape_cast %xor3A_661 : vector<16xi32> to vector<16x1xi32>
        %gather3A_663 = vector.shape_cast %broadcast_in_dim3A_662 : vector<16x1xi32> to vector<16xi32>
        %gather3A_664 = tpu.dynamic_gather %add3A_655[%gather3A_663] in [0] : vector<16xf32>, vector<16xi32> -> vector<16xf32>
        %add3A_665 = arith.addf %add3A_655, %gather3A_664 : vector<16xf32>
        %xor3A_666 = arith.constant 4 : i32
        %xor3A_667 = vector.broadcast %xor3A_666 : i32 to vector<16xi32>
        %xor3A_668 = arith.xori %iota3A, %xor3A_667 : vector<16xi32>
        %broadcast_in_dim3A_669 = vector.shape_cast %xor3A_668 : vector<16xi32> to vector<16x1xi32>
        %gather3A_670 = vector.shape_cast %broadcast_in_dim3A_669 : vector<16x1xi32> to vector<16xi32>
        %gather3A_671 = tpu.dynamic_gather %add3A_665[%gather3A_670] in [0] : vector<16xf32>, vector<16xi32> -> vector<16xf32>
        %add3A_672 = arith.addf %add3A_665, %gather3A_671 : vector<16xf32>
        %xor3A_673 = arith.constant 2 : i32
        %xor3A_674 = vector.broadcast %xor3A_673 : i32 to vector<16xi32>
        %xor3A_675 = arith.xori %iota3A, %xor3A_674 : vector<16xi32>
        %broadcast_in_dim3A_676 = vector.shape_cast %xor3A_675 : vector<16xi32> to vector<16x1xi32>
        %gather3A_677 = vector.shape_cast %broadcast_in_dim3A_676 : vector<16x1xi32> to vector<16xi32>
        %gather3A_678 = tpu.dynamic_gather %add3A_672[%gather3A_677] in [0] : vector<16xf32>, vector<16xi32> -> vector<16xf32>
        %add3A_679 = arith.addf %add3A_672, %gather3A_678 : vector<16xf32>
        %xor3A_680 = arith.constant 1 : i32
        %xor3A_681 = vector.broadcast %xor3A_680 : i32 to vector<16xi32>
        %xor3A_682 = arith.xori %iota3A, %xor3A_681 : vector<16xi32>
        %broadcast_in_dim3A_683 = vector.shape_cast %xor3A_682 : vector<16xi32> to vector<16x1xi32>
        %gather3A_684 = vector.shape_cast %broadcast_in_dim3A_683 : vector<16x1xi32> to vector<16xi32>
        %gather3A_685 = tpu.dynamic_gather %add3A_679[%gather3A_684] in [0] : vector<16xf32>, vector<16xi32> -> vector<16xf32>
        %add3A_686 = arith.addf %add3A_679, %gather3A_685 : vector<16xf32>
        %select_n3A_687 = arith.select %eq3A_658, %add3A_686, %select_n3A_572 : vector<16xi1>, vector<16xf32>
        %mul3A_688 = arith.constant 16 : i32
        %mul3A_689 = arith.muli %scan3A_227, %mul3A_688 : i32
        %add3A_690 = arith.constant 4 : i32
        %add3A_691 = arith.addi %mul3A_689, %add3A_690 : i32
        %get3A_692 = arith.constant 0 : i32
        %get3A_693 = arith.constant 0 : i32
        %get3A_694 = tpu.memref_slice %arg14[%select_n3A_93, %get3A_692, %get3A_693] : memref<4x128x128xf32, #tpu.memory_space<vmem>> -> memref<1x128x128xf32, #tpu.memory_space<vmem>>
        %get3A_695 = tpu.memref_squeeze %get3A_694 : memref<1x128x128xf32, #tpu.memory_space<vmem>> -> memref<128x128xf32, #tpu.memory_space<vmem>>
        %get3A_696 = arith.index_cast %add3A_691 : i32 to index
        %get3A_697 = arith.constant 0 : index
        %get3A_698 = tpu.vector_load %get3A_695[%get3A_696, %get3A_697] {strides = array<i32>} : memref<128x128xf32, #tpu.memory_space<vmem>>, vector<1x16xf32>,
        %get3A_699 = vector.shape_cast %get3A_698 : vector<1x16xf32> to vector<16xf32>
        %mul3A_700 = arith.mulf %get3A_699, %mul3A_150 : vector<16xf32>
        %get3A_701 = arith.constant 0 : i32
        %get3A_702 = arith.constant 0 : i32
        %get3A_703 = tpu.memref_slice %arg14[%select_n3A_93, %get3A_701, %get3A_702] : memref<4x128x128xf32, #tpu.memory_space<vmem>> -> memref<1x128x128xf32, #tpu.memory_space<vmem>>
        %get3A_704 = tpu.memref_squeeze %get3A_703 : memref<1x128x128xf32, #tpu.memory_space<vmem>> -> memref<128x128xf32, #tpu.memory_space<vmem>>
        %get3A_705 = arith.index_cast %add3A_691 : i32 to index
        %get3A_706 = arith.constant 16 : index
        %get3A_707 = tpu.vector_load %get3A_704[%get3A_705, %get3A_706] {strides = array<i32>} : memref<128x128xf32, #tpu.memory_space<vmem>>, vector<1x16xf32>,
        %get3A_708 = vector.shape_cast %get3A_707 : vector<1x16xf32> to vector<16xf32>
        %mul3A_709 = arith.mulf %get3A_708, %mul3A_159 : vector<16xf32>
        %add3A_710 = arith.addf %mul3A_700, %mul3A_709 : vector<16xf32>
        %get3A_711 = arith.constant 0 : i32
        %get3A_712 = arith.constant 0 : i32
        %get3A_713 = tpu.memref_slice %arg14[%select_n3A_93, %get3A_711, %get3A_712] : memref<4x128x128xf32, #tpu.memory_space<vmem>> -> memref<1x128x128xf32, #tpu.memory_space<vmem>>
        %get3A_714 = tpu.memref_squeeze %get3A_713 : memref<1x128x128xf32, #tpu.memory_space<vmem>> -> memref<128x128xf32, #tpu.memory_space<vmem>>
        %get3A_715 = arith.index_cast %add3A_691 : i32 to index
        %get3A_716 = arith.constant 32 : index
        %get3A_717 = tpu.vector_load %get3A_714[%get3A_715, %get3A_716] {strides = array<i32>} : memref<128x128xf32, #tpu.memory_space<vmem>>, vector<1x16xf32>,
        %get3A_718 = vector.shape_cast %get3A_717 : vector<1x16xf32> to vector<16xf32>
        %mul3A_719 = arith.mulf %get3A_718, %mul3A_168 : vector<16xf32>
        %add3A_720 = arith.addf %add3A_710, %mul3A_719 : vector<16xf32>
        %get3A_721 = arith.constant 0 : i32
        %get3A_722 = arith.constant 0 : i32
        %get3A_723 = tpu.memref_slice %arg14[%select_n3A_93, %get3A_721, %get3A_722] : memref<4x128x128xf32, #tpu.memory_space<vmem>> -> memref<1x128x128xf32, #tpu.memory_space<vmem>>
        %get3A_724 = tpu.memref_squeeze %get3A_723 : memref<1x128x128xf32, #tpu.memory_space<vmem>> -> memref<128x128xf32, #tpu.memory_space<vmem>>
        %get3A_725 = arith.index_cast %add3A_691 : i32 to index
        %get3A_726 = arith.constant 48 : index
        %get3A_727 = tpu.vector_load %get3A_724[%get3A_725, %get3A_726] {strides = array<i32>} : memref<128x128xf32, #tpu.memory_space<vmem>>, vector<1x16xf32>,
        %get3A_728 = vector.shape_cast %get3A_727 : vector<1x16xf32> to vector<16xf32>
        %mul3A_729 = arith.mulf %get3A_728, %mul3A_177 : vector<16xf32>
        %add3A_730 = arith.addf %add3A_720, %mul3A_729 : vector<16xf32>
        %get3A_731 = arith.constant 0 : i32
        %get3A_732 = arith.constant 0 : i32
        %get3A_733 = tpu.memref_slice %arg14[%select_n3A_93, %get3A_731, %get3A_732] : memref<4x128x128xf32, #tpu.memory_space<vmem>> -> memref<1x128x128xf32, #tpu.memory_space<vmem>>
        %get3A_734 = tpu.memref_squeeze %get3A_733 : memref<1x128x128xf32, #tpu.memory_space<vmem>> -> memref<128x128xf32, #tpu.memory_space<vmem>>
        %get3A_735 = arith.index_cast %add3A_691 : i32 to index
        %get3A_736 = arith.constant 64 : index
        %get3A_737 = tpu.vector_load %get3A_734[%get3A_735, %get3A_736] {strides = array<i32>} : memref<128x128xf32, #tpu.memory_space<vmem>>, vector<1x16xf32>,
        %get3A_738 = vector.shape_cast %get3A_737 : vector<1x16xf32> to vector<16xf32>
        %mul3A_739 = arith.mulf %get3A_738, %mul3A_186 : vector<16xf32>
        %add3A_740 = arith.addf %add3A_730, %mul3A_739 : vector<16xf32>
        %get3A_741 = arith.constant 0 : i32
        %get3A_742 = arith.constant 0 : i32
        %get3A_743 = tpu.memref_slice %arg14[%select_n3A_93, %get3A_741, %get3A_742] : memref<4x128x128xf32, #tpu.memory_space<vmem>> -> memref<1x128x128xf32, #tpu.memory_space<vmem>>
        %get3A_744 = tpu.memref_squeeze %get3A_743 : memref<1x128x128xf32, #tpu.memory_space<vmem>> -> memref<128x128xf32, #tpu.memory_space<vmem>>
        %get3A_745 = arith.index_cast %add3A_691 : i32 to index
        %get3A_746 = arith.constant 80 : index
        %get3A_747 = tpu.vector_load %get3A_744[%get3A_745, %get3A_746] {strides = array<i32>} : memref<128x128xf32, #tpu.memory_space<vmem>>, vector<1x16xf32>,
        %get3A_748 = vector.shape_cast %get3A_747 : vector<1x16xf32> to vector<16xf32>
        %mul3A_749 = arith.mulf %get3A_748, %mul3A_195 : vector<16xf32>
        %add3A_750 = arith.addf %add3A_740, %mul3A_749 : vector<16xf32>
        %get3A_751 = arith.constant 0 : i32
        %get3A_752 = arith.constant 0 : i32
        %get3A_753 = tpu.memref_slice %arg14[%select_n3A_93, %get3A_751, %get3A_752] : memref<4x128x128xf32, #tpu.memory_space<vmem>> -> memref<1x128x128xf32, #tpu.memory_space<vmem>>
        %get3A_754 = tpu.memref_squeeze %get3A_753 : memref<1x128x128xf32, #tpu.memory_space<vmem>> -> memref<128x128xf32, #tpu.memory_space<vmem>>
        %get3A_755 = arith.index_cast %add3A_691 : i32 to index
        %get3A_756 = arith.constant 96 : index
        %get3A_757 = tpu.vector_load %get3A_754[%get3A_755, %get3A_756] {strides = array<i32>} : memref<128x128xf32, #tpu.memory_space<vmem>>, vector<1x16xf32>,
        %get3A_758 = vector.shape_cast %get3A_757 : vector<1x16xf32> to vector<16xf32>
        %mul3A_759 = arith.mulf %get3A_758, %mul3A_204 : vector<16xf32>
        %add3A_760 = arith.addf %add3A_750, %mul3A_759 : vector<16xf32>
        %get3A_761 = arith.constant 0 : i32
        %get3A_762 = arith.constant 0 : i32
        %get3A_763 = tpu.memref_slice %arg14[%select_n3A_93, %get3A_761, %get3A_762] : memref<4x128x128xf32, #tpu.memory_space<vmem>> -> memref<1x128x128xf32, #tpu.memory_space<vmem>>
        %get3A_764 = tpu.memref_squeeze %get3A_763 : memref<1x128x128xf32, #tpu.memory_space<vmem>> -> memref<128x128xf32, #tpu.memory_space<vmem>>
        %get3A_765 = arith.index_cast %add3A_691 : i32 to index
        %get3A_766 = arith.constant 112 : index
        %get3A_767 = tpu.vector_load %get3A_764[%get3A_765, %get3A_766] {strides = array<i32>} : memref<128x128xf32, #tpu.memory_space<vmem>>, vector<1x16xf32>,
        %get3A_768 = vector.shape_cast %get3A_767 : vector<1x16xf32> to vector<16xf32>
        %mul3A_769 = arith.mulf %get3A_768, %mul3A_213 : vector<16xf32>
        %add3A_770 = arith.addf %add3A_760, %mul3A_769 : vector<16xf32>
        %eq3A_771 = arith.constant 4 : i32
        %eq3A_772 = vector.broadcast %eq3A_771 : i32 to vector<16xi32>
        %eq3A_773 = arith.cmpi eq, %iota3A, %eq3A_772 : vector<16xi32>
        %xor3A_774 = arith.constant 8 : i32
        %xor3A_775 = vector.broadcast %xor3A_774 : i32 to vector<16xi32>
        %xor3A_776 = arith.xori %iota3A, %xor3A_775 : vector<16xi32>
        %broadcast_in_dim3A_777 = vector.shape_cast %xor3A_776 : vector<16xi32> to vector<16x1xi32>
        %gather3A_778 = vector.shape_cast %broadcast_in_dim3A_777 : vector<16x1xi32> to vector<16xi32>
        %gather3A_779 = tpu.dynamic_gather %add3A_770[%gather3A_778] in [0] : vector<16xf32>, vector<16xi32> -> vector<16xf32>
        %add3A_780 = arith.addf %add3A_770, %gather3A_779 : vector<16xf32>
        %xor3A_781 = arith.constant 4 : i32
        %xor3A_782 = vector.broadcast %xor3A_781 : i32 to vector<16xi32>
        %xor3A_783 = arith.xori %iota3A, %xor3A_782 : vector<16xi32>
        %broadcast_in_dim3A_784 = vector.shape_cast %xor3A_783 : vector<16xi32> to vector<16x1xi32>
        %gather3A_785 = vector.shape_cast %broadcast_in_dim3A_784 : vector<16x1xi32> to vector<16xi32>
        %gather3A_786 = tpu.dynamic_gather %add3A_780[%gather3A_785] in [0] : vector<16xf32>, vector<16xi32> -> vector<16xf32>
        %add3A_787 = arith.addf %add3A_780, %gather3A_786 : vector<16xf32>
        %xor3A_788 = arith.constant 2 : i32
        %xor3A_789 = vector.broadcast %xor3A_788 : i32 to vector<16xi32>
        %xor3A_790 = arith.xori %iota3A, %xor3A_789 : vector<16xi32>
        %broadcast_in_dim3A_791 = vector.shape_cast %xor3A_790 : vector<16xi32> to vector<16x1xi32>
        %gather3A_792 = vector.shape_cast %broadcast_in_dim3A_791 : vector<16x1xi32> to vector<16xi32>
        %gather3A_793 = tpu.dynamic_gather %add3A_787[%gather3A_792] in [0] : vector<16xf32>, vector<16xi32> -> vector<16xf32>
        %add3A_794 = arith.addf %add3A_787, %gather3A_793 : vector<16xf32>
        %xor3A_795 = arith.constant 1 : i32
        %xor3A_796 = vector.broadcast %xor3A_795 : i32 to vector<16xi32>
        %xor3A_797 = arith.xori %iota3A, %xor3A_796 : vector<16xi32>
        %broadcast_in_dim3A_798 = vector.shape_cast %xor3A_797 : vector<16xi32> to vector<16x1xi32>
        %gather3A_799 = vector.shape_cast %broadcast_in_dim3A_798 : vector<16x1xi32> to vector<16xi32>
        %gather3A_800 = tpu.dynamic_gather %add3A_794[%gather3A_799] in [0] : vector<16xf32>, vector<16xi32> -> vector<16xf32>
        %add3A_801 = arith.addf %add3A_794, %gather3A_800 : vector<16xf32>
        %select_n3A_802 = arith.select %eq3A_773, %add3A_801, %select_n3A_687 : vector<16xi1>, vector<16xf32>
        %mul3A_803 = arith.constant 16 : i32
        %mul3A_804 = arith.muli %scan3A_227, %mul3A_803 : i32
        %add3A_805 = arith.constant 5 : i32
        %add3A_806 = arith.addi %mul3A_804, %add3A_805 : i32
        %get3A_807 = arith.constant 0 : i32
        %get3A_808 = arith.constant 0 : i32
        %get3A_809 = tpu.memref_slice %arg14[%select_n3A_93, %get3A_807, %get3A_808] : memref<4x128x128xf32, #tpu.memory_space<vmem>> -> memref<1x128x128xf32, #tpu.memory_space<vmem>>
        %get3A_810 = tpu.memref_squeeze %get3A_809 : memref<1x128x128xf32, #tpu.memory_space<vmem>> -> memref<128x128xf32, #tpu.memory_space<vmem>>
        %get3A_811 = arith.index_cast %add3A_806 : i32 to index
        %get3A_812 = arith.constant 0 : index
        %get3A_813 = tpu.vector_load %get3A_810[%get3A_811, %get3A_812] {strides = array<i32>} : memref<128x128xf32, #tpu.memory_space<vmem>>, vector<1x16xf32>,
        %get3A_814 = vector.shape_cast %get3A_813 : vector<1x16xf32> to vector<16xf32>
        %mul3A_815 = arith.mulf %get3A_814, %mul3A_150 : vector<16xf32>
        %get3A_816 = arith.constant 0 : i32
        %get3A_817 = arith.constant 0 : i32
        %get3A_818 = tpu.memref_slice %arg14[%select_n3A_93, %get3A_816, %get3A_817] : memref<4x128x128xf32, #tpu.memory_space<vmem>> -> memref<1x128x128xf32, #tpu.memory_space<vmem>>
        %get3A_819 = tpu.memref_squeeze %get3A_818 : memref<1x128x128xf32, #tpu.memory_space<vmem>> -> memref<128x128xf32, #tpu.memory_space<vmem>>
        %get3A_820 = arith.index_cast %add3A_806 : i32 to index
        %get3A_821 = arith.constant 16 : index
        %get3A_822 = tpu.vector_load %get3A_819[%get3A_820, %get3A_821] {strides = array<i32>} : memref<128x128xf32, #tpu.memory_space<vmem>>, vector<1x16xf32>,
        %get3A_823 = vector.shape_cast %get3A_822 : vector<1x16xf32> to vector<16xf32>
        %mul3A_824 = arith.mulf %get3A_823, %mul3A_159 : vector<16xf32>
        %add3A_825 = arith.addf %mul3A_815, %mul3A_824 : vector<16xf32>
        %get3A_826 = arith.constant 0 : i32
        %get3A_827 = arith.constant 0 : i32
        %get3A_828 = tpu.memref_slice %arg14[%select_n3A_93, %get3A_826, %get3A_827] : memref<4x128x128xf32, #tpu.memory_space<vmem>> -> memref<1x128x128xf32, #tpu.memory_space<vmem>>
        %get3A_829 = tpu.memref_squeeze %get3A_828 : memref<1x128x128xf32, #tpu.memory_space<vmem>> -> memref<128x128xf32, #tpu.memory_space<vmem>>
        %get3A_830 = arith.index_cast %add3A_806 : i32 to index
        %get3A_831 = arith.constant 32 : index
        %get3A_832 = tpu.vector_load %get3A_829[%get3A_830, %get3A_831] {strides = array<i32>} : memref<128x128xf32, #tpu.memory_space<vmem>>, vector<1x16xf32>,
        %get3A_833 = vector.shape_cast %get3A_832 : vector<1x16xf32> to vector<16xf32>
        %mul3A_834 = arith.mulf %get3A_833, %mul3A_168 : vector<16xf32>
        %add3A_835 = arith.addf %add3A_825, %mul3A_834 : vector<16xf32>
        %get3A_836 = arith.constant 0 : i32
        %get3A_837 = arith.constant 0 : i32
        %get3A_838 = tpu.memref_slice %arg14[%select_n3A_93, %get3A_836, %get3A_837] : memref<4x128x128xf32, #tpu.memory_space<vmem>> -> memref<1x128x128xf32, #tpu.memory_space<vmem>>
        %get3A_839 = tpu.memref_squeeze %get3A_838 : memref<1x128x128xf32, #tpu.memory_space<vmem>> -> memref<128x128xf32, #tpu.memory_space<vmem>>
        %get3A_840 = arith.index_cast %add3A_806 : i32 to index
        %get3A_841 = arith.constant 48 : index
        %get3A_842 = tpu.vector_load %get3A_839[%get3A_840, %get3A_841] {strides = array<i32>} : memref<128x128xf32, #tpu.memory_space<vmem>>, vector<1x16xf32>,
        %get3A_843 = vector.shape_cast %get3A_842 : vector<1x16xf32> to vector<16xf32>
        %mul3A_844 = arith.mulf %get3A_843, %mul3A_177 : vector<16xf32>
        %add3A_845 = arith.addf %add3A_835, %mul3A_844 : vector<16xf32>
        %get3A_846 = arith.constant 0 : i32
        %get3A_847 = arith.constant 0 : i32
        %get3A_848 = tpu.memref_slice %arg14[%select_n3A_93, %get3A_846, %get3A_847] : memref<4x128x128xf32, #tpu.memory_space<vmem>> -> memref<1x128x128xf32, #tpu.memory_space<vmem>>
        %get3A_849 = tpu.memref_squeeze %get3A_848 : memref<1x128x128xf32, #tpu.memory_space<vmem>> -> memref<128x128xf32, #tpu.memory_space<vmem>>
        %get3A_850 = arith.index_cast %add3A_806 : i32 to index
        %get3A_851 = arith.constant 64 : index
        %get3A_852 = tpu.vector_load %get3A_849[%get3A_850, %get3A_851] {strides = array<i32>} : memref<128x128xf32, #tpu.memory_space<vmem>>, vector<1x16xf32>,
        %get3A_853 = vector.shape_cast %get3A_852 : vector<1x16xf32> to vector<16xf32>
        %mul3A_854 = arith.mulf %get3A_853, %mul3A_186 : vector<16xf32>
        %add3A_855 = arith.addf %add3A_845, %mul3A_854 : vector<16xf32>
        %get3A_856 = arith.constant 0 : i32
        %get3A_857 = arith.constant 0 : i32
        %get3A_858 = tpu.memref_slice %arg14[%select_n3A_93, %get3A_856, %get3A_857] : memref<4x128x128xf32, #tpu.memory_space<vmem>> -> memref<1x128x128xf32, #tpu.memory_space<vmem>>
        %get3A_859 = tpu.memref_squeeze %get3A_858 : memref<1x128x128xf32, #tpu.memory_space<vmem>> -> memref<128x128xf32, #tpu.memory_space<vmem>>
        %get3A_860 = arith.index_cast %add3A_806 : i32 to index
        %get3A_861 = arith.constant 80 : index
        %get3A_862 = tpu.vector_load %get3A_859[%get3A_860, %get3A_861] {strides = array<i32>} : memref<128x128xf32, #tpu.memory_space<vmem>>, vector<1x16xf32>,
        %get3A_863 = vector.shape_cast %get3A_862 : vector<1x16xf32> to vector<16xf32>
        %mul3A_864 = arith.mulf %get3A_863, %mul3A_195 : vector<16xf32>
        %add3A_865 = arith.addf %add3A_855, %mul3A_864 : vector<16xf32>
        %get3A_866 = arith.constant 0 : i32
        %get3A_867 = arith.constant 0 : i32
        %get3A_868 = tpu.memref_slice %arg14[%select_n3A_93, %get3A_866, %get3A_867] : memref<4x128x128xf32, #tpu.memory_space<vmem>> -> memref<1x128x128xf32, #tpu.memory_space<vmem>>
        %get3A_869 = tpu.memref_squeeze %get3A_868 : memref<1x128x128xf32, #tpu.memory_space<vmem>> -> memref<128x128xf32, #tpu.memory_space<vmem>>
        %get3A_870 = arith.index_cast %add3A_806 : i32 to index
        %get3A_871 = arith.constant 96 : index
        %get3A_872 = tpu.vector_load %get3A_869[%get3A_870, %get3A_871] {strides = array<i32>} : memref<128x128xf32, #tpu.memory_space<vmem>>, vector<1x16xf32>,
        %get3A_873 = vector.shape_cast %get3A_872 : vector<1x16xf32> to vector<16xf32>
        %mul3A_874 = arith.mulf %get3A_873, %mul3A_204 : vector<16xf32>
        %add3A_875 = arith.addf %add3A_865, %mul3A_874 : vector<16xf32>
        %get3A_876 = arith.constant 0 : i32
        %get3A_877 = arith.constant 0 : i32
        %get3A_878 = tpu.memref_slice %arg14[%select_n3A_93, %get3A_876, %get3A_877] : memref<4x128x128xf32, #tpu.memory_space<vmem>> -> memref<1x128x128xf32, #tpu.memory_space<vmem>>
        %get3A_879 = tpu.memref_squeeze %get3A_878 : memref<1x128x128xf32, #tpu.memory_space<vmem>> -> memref<128x128xf32, #tpu.memory_space<vmem>>
        %get3A_880 = arith.index_cast %add3A_806 : i32 to index
        %get3A_881 = arith.constant 112 : index
        %get3A_882 = tpu.vector_load %get3A_879[%get3A_880, %get3A_881] {strides = array<i32>} : memref<128x128xf32, #tpu.memory_space<vmem>>, vector<1x16xf32>,
        %get3A_883 = vector.shape_cast %get3A_882 : vector<1x16xf32> to vector<16xf32>
        %mul3A_884 = arith.mulf %get3A_883, %mul3A_213 : vector<16xf32>
        %add3A_885 = arith.addf %add3A_875, %mul3A_884 : vector<16xf32>
        %eq3A_886 = arith.constant 5 : i32
        %eq3A_887 = vector.broadcast %eq3A_886 : i32 to vector<16xi32>
        %eq3A_888 = arith.cmpi eq, %iota3A, %eq3A_887 : vector<16xi32>
        %xor3A_889 = arith.constant 8 : i32
        %xor3A_890 = vector.broadcast %xor3A_889 : i32 to vector<16xi32>
        %xor3A_891 = arith.xori %iota3A, %xor3A_890 : vector<16xi32>
        %broadcast_in_dim3A_892 = vector.shape_cast %xor3A_891 : vector<16xi32> to vector<16x1xi32>
        %gather3A_893 = vector.shape_cast %broadcast_in_dim3A_892 : vector<16x1xi32> to vector<16xi32>
        %gather3A_894 = tpu.dynamic_gather %add3A_885[%gather3A_893] in [0] : vector<16xf32>, vector<16xi32> -> vector<16xf32>
        %add3A_895 = arith.addf %add3A_885, %gather3A_894 : vector<16xf32>
        %xor3A_896 = arith.constant 4 : i32
        %xor3A_897 = vector.broadcast %xor3A_896 : i32 to vector<16xi32>
        %xor3A_898 = arith.xori %iota3A, %xor3A_897 : vector<16xi32>
        %broadcast_in_dim3A_899 = vector.shape_cast %xor3A_898 : vector<16xi32> to vector<16x1xi32>
        %gather3A_900 = vector.shape_cast %broadcast_in_dim3A_899 : vector<16x1xi32> to vector<16xi32>
        %gather3A_901 = tpu.dynamic_gather %add3A_895[%gather3A_900] in [0] : vector<16xf32>, vector<16xi32> -> vector<16xf32>
        %add3A_902 = arith.addf %add3A_895, %gather3A_901 : vector<16xf32>
        %xor3A_903 = arith.constant 2 : i32
        %xor3A_904 = vector.broadcast %xor3A_903 : i32 to vector<16xi32>
        %xor3A_905 = arith.xori %iota3A, %xor3A_904 : vector<16xi32>
        %broadcast_in_dim3A_906 = vector.shape_cast %xor3A_905 : vector<16xi32> to vector<16x1xi32>
        %gather3A_907 = vector.shape_cast %broadcast_in_dim3A_906 : vector<16x1xi32> to vector<16xi32>
        %gather3A_908 = tpu.dynamic_gather %add3A_902[%gather3A_907] in [0] : vector<16xf32>, vector<16xi32> -> vector<16xf32>
        %add3A_909 = arith.addf %add3A_902, %gather3A_908 : vector<16xf32>
        %xor3A_910 = arith.constant 1 : i32
        %xor3A_911 = vector.broadcast %xor3A_910 : i32 to vector<16xi32>
        %xor3A_912 = arith.xori %iota3A, %xor3A_911 : vector<16xi32>
        %broadcast_in_dim3A_913 = vector.shape_cast %xor3A_912 : vector<16xi32> to vector<16x1xi32>
        %gather3A_914 = vector.shape_cast %broadcast_in_dim3A_913 : vector<16x1xi32> to vector<16xi32>
        %gather3A_915 = tpu.dynamic_gather %add3A_909[%gather3A_914] in [0] : vector<16xf32>, vector<16xi32> -> vector<16xf32>
        %add3A_916 = arith.addf %add3A_909, %gather3A_915 : vector<16xf32>
        %select_n3A_917 = arith.select %eq3A_888, %add3A_916, %select_n3A_802 : vector<16xi1>, vector<16xf32>
        %mul3A_918 = arith.constant 16 : i32
        %mul3A_919 = arith.muli %scan3A_227, %mul3A_918 : i32
        %add3A_920 = arith.constant 6 : i32
        %add3A_921 = arith.addi %mul3A_919, %add3A_920 : i32
        %get3A_922 = arith.constant 0 : i32
        %get3A_923 = arith.constant 0 : i32
        %get3A_924 = tpu.memref_slice %arg14[%select_n3A_93, %get3A_922, %get3A_923] : memref<4x128x128xf32, #tpu.memory_space<vmem>> -> memref<1x128x128xf32, #tpu.memory_space<vmem>>
        %get3A_925 = tpu.memref_squeeze %get3A_924 : memref<1x128x128xf32, #tpu.memory_space<vmem>> -> memref<128x128xf32, #tpu.memory_space<vmem>>
        %get3A_926 = arith.index_cast %add3A_921 : i32 to index
        %get3A_927 = arith.constant 0 : index
        %get3A_928 = tpu.vector_load %get3A_925[%get3A_926, %get3A_927] {strides = array<i32>} : memref<128x128xf32, #tpu.memory_space<vmem>>, vector<1x16xf32>,
        %get3A_929 = vector.shape_cast %get3A_928 : vector<1x16xf32> to vector<16xf32>
        %mul3A_930 = arith.mulf %get3A_929, %mul3A_150 : vector<16xf32>
        %get3A_931 = arith.constant 0 : i32
        %get3A_932 = arith.constant 0 : i32
        %get3A_933 = tpu.memref_slice %arg14[%select_n3A_93, %get3A_931, %get3A_932] : memref<4x128x128xf32, #tpu.memory_space<vmem>> -> memref<1x128x128xf32, #tpu.memory_space<vmem>>
        %get3A_934 = tpu.memref_squeeze %get3A_933 : memref<1x128x128xf32, #tpu.memory_space<vmem>> -> memref<128x128xf32, #tpu.memory_space<vmem>>
        %get3A_935 = arith.index_cast %add3A_921 : i32 to index
        %get3A_936 = arith.constant 16 : index
        %get3A_937 = tpu.vector_load %get3A_934[%get3A_935, %get3A_936] {strides = array<i32>} : memref<128x128xf32, #tpu.memory_space<vmem>>, vector<1x16xf32>,
        %get3A_938 = vector.shape_cast %get3A_937 : vector<1x16xf32> to vector<16xf32>
        %mul3A_939 = arith.mulf %get3A_938, %mul3A_159 : vector<16xf32>
        %add3A_940 = arith.addf %mul3A_930, %mul3A_939 : vector<16xf32>
        %get3A_941 = arith.constant 0 : i32
        %get3A_942 = arith.constant 0 : i32
        %get3A_943 = tpu.memref_slice %arg14[%select_n3A_93, %get3A_941, %get3A_942] : memref<4x128x128xf32, #tpu.memory_space<vmem>> -> memref<1x128x128xf32, #tpu.memory_space<vmem>>
        %get3A_944 = tpu.memref_squeeze %get3A_943 : memref<1x128x128xf32, #tpu.memory_space<vmem>> -> memref<128x128xf32, #tpu.memory_space<vmem>>
        %get3A_945 = arith.index_cast %add3A_921 : i32 to index
        %get3A_946 = arith.constant 32 : index
        %get3A_947 = tpu.vector_load %get3A_944[%get3A_945, %get3A_946] {strides = array<i32>} : memref<128x128xf32, #tpu.memory_space<vmem>>, vector<1x16xf32>,
        %get3A_948 = vector.shape_cast %get3A_947 : vector<1x16xf32> to vector<16xf32>
        %mul3A_949 = arith.mulf %get3A_948, %mul3A_168 : vector<16xf32>
        %add3A_950 = arith.addf %add3A_940, %mul3A_949 : vector<16xf32>
        %get3A_951 = arith.constant 0 : i32
        %get3A_952 = arith.constant 0 : i32
        %get3A_953 = tpu.memref_slice %arg14[%select_n3A_93, %get3A_951, %get3A_952] : memref<4x128x128xf32, #tpu.memory_space<vmem>> -> memref<1x128x128xf32, #tpu.memory_space<vmem>>
        %get3A_954 = tpu.memref_squeeze %get3A_953 : memref<1x128x128xf32, #tpu.memory_space<vmem>> -> memref<128x128xf32, #tpu.memory_space<vmem>>
        %get3A_955 = arith.index_cast %add3A_921 : i32 to index
        %get3A_956 = arith.constant 48 : index
        %get3A_957 = tpu.vector_load %get3A_954[%get3A_955, %get3A_956] {strides = array<i32>} : memref<128x128xf32, #tpu.memory_space<vmem>>, vector<1x16xf32>,
        %get3A_958 = vector.shape_cast %get3A_957 : vector<1x16xf32> to vector<16xf32>
        %mul3A_959 = arith.mulf %get3A_958, %mul3A_177 : vector<16xf32>
        %add3A_960 = arith.addf %add3A_950, %mul3A_959 : vector<16xf32>
        %get3A_961 = arith.constant 0 : i32
        %get3A_962 = arith.constant 0 : i32
        %get3A_963 = tpu.memref_slice %arg14[%select_n3A_93, %get3A_961, %get3A_962] : memref<4x128x128xf32, #tpu.memory_space<vmem>> -> memref<1x128x128xf32, #tpu.memory_space<vmem>>
        %get3A_964 = tpu.memref_squeeze %get3A_963 : memref<1x128x128xf32, #tpu.memory_space<vmem>> -> memref<128x128xf32, #tpu.memory_space<vmem>>
        %get3A_965 = arith.index_cast %add3A_921 : i32 to index
        %get3A_966 = arith.constant 64 : index
        %get3A_967 = tpu.vector_load %get3A_964[%get3A_965, %get3A_966] {strides = array<i32>} : memref<128x128xf32, #tpu.memory_space<vmem>>, vector<1x16xf32>,
        %get3A_968 = vector.shape_cast %get3A_967 : vector<1x16xf32> to vector<16xf32>
        %mul3A_969 = arith.mulf %get3A_968, %mul3A_186 : vector<16xf32>
        %add3A_970 = arith.addf %add3A_960, %mul3A_969 : vector<16xf32>
        %get3A_971 = arith.constant 0 : i32
        %get3A_972 = arith.constant 0 : i32
        %get3A_973 = tpu.memref_slice %arg14[%select_n3A_93, %get3A_971, %get3A_972] : memref<4x128x128xf32, #tpu.memory_space<vmem>> -> memref<1x128x128xf32, #tpu.memory_space<vmem>>
        %get3A_974 = tpu.memref_squeeze %get3A_973 : memref<1x128x128xf32, #tpu.memory_space<vmem>> -> memref<128x128xf32, #tpu.memory_space<vmem>>
        %get3A_975 = arith.index_cast %add3A_921 : i32 to index
        %get3A_976 = arith.constant 80 : index
        %get3A_977 = tpu.vector_load %get3A_974[%get3A_975, %get3A_976] {strides = array<i32>} : memref<128x128xf32, #tpu.memory_space<vmem>>, vector<1x16xf32>,
        %get3A_978 = vector.shape_cast %get3A_977 : vector<1x16xf32> to vector<16xf32>
        %mul3A_979 = arith.mulf %get3A_978, %mul3A_195 : vector<16xf32>
        %add3A_980 = arith.addf %add3A_970, %mul3A_979 : vector<16xf32>
        %get3A_981 = arith.constant 0 : i32
        %get3A_982 = arith.constant 0 : i32
        %get3A_983 = tpu.memref_slice %arg14[%select_n3A_93, %get3A_981, %get3A_982] : memref<4x128x128xf32, #tpu.memory_space<vmem>> -> memref<1x128x128xf32, #tpu.memory_space<vmem>>
        %get3A_984 = tpu.memref_squeeze %get3A_983 : memref<1x128x128xf32, #tpu.memory_space<vmem>> -> memref<128x128xf32, #tpu.memory_space<vmem>>
        %get3A_985 = arith.index_cast %add3A_921 : i32 to index
        %get3A_986 = arith.constant 96 : index
        %get3A_987 = tpu.vector_load %get3A_984[%get3A_985, %get3A_986] {strides = array<i32>} : memref<128x128xf32, #tpu.memory_space<vmem>>, vector<1x16xf32>,
        %get3A_988 = vector.shape_cast %get3A_987 : vector<1x16xf32> to vector<16xf32>
        %mul3A_989 = arith.mulf %get3A_988, %mul3A_204 : vector<16xf32>
        %add3A_990 = arith.addf %add3A_980, %mul3A_989 : vector<16xf32>
        %get3A_991 = arith.constant 0 : i32
        %get3A_992 = arith.constant 0 : i32
        %get3A_993 = tpu.memref_slice %arg14[%select_n3A_93, %get3A_991, %get3A_992] : memref<4x128x128xf32, #tpu.memory_space<vmem>> -> memref<1x128x128xf32, #tpu.memory_space<vmem>>
        %get3A_994 = tpu.memref_squeeze %get3A_993 : memref<1x128x128xf32, #tpu.memory_space<vmem>> -> memref<128x128xf32, #tpu.memory_space<vmem>>
        %get3A_995 = arith.index_cast %add3A_921 : i32 to index
        %get3A_996 = arith.constant 112 : index
        %get3A_997 = tpu.vector_load %get3A_994[%get3A_995, %get3A_996] {strides = array<i32>} : memref<128x128xf32, #tpu.memory_space<vmem>>, vector<1x16xf32>,
        %get3A_998 = vector.shape_cast %get3A_997 : vector<1x16xf32> to vector<16xf32>
        %mul3A_999 = arith.mulf %get3A_998, %mul3A_213 : vector<16xf32>
        %add3A_1000 = arith.addf %add3A_990, %mul3A_999 : vector<16xf32>
        %eq3A_1001 = arith.constant 6 : i32
        %eq3A_1002 = vector.broadcast %eq3A_1001 : i32 to vector<16xi32>
        %eq3A_1003 = arith.cmpi eq, %iota3A, %eq3A_1002 : vector<16xi32>
        %xor3A_1004 = arith.constant 8 : i32
        %xor3A_1005 = vector.broadcast %xor3A_1004 : i32 to vector<16xi32>
        %xor3A_1006 = arith.xori %iota3A, %xor3A_1005 : vector<16xi32>
        %broadcast_in_dim3A_1007 = vector.shape_cast %xor3A_1006 : vector<16xi32> to vector<16x1xi32>
        %gather3A_1008 = vector.shape_cast %broadcast_in_dim3A_1007 : vector<16x1xi32> to vector<16xi32>
        %gather3A_1009 = tpu.dynamic_gather %add3A_1000[%gather3A_1008] in [0] : vector<16xf32>, vector<16xi32> -> vector<16xf32>
        %add3A_1010 = arith.addf %add3A_1000, %gather3A_1009 : vector<16xf32>
        %xor3A_1011 = arith.constant 4 : i32
        %xor3A_1012 = vector.broadcast %xor3A_1011 : i32 to vector<16xi32>
        %xor3A_1013 = arith.xori %iota3A, %xor3A_1012 : vector<16xi32>
        %broadcast_in_dim3A_1014 = vector.shape_cast %xor3A_1013 : vector<16xi32> to vector<16x1xi32>
        %gather3A_1015 = vector.shape_cast %broadcast_in_dim3A_1014 : vector<16x1xi32> to vector<16xi32>
        %gather3A_1016 = tpu.dynamic_gather %add3A_1010[%gather3A_1015] in [0] : vector<16xf32>, vector<16xi32> -> vector<16xf32>
        %add3A_1017 = arith.addf %add3A_1010, %gather3A_1016 : vector<16xf32>
        %xor3A_1018 = arith.constant 2 : i32
        %xor3A_1019 = vector.broadcast %xor3A_1018 : i32 to vector<16xi32>
        %xor3A_1020 = arith.xori %iota3A, %xor3A_1019 : vector<16xi32>
        %broadcast_in_dim3A_1021 = vector.shape_cast %xor3A_1020 : vector<16xi32> to vector<16x1xi32>
        %gather3A_1022 = vector.shape_cast %broadcast_in_dim3A_1021 : vector<16x1xi32> to vector<16xi32>
        %gather3A_1023 = tpu.dynamic_gather %add3A_1017[%gather3A_1022] in [0] : vector<16xf32>, vector<16xi32> -> vector<16xf32>
        %add3A_1024 = arith.addf %add3A_1017, %gather3A_1023 : vector<16xf32>
        %xor3A_1025 = arith.constant 1 : i32
        %xor3A_1026 = vector.broadcast %xor3A_1025 : i32 to vector<16xi32>
        %xor3A_1027 = arith.xori %iota3A, %xor3A_1026 : vector<16xi32>
        %broadcast_in_dim3A_1028 = vector.shape_cast %xor3A_1027 : vector<16xi32> to vector<16x1xi32>
        %gather3A_1029 = vector.shape_cast %broadcast_in_dim3A_1028 : vector<16x1xi32> to vector<16xi32>
        %gather3A_1030 = tpu.dynamic_gather %add3A_1024[%gather3A_1029] in [0] : vector<16xf32>, vector<16xi32> -> vector<16xf32>
        %add3A_1031 = arith.addf %add3A_1024, %gather3A_1030 : vector<16xf32>
        %select_n3A_1032 = arith.select %eq3A_1003, %add3A_1031, %select_n3A_917 : vector<16xi1>, vector<16xf32>
        %mul3A_1033 = arith.constant 16 : i32
        %mul3A_1034 = arith.muli %scan3A_227, %mul3A_1033 : i32
        %add3A_1035 = arith.constant 7 : i32
        %add3A_1036 = arith.addi %mul3A_1034, %add3A_1035 : i32
        %get3A_1037 = arith.constant 0 : i32
        %get3A_1038 = arith.constant 0 : i32
        %get3A_1039 = tpu.memref_slice %arg14[%select_n3A_93, %get3A_1037, %get3A_1038] : memref<4x128x128xf32, #tpu.memory_space<vmem>> -> memref<1x128x128xf32, #tpu.memory_space<vmem>>
        %get3A_1040 = tpu.memref_squeeze %get3A_1039 : memref<1x128x128xf32, #tpu.memory_space<vmem>> -> memref<128x128xf32, #tpu.memory_space<vmem>>
        %get3A_1041 = arith.index_cast %add3A_1036 : i32 to index
        %get3A_1042 = arith.constant 0 : index
        %get3A_1043 = tpu.vector_load %get3A_1040[%get3A_1041, %get3A_1042] {strides = array<i32>} : memref<128x128xf32, #tpu.memory_space<vmem>>, vector<1x16xf32>,
        %get3A_1044 = vector.shape_cast %get3A_1043 : vector<1x16xf32> to vector<16xf32>
        %mul3A_1045 = arith.mulf %get3A_1044, %mul3A_150 : vector<16xf32>
        %get3A_1046 = arith.constant 0 : i32
        %get3A_1047 = arith.constant 0 : i32
        %get3A_1048 = tpu.memref_slice %arg14[%select_n3A_93, %get3A_1046, %get3A_1047] : memref<4x128x128xf32, #tpu.memory_space<vmem>> -> memref<1x128x128xf32, #tpu.memory_space<vmem>>
        %get3A_1049 = tpu.memref_squeeze %get3A_1048 : memref<1x128x128xf32, #tpu.memory_space<vmem>> -> memref<128x128xf32, #tpu.memory_space<vmem>>
        %get3A_1050 = arith.index_cast %add3A_1036 : i32 to index
        %get3A_1051 = arith.constant 16 : index
        %get3A_1052 = tpu.vector_load %get3A_1049[%get3A_1050, %get3A_1051] {strides = array<i32>} : memref<128x128xf32, #tpu.memory_space<vmem>>, vector<1x16xf32>,
        %get3A_1053 = vector.shape_cast %get3A_1052 : vector<1x16xf32> to vector<16xf32>
        %mul3A_1054 = arith.mulf %get3A_1053, %mul3A_159 : vector<16xf32>
        %add3A_1055 = arith.addf %mul3A_1045, %mul3A_1054 : vector<16xf32>
        %get3A_1056 = arith.constant 0 : i32
        %get3A_1057 = arith.constant 0 : i32
        %get3A_1058 = tpu.memref_slice %arg14[%select_n3A_93, %get3A_1056, %get3A_1057] : memref<4x128x128xf32, #tpu.memory_space<vmem>> -> memref<1x128x128xf32, #tpu.memory_space<vmem>>
        %get3A_1059 = tpu.memref_squeeze %get3A_1058 : memref<1x128x128xf32, #tpu.memory_space<vmem>> -> memref<128x128xf32, #tpu.memory_space<vmem>>
        %get3A_1060 = arith.index_cast %add3A_1036 : i32 to index
        %get3A_1061 = arith.constant 32 : index
        %get3A_1062 = tpu.vector_load %get3A_1059[%get3A_1060, %get3A_1061] {strides = array<i32>} : memref<128x128xf32, #tpu.memory_space<vmem>>, vector<1x16xf32>,
        %get3A_1063 = vector.shape_cast %get3A_1062 : vector<1x16xf32> to vector<16xf32>
        %mul3A_1064 = arith.mulf %get3A_1063, %mul3A_168 : vector<16xf32>
        %add3A_1065 = arith.addf %add3A_1055, %mul3A_1064 : vector<16xf32>
        %get3A_1066 = arith.constant 0 : i32
        %get3A_1067 = arith.constant 0 : i32
        %get3A_1068 = tpu.memref_slice %arg14[%select_n3A_93, %get3A_1066, %get3A_1067] : memref<4x128x128xf32, #tpu.memory_space<vmem>> -> memref<1x128x128xf32, #tpu.memory_space<vmem>>
        %get3A_1069 = tpu.memref_squeeze %get3A_1068 : memref<1x128x128xf32, #tpu.memory_space<vmem>> -> memref<128x128xf32, #tpu.memory_space<vmem>>
        %get3A_1070 = arith.index_cast %add3A_1036 : i32 to index
        %get3A_1071 = arith.constant 48 : index
        %get3A_1072 = tpu.vector_load %get3A_1069[%get3A_1070, %get3A_1071] {strides = array<i32>} : memref<128x128xf32, #tpu.memory_space<vmem>>, vector<1x16xf32>,
        %get3A_1073 = vector.shape_cast %get3A_1072 : vector<1x16xf32> to vector<16xf32>
        %mul3A_1074 = arith.mulf %get3A_1073, %mul3A_177 : vector<16xf32>
        %add3A_1075 = arith.addf %add3A_1065, %mul3A_1074 : vector<16xf32>
        %get3A_1076 = arith.constant 0 : i32
        %get3A_1077 = arith.constant 0 : i32
        %get3A_1078 = tpu.memref_slice %arg14[%select_n3A_93, %get3A_1076, %get3A_1077] : memref<4x128x128xf32, #tpu.memory_space<vmem>> -> memref<1x128x128xf32, #tpu.memory_space<vmem>>
        %get3A_1079 = tpu.memref_squeeze %get3A_1078 : memref<1x128x128xf32, #tpu.memory_space<vmem>> -> memref<128x128xf32, #tpu.memory_space<vmem>>
        %get3A_1080 = arith.index_cast %add3A_1036 : i32 to index
        %get3A_1081 = arith.constant 64 : index
        %get3A_1082 = tpu.vector_load %get3A_1079[%get3A_1080, %get3A_1081] {strides = array<i32>} : memref<128x128xf32, #tpu.memory_space<vmem>>, vector<1x16xf32>,
        %get3A_1083 = vector.shape_cast %get3A_1082 : vector<1x16xf32> to vector<16xf32>
        %mul3A_1084 = arith.mulf %get3A_1083, %mul3A_186 : vector<16xf32>
        %add3A_1085 = arith.addf %add3A_1075, %mul3A_1084 : vector<16xf32>
        %get3A_1086 = arith.constant 0 : i32
        %get3A_1087 = arith.constant 0 : i32
        %get3A_1088 = tpu.memref_slice %arg14[%select_n3A_93, %get3A_1086, %get3A_1087] : memref<4x128x128xf32, #tpu.memory_space<vmem>> -> memref<1x128x128xf32, #tpu.memory_space<vmem>>
        %get3A_1089 = tpu.memref_squeeze %get3A_1088 : memref<1x128x128xf32, #tpu.memory_space<vmem>> -> memref<128x128xf32, #tpu.memory_space<vmem>>
        %get3A_1090 = arith.index_cast %add3A_1036 : i32 to index
        %get3A_1091 = arith.constant 80 : index
        %get3A_1092 = tpu.vector_load %get3A_1089[%get3A_1090, %get3A_1091] {strides = array<i32>} : memref<128x128xf32, #tpu.memory_space<vmem>>, vector<1x16xf32>,
        %get3A_1093 = vector.shape_cast %get3A_1092 : vector<1x16xf32> to vector<16xf32>
        %mul3A_1094 = arith.mulf %get3A_1093, %mul3A_195 : vector<16xf32>
        %add3A_1095 = arith.addf %add3A_1085, %mul3A_1094 : vector<16xf32>
        %get3A_1096 = arith.constant 0 : i32
        %get3A_1097 = arith.constant 0 : i32
        %get3A_1098 = tpu.memref_slice %arg14[%select_n3A_93, %get3A_1096, %get3A_1097] : memref<4x128x128xf32, #tpu.memory_space<vmem>> -> memref<1x128x128xf32, #tpu.memory_space<vmem>>
        %get3A_1099 = tpu.memref_squeeze %get3A_1098 : memref<1x128x128xf32, #tpu.memory_space<vmem>> -> memref<128x128xf32, #tpu.memory_space<vmem>>
        %get3A_1100 = arith.index_cast %add3A_1036 : i32 to index
        %get3A_1101 = arith.constant 96 : index
        %get3A_1102 = tpu.vector_load %get3A_1099[%get3A_1100, %get3A_1101] {strides = array<i32>} : memref<128x128xf32, #tpu.memory_space<vmem>>, vector<1x16xf32>,
        %get3A_1103 = vector.shape_cast %get3A_1102 : vector<1x16xf32> to vector<16xf32>
        %mul3A_1104 = arith.mulf %get3A_1103, %mul3A_204 : vector<16xf32>
        %add3A_1105 = arith.addf %add3A_1095, %mul3A_1104 : vector<16xf32>
        %get3A_1106 = arith.constant 0 : i32
        %get3A_1107 = arith.constant 0 : i32
        %get3A_1108 = tpu.memref_slice %arg14[%select_n3A_93, %get3A_1106, %get3A_1107] : memref<4x128x128xf32, #tpu.memory_space<vmem>> -> memref<1x128x128xf32, #tpu.memory_space<vmem>>
        %get3A_1109 = tpu.memref_squeeze %get3A_1108 : memref<1x128x128xf32, #tpu.memory_space<vmem>> -> memref<128x128xf32, #tpu.memory_space<vmem>>
        %get3A_1110 = arith.index_cast %add3A_1036 : i32 to index
        %get3A_1111 = arith.constant 112 : index
        %get3A_1112 = tpu.vector_load %get3A_1109[%get3A_1110, %get3A_1111] {strides = array<i32>} : memref<128x128xf32, #tpu.memory_space<vmem>>, vector<1x16xf32>,
        %get3A_1113 = vector.shape_cast %get3A_1112 : vector<1x16xf32> to vector<16xf32>
        %mul3A_1114 = arith.mulf %get3A_1113, %mul3A_213 : vector<16xf32>
        %add3A_1115 = arith.addf %add3A_1105, %mul3A_1114 : vector<16xf32>
        %eq3A_1116 = arith.constant 7 : i32
        %eq3A_1117 = vector.broadcast %eq3A_1116 : i32 to vector<16xi32>
        %eq3A_1118 = arith.cmpi eq, %iota3A, %eq3A_1117 : vector<16xi32>
        %xor3A_1119 = arith.constant 8 : i32
        %xor3A_1120 = vector.broadcast %xor3A_1119 : i32 to vector<16xi32>
        %xor3A_1121 = arith.xori %iota3A, %xor3A_1120 : vector<16xi32>
        %broadcast_in_dim3A_1122 = vector.shape_cast %xor3A_1121 : vector<16xi32> to vector<16x1xi32>
        %gather3A_1123 = vector.shape_cast %broadcast_in_dim3A_1122 : vector<16x1xi32> to vector<16xi32>
        %gather3A_1124 = tpu.dynamic_gather %add3A_1115[%gather3A_1123] in [0] : vector<16xf32>, vector<16xi32> -> vector<16xf32>
        %add3A_1125 = arith.addf %add3A_1115, %gather3A_1124 : vector<16xf32>
        %xor3A_1126 = arith.constant 4 : i32
        %xor3A_1127 = vector.broadcast %xor3A_1126 : i32 to vector<16xi32>
        %xor3A_1128 = arith.xori %iota3A, %xor3A_1127 : vector<16xi32>
        %broadcast_in_dim3A_1129 = vector.shape_cast %xor3A_1128 : vector<16xi32> to vector<16x1xi32>
        %gather3A_1130 = vector.shape_cast %broadcast_in_dim3A_1129 : vector<16x1xi32> to vector<16xi32>
        %gather3A_1131 = tpu.dynamic_gather %add3A_1125[%gather3A_1130] in [0] : vector<16xf32>, vector<16xi32> -> vector<16xf32>
        %add3A_1132 = arith.addf %add3A_1125, %gather3A_1131 : vector<16xf32>
        %xor3A_1133 = arith.constant 2 : i32
        %xor3A_1134 = vector.broadcast %xor3A_1133 : i32 to vector<16xi32>
        %xor3A_1135 = arith.xori %iota3A, %xor3A_1134 : vector<16xi32>
        %broadcast_in_dim3A_1136 = vector.shape_cast %xor3A_1135 : vector<16xi32> to vector<16x1xi32>
        %gather3A_1137 = vector.shape_cast %broadcast_in_dim3A_1136 : vector<16x1xi32> to vector<16xi32>
        %gather3A_1138 = tpu.dynamic_gather %add3A_1132[%gather3A_1137] in [0] : vector<16xf32>, vector<16xi32> -> vector<16xf32>
        %add3A_1139 = arith.addf %add3A_1132, %gather3A_1138 : vector<16xf32>
        %xor3A_1140 = arith.constant 1 : i32
        %xor3A_1141 = vector.broadcast %xor3A_1140 : i32 to vector<16xi32>
        %xor3A_1142 = arith.xori %iota3A, %xor3A_1141 : vector<16xi32>
        %broadcast_in_dim3A_1143 = vector.shape_cast %xor3A_1142 : vector<16xi32> to vector<16x1xi32>
        %gather3A_1144 = vector.shape_cast %broadcast_in_dim3A_1143 : vector<16x1xi32> to vector<16xi32>
        %gather3A_1145 = tpu.dynamic_gather %add3A_1139[%gather3A_1144] in [0] : vector<16xf32>, vector<16xi32> -> vector<16xf32>
        %add3A_1146 = arith.addf %add3A_1139, %gather3A_1145 : vector<16xf32>
        %select_n3A_1147 = arith.select %eq3A_1118, %add3A_1146, %select_n3A_1032 : vector<16xi1>, vector<16xf32>
        %mul3A_1148 = arith.constant 16 : i32
        %mul3A_1149 = arith.muli %scan3A_227, %mul3A_1148 : i32
        %add3A_1150 = arith.constant 8 : i32
        %add3A_1151 = arith.addi %mul3A_1149, %add3A_1150 : i32
        %get3A_1152 = arith.constant 0 : i32
        %get3A_1153 = arith.constant 0 : i32
        %get3A_1154 = tpu.memref_slice %arg14[%select_n3A_93, %get3A_1152, %get3A_1153] : memref<4x128x128xf32, #tpu.memory_space<vmem>> -> memref<1x128x128xf32, #tpu.memory_space<vmem>>
        %get3A_1155 = tpu.memref_squeeze %get3A_1154 : memref<1x128x128xf32, #tpu.memory_space<vmem>> -> memref<128x128xf32, #tpu.memory_space<vmem>>
        %get3A_1156 = arith.index_cast %add3A_1151 : i32 to index
        %get3A_1157 = arith.constant 0 : index
        %get3A_1158 = tpu.vector_load %get3A_1155[%get3A_1156, %get3A_1157] {strides = array<i32>} : memref<128x128xf32, #tpu.memory_space<vmem>>, vector<1x16xf32>,
        %get3A_1159 = vector.shape_cast %get3A_1158 : vector<1x16xf32> to vector<16xf32>
        %mul3A_1160 = arith.mulf %get3A_1159, %mul3A_150 : vector<16xf32>
        %get3A_1161 = arith.constant 0 : i32
        %get3A_1162 = arith.constant 0 : i32
        %get3A_1163 = tpu.memref_slice %arg14[%select_n3A_93, %get3A_1161, %get3A_1162] : memref<4x128x128xf32, #tpu.memory_space<vmem>> -> memref<1x128x128xf32, #tpu.memory_space<vmem>>
        %get3A_1164 = tpu.memref_squeeze %get3A_1163 : memref<1x128x128xf32, #tpu.memory_space<vmem>> -> memref<128x128xf32, #tpu.memory_space<vmem>>
        %get3A_1165 = arith.index_cast %add3A_1151 : i32 to index
        %get3A_1166 = arith.constant 16 : index
        %get3A_1167 = tpu.vector_load %get3A_1164[%get3A_1165, %get3A_1166] {strides = array<i32>} : memref<128x128xf32, #tpu.memory_space<vmem>>, vector<1x16xf32>,
        %get3A_1168 = vector.shape_cast %get3A_1167 : vector<1x16xf32> to vector<16xf32>
        %mul3A_1169 = arith.mulf %get3A_1168, %mul3A_159 : vector<16xf32>
        %add3A_1170 = arith.addf %mul3A_1160, %mul3A_1169 : vector<16xf32>
        %get3A_1171 = arith.constant 0 : i32
        %get3A_1172 = arith.constant 0 : i32
        %get3A_1173 = tpu.memref_slice %arg14[%select_n3A_93, %get3A_1171, %get3A_1172] : memref<4x128x128xf32, #tpu.memory_space<vmem>> -> memref<1x128x128xf32, #tpu.memory_space<vmem>>
        %get3A_1174 = tpu.memref_squeeze %get3A_1173 : memref<1x128x128xf32, #tpu.memory_space<vmem>> -> memref<128x128xf32, #tpu.memory_space<vmem>>
        %get3A_1175 = arith.index_cast %add3A_1151 : i32 to index
        %get3A_1176 = arith.constant 32 : index
        %get3A_1177 = tpu.vector_load %get3A_1174[%get3A_1175, %get3A_1176] {strides = array<i32>} : memref<128x128xf32, #tpu.memory_space<vmem>>, vector<1x16xf32>,
        %get3A_1178 = vector.shape_cast %get3A_1177 : vector<1x16xf32> to vector<16xf32>
        %mul3A_1179 = arith.mulf %get3A_1178, %mul3A_168 : vector<16xf32>
        %add3A_1180 = arith.addf %add3A_1170, %mul3A_1179 : vector<16xf32>
        %get3A_1181 = arith.constant 0 : i32
        %get3A_1182 = arith.constant 0 : i32
        %get3A_1183 = tpu.memref_slice %arg14[%select_n3A_93, %get3A_1181, %get3A_1182] : memref<4x128x128xf32, #tpu.memory_space<vmem>> -> memref<1x128x128xf32, #tpu.memory_space<vmem>>
        %get3A_1184 = tpu.memref_squeeze %get3A_1183 : memref<1x128x128xf32, #tpu.memory_space<vmem>> -> memref<128x128xf32, #tpu.memory_space<vmem>>
        %get3A_1185 = arith.index_cast %add3A_1151 : i32 to index
        %get3A_1186 = arith.constant 48 : index
        %get3A_1187 = tpu.vector_load %get3A_1184[%get3A_1185, %get3A_1186] {strides = array<i32>} : memref<128x128xf32, #tpu.memory_space<vmem>>, vector<1x16xf32>,
        %get3A_1188 = vector.shape_cast %get3A_1187 : vector<1x16xf32> to vector<16xf32>
        %mul3A_1189 = arith.mulf %get3A_1188, %mul3A_177 : vector<16xf32>
        %add3A_1190 = arith.addf %add3A_1180, %mul3A_1189 : vector<16xf32>
        %get3A_1191 = arith.constant 0 : i32
        %get3A_1192 = arith.constant 0 : i32
        %get3A_1193 = tpu.memref_slice %arg14[%select_n3A_93, %get3A_1191, %get3A_1192] : memref<4x128x128xf32, #tpu.memory_space<vmem>> -> memref<1x128x128xf32, #tpu.memory_space<vmem>>
        %get3A_1194 = tpu.memref_squeeze %get3A_1193 : memref<1x128x128xf32, #tpu.memory_space<vmem>> -> memref<128x128xf32, #tpu.memory_space<vmem>>
        %get3A_1195 = arith.index_cast %add3A_1151 : i32 to index
        %get3A_1196 = arith.constant 64 : index
        %get3A_1197 = tpu.vector_load %get3A_1194[%get3A_1195, %get3A_1196] {strides = array<i32>} : memref<128x128xf32, #tpu.memory_space<vmem>>, vector<1x16xf32>,
        %get3A_1198 = vector.shape_cast %get3A_1197 : vector<1x16xf32> to vector<16xf32>
        %mul3A_1199 = arith.mulf %get3A_1198, %mul3A_186 : vector<16xf32>
        %add3A_1200 = arith.addf %add3A_1190, %mul3A_1199 : vector<16xf32>
        %get3A_1201 = arith.constant 0 : i32
        %get3A_1202 = arith.constant 0 : i32
        %get3A_1203 = tpu.memref_slice %arg14[%select_n3A_93, %get3A_1201, %get3A_1202] : memref<4x128x128xf32, #tpu.memory_space<vmem>> -> memref<1x128x128xf32, #tpu.memory_space<vmem>>
        %get3A_1204 = tpu.memref_squeeze %get3A_1203 : memref<1x128x128xf32, #tpu.memory_space<vmem>> -> memref<128x128xf32, #tpu.memory_space<vmem>>
        %get3A_1205 = arith.index_cast %add3A_1151 : i32 to index
        %get3A_1206 = arith.constant 80 : index
        %get3A_1207 = tpu.vector_load %get3A_1204[%get3A_1205, %get3A_1206] {strides = array<i32>} : memref<128x128xf32, #tpu.memory_space<vmem>>, vector<1x16xf32>,
        %get3A_1208 = vector.shape_cast %get3A_1207 : vector<1x16xf32> to vector<16xf32>
        %mul3A_1209 = arith.mulf %get3A_1208, %mul3A_195 : vector<16xf32>
        %add3A_1210 = arith.addf %add3A_1200, %mul3A_1209 : vector<16xf32>
        %get3A_1211 = arith.constant 0 : i32
        %get3A_1212 = arith.constant 0 : i32
        %get3A_1213 = tpu.memref_slice %arg14[%select_n3A_93, %get3A_1211, %get3A_1212] : memref<4x128x128xf32, #tpu.memory_space<vmem>> -> memref<1x128x128xf32, #tpu.memory_space<vmem>>
        %get3A_1214 = tpu.memref_squeeze %get3A_1213 : memref<1x128x128xf32, #tpu.memory_space<vmem>> -> memref<128x128xf32, #tpu.memory_space<vmem>>
        %get3A_1215 = arith.index_cast %add3A_1151 : i32 to index
        %get3A_1216 = arith.constant 96 : index
        %get3A_1217 = tpu.vector_load %get3A_1214[%get3A_1215, %get3A_1216] {strides = array<i32>} : memref<128x128xf32, #tpu.memory_space<vmem>>, vector<1x16xf32>,
        %get3A_1218 = vector.shape_cast %get3A_1217 : vector<1x16xf32> to vector<16xf32>
        %mul3A_1219 = arith.mulf %get3A_1218, %mul3A_204 : vector<16xf32>
        %add3A_1220 = arith.addf %add3A_1210, %mul3A_1219 : vector<16xf32>
        %get3A_1221 = arith.constant 0 : i32
        %get3A_1222 = arith.constant 0 : i32
        %get3A_1223 = tpu.memref_slice %arg14[%select_n3A_93, %get3A_1221, %get3A_1222] : memref<4x128x128xf32, #tpu.memory_space<vmem>> -> memref<1x128x128xf32, #tpu.memory_space<vmem>>
        %get3A_1224 = tpu.memref_squeeze %get3A_1223 : memref<1x128x128xf32, #tpu.memory_space<vmem>> -> memref<128x128xf32, #tpu.memory_space<vmem>>
        %get3A_1225 = arith.index_cast %add3A_1151 : i32 to index
        %get3A_1226 = arith.constant 112 : index
        %get3A_1227 = tpu.vector_load %get3A_1224[%get3A_1225, %get3A_1226] {strides = array<i32>} : memref<128x128xf32, #tpu.memory_space<vmem>>, vector<1x16xf32>,
        %get3A_1228 = vector.shape_cast %get3A_1227 : vector<1x16xf32> to vector<16xf32>
        %mul3A_1229 = arith.mulf %get3A_1228, %mul3A_213 : vector<16xf32>
        %add3A_1230 = arith.addf %add3A_1220, %mul3A_1229 : vector<16xf32>
        %eq3A_1231 = arith.constant 8 : i32
        %eq3A_1232 = vector.broadcast %eq3A_1231 : i32 to vector<16xi32>
        %eq3A_1233 = arith.cmpi eq, %iota3A, %eq3A_1232 : vector<16xi32>
        %xor3A_1234 = arith.constant 8 : i32
        %xor3A_1235 = vector.broadcast %xor3A_1234 : i32 to vector<16xi32>
        %xor3A_1236 = arith.xori %iota3A, %xor3A_1235 : vector<16xi32>
        %broadcast_in_dim3A_1237 = vector.shape_cast %xor3A_1236 : vector<16xi32> to vector<16x1xi32>
        %gather3A_1238 = vector.shape_cast %broadcast_in_dim3A_1237 : vector<16x1xi32> to vector<16xi32>
        %gather3A_1239 = tpu.dynamic_gather %add3A_1230[%gather3A_1238] in [0] : vector<16xf32>, vector<16xi32> -> vector<16xf32>
        %add3A_1240 = arith.addf %add3A_1230, %gather3A_1239 : vector<16xf32>
        %xor3A_1241 = arith.constant 4 : i32
        %xor3A_1242 = vector.broadcast %xor3A_1241 : i32 to vector<16xi32>
        %xor3A_1243 = arith.xori %iota3A, %xor3A_1242 : vector<16xi32>
        %broadcast_in_dim3A_1244 = vector.shape_cast %xor3A_1243 : vector<16xi32> to vector<16x1xi32>
        %gather3A_1245 = vector.shape_cast %broadcast_in_dim3A_1244 : vector<16x1xi32> to vector<16xi32>
        %gather3A_1246 = tpu.dynamic_gather %add3A_1240[%gather3A_1245] in [0] : vector<16xf32>, vector<16xi32> -> vector<16xf32>
        %add3A_1247 = arith.addf %add3A_1240, %gather3A_1246 : vector<16xf32>
        %xor3A_1248 = arith.constant 2 : i32
        %xor3A_1249 = vector.broadcast %xor3A_1248 : i32 to vector<16xi32>
        %xor3A_1250 = arith.xori %iota3A, %xor3A_1249 : vector<16xi32>
        %broadcast_in_dim3A_1251 = vector.shape_cast %xor3A_1250 : vector<16xi32> to vector<16x1xi32>
        %gather3A_1252 = vector.shape_cast %broadcast_in_dim3A_1251 : vector<16x1xi32> to vector<16xi32>
        %gather3A_1253 = tpu.dynamic_gather %add3A_1247[%gather3A_1252] in [0] : vector<16xf32>, vector<16xi32> -> vector<16xf32>
        %add3A_1254 = arith.addf %add3A_1247, %gather3A_1253 : vector<16xf32>
        %xor3A_1255 = arith.constant 1 : i32
        %xor3A_1256 = vector.broadcast %xor3A_1255 : i32 to vector<16xi32>
        %xor3A_1257 = arith.xori %iota3A, %xor3A_1256 : vector<16xi32>
        %broadcast_in_dim3A_1258 = vector.shape_cast %xor3A_1257 : vector<16xi32> to vector<16x1xi32>
        %gather3A_1259 = vector.shape_cast %broadcast_in_dim3A_1258 : vector<16x1xi32> to vector<16xi32>
        %gather3A_1260 = tpu.dynamic_gather %add3A_1254[%gather3A_1259] in [0] : vector<16xf32>, vector<16xi32> -> vector<16xf32>
        %add3A_1261 = arith.addf %add3A_1254, %gather3A_1260 : vector<16xf32>
        %select_n3A_1262 = arith.select %eq3A_1233, %add3A_1261, %select_n3A_1147 : vector<16xi1>, vector<16xf32>
        %mul3A_1263 = arith.constant 16 : i32
        %mul3A_1264 = arith.muli %scan3A_227, %mul3A_1263 : i32
        %add3A_1265 = arith.constant 9 : i32
        %add3A_1266 = arith.addi %mul3A_1264, %add3A_1265 : i32
        %get3A_1267 = arith.constant 0 : i32
        %get3A_1268 = arith.constant 0 : i32
        %get3A_1269 = tpu.memref_slice %arg14[%select_n3A_93, %get3A_1267, %get3A_1268] : memref<4x128x128xf32, #tpu.memory_space<vmem>> -> memref<1x128x128xf32, #tpu.memory_space<vmem>>
        %get3A_1270 = tpu.memref_squeeze %get3A_1269 : memref<1x128x128xf32, #tpu.memory_space<vmem>> -> memref<128x128xf32, #tpu.memory_space<vmem>>
        %get3A_1271 = arith.index_cast %add3A_1266 : i32 to index
        %get3A_1272 = arith.constant 0 : index
        %get3A_1273 = tpu.vector_load %get3A_1270[%get3A_1271, %get3A_1272] {strides = array<i32>} : memref<128x128xf32, #tpu.memory_space<vmem>>, vector<1x16xf32>,
        %get3A_1274 = vector.shape_cast %get3A_1273 : vector<1x16xf32> to vector<16xf32>
        %mul3A_1275 = arith.mulf %get3A_1274, %mul3A_150 : vector<16xf32>
        %get3A_1276 = arith.constant 0 : i32
        %get3A_1277 = arith.constant 0 : i32
        %get3A_1278 = tpu.memref_slice %arg14[%select_n3A_93, %get3A_1276, %get3A_1277] : memref<4x128x128xf32, #tpu.memory_space<vmem>> -> memref<1x128x128xf32, #tpu.memory_space<vmem>>
        %get3A_1279 = tpu.memref_squeeze %get3A_1278 : memref<1x128x128xf32, #tpu.memory_space<vmem>> -> memref<128x128xf32, #tpu.memory_space<vmem>>
        %get3A_1280 = arith.index_cast %add3A_1266 : i32 to index
        %get3A_1281 = arith.constant 16 : index
        %get3A_1282 = tpu.vector_load %get3A_1279[%get3A_1280, %get3A_1281] {strides = array<i32>} : memref<128x128xf32, #tpu.memory_space<vmem>>, vector<1x16xf32>,
        %get3A_1283 = vector.shape_cast %get3A_1282 : vector<1x16xf32> to vector<16xf32>
        %mul3A_1284 = arith.mulf %get3A_1283, %mul3A_159 : vector<16xf32>
        %add3A_1285 = arith.addf %mul3A_1275, %mul3A_1284 : vector<16xf32>
        %get3A_1286 = arith.constant 0 : i32
        %get3A_1287 = arith.constant 0 : i32
        %get3A_1288 = tpu.memref_slice %arg14[%select_n3A_93, %get3A_1286, %get3A_1287] : memref<4x128x128xf32, #tpu.memory_space<vmem>> -> memref<1x128x128xf32, #tpu.memory_space<vmem>>
        %get3A_1289 = tpu.memref_squeeze %get3A_1288 : memref<1x128x128xf32, #tpu.memory_space<vmem>> -> memref<128x128xf32, #tpu.memory_space<vmem>>
        %get3A_1290 = arith.index_cast %add3A_1266 : i32 to index
        %get3A_1291 = arith.constant 32 : index
        %get3A_1292 = tpu.vector_load %get3A_1289[%get3A_1290, %get3A_1291] {strides = array<i32>} : memref<128x128xf32, #tpu.memory_space<vmem>>, vector<1x16xf32>,
        %get3A_1293 = vector.shape_cast %get3A_1292 : vector<1x16xf32> to vector<16xf32>
        %mul3A_1294 = arith.mulf %get3A_1293, %mul3A_168 : vector<16xf32>
        %add3A_1295 = arith.addf %add3A_1285, %mul3A_1294 : vector<16xf32>
        %get3A_1296 = arith.constant 0 : i32
        %get3A_1297 = arith.constant 0 : i32
        %get3A_1298 = tpu.memref_slice %arg14[%select_n3A_93, %get3A_1296, %get3A_1297] : memref<4x128x128xf32, #tpu.memory_space<vmem>> -> memref<1x128x128xf32, #tpu.memory_space<vmem>>
        %get3A_1299 = tpu.memref_squeeze %get3A_1298 : memref<1x128x128xf32, #tpu.memory_space<vmem>> -> memref<128x128xf32, #tpu.memory_space<vmem>>
        %get3A_1300 = arith.index_cast %add3A_1266 : i32 to index
        %get3A_1301 = arith.constant 48 : index
        %get3A_1302 = tpu.vector_load %get3A_1299[%get3A_1300, %get3A_1301] {strides = array<i32>} : memref<128x128xf32, #tpu.memory_space<vmem>>, vector<1x16xf32>,
        %get3A_1303 = vector.shape_cast %get3A_1302 : vector<1x16xf32> to vector<16xf32>
        %mul3A_1304 = arith.mulf %get3A_1303, %mul3A_177 : vector<16xf32>
        %add3A_1305 = arith.addf %add3A_1295, %mul3A_1304 : vector<16xf32>
        %get3A_1306 = arith.constant 0 : i32
        %get3A_1307 = arith.constant 0 : i32
        %get3A_1308 = tpu.memref_slice %arg14[%select_n3A_93, %get3A_1306, %get3A_1307] : memref<4x128x128xf32, #tpu.memory_space<vmem>> -> memref<1x128x128xf32, #tpu.memory_space<vmem>>
        %get3A_1309 = tpu.memref_squeeze %get3A_1308 : memref<1x128x128xf32, #tpu.memory_space<vmem>> -> memref<128x128xf32, #tpu.memory_space<vmem>>
        %get3A_1310 = arith.index_cast %add3A_1266 : i32 to index
        %get3A_1311 = arith.constant 64 : index
        %get3A_1312 = tpu.vector_load %get3A_1309[%get3A_1310, %get3A_1311] {strides = array<i32>} : memref<128x128xf32, #tpu.memory_space<vmem>>, vector<1x16xf32>,
        %get3A_1313 = vector.shape_cast %get3A_1312 : vector<1x16xf32> to vector<16xf32>
        %mul3A_1314 = arith.mulf %get3A_1313, %mul3A_186 : vector<16xf32>
        %add3A_1315 = arith.addf %add3A_1305, %mul3A_1314 : vector<16xf32>
        %get3A_1316 = arith.constant 0 : i32
        %get3A_1317 = arith.constant 0 : i32
        %get3A_1318 = tpu.memref_slice %arg14[%select_n3A_93, %get3A_1316, %get3A_1317] : memref<4x128x128xf32, #tpu.memory_space<vmem>> -> memref<1x128x128xf32, #tpu.memory_space<vmem>>
        %get3A_1319 = tpu.memref_squeeze %get3A_1318 : memref<1x128x128xf32, #tpu.memory_space<vmem>> -> memref<128x128xf32, #tpu.memory_space<vmem>>
        %get3A_1320 = arith.index_cast %add3A_1266 : i32 to index
        %get3A_1321 = arith.constant 80 : index
        %get3A_1322 = tpu.vector_load %get3A_1319[%get3A_1320, %get3A_1321] {strides = array<i32>} : memref<128x128xf32, #tpu.memory_space<vmem>>, vector<1x16xf32>,
        %get3A_1323 = vector.shape_cast %get3A_1322 : vector<1x16xf32> to vector<16xf32>
        %mul3A_1324 = arith.mulf %get3A_1323, %mul3A_195 : vector<16xf32>
        %add3A_1325 = arith.addf %add3A_1315, %mul3A_1324 : vector<16xf32>
        %get3A_1326 = arith.constant 0 : i32
        %get3A_1327 = arith.constant 0 : i32
        %get3A_1328 = tpu.memref_slice %arg14[%select_n3A_93, %get3A_1326, %get3A_1327] : memref<4x128x128xf32, #tpu.memory_space<vmem>> -> memref<1x128x128xf32, #tpu.memory_space<vmem>>
        %get3A_1329 = tpu.memref_squeeze %get3A_1328 : memref<1x128x128xf32, #tpu.memory_space<vmem>> -> memref<128x128xf32, #tpu.memory_space<vmem>>
        %get3A_1330 = arith.index_cast %add3A_1266 : i32 to index
        %get3A_1331 = arith.constant 96 : index
        %get3A_1332 = tpu.vector_load %get3A_1329[%get3A_1330, %get3A_1331] {strides = array<i32>} : memref<128x128xf32, #tpu.memory_space<vmem>>, vector<1x16xf32>,
        %get3A_1333 = vector.shape_cast %get3A_1332 : vector<1x16xf32> to vector<16xf32>
        %mul3A_1334 = arith.mulf %get3A_1333, %mul3A_204 : vector<16xf32>
        %add3A_1335 = arith.addf %add3A_1325, %mul3A_1334 : vector<16xf32>
        %get3A_1336 = arith.constant 0 : i32
        %get3A_1337 = arith.constant 0 : i32
        %get3A_1338 = tpu.memref_slice %arg14[%select_n3A_93, %get3A_1336, %get3A_1337] : memref<4x128x128xf32, #tpu.memory_space<vmem>> -> memref<1x128x128xf32, #tpu.memory_space<vmem>>
        %get3A_1339 = tpu.memref_squeeze %get3A_1338 : memref<1x128x128xf32, #tpu.memory_space<vmem>> -> memref<128x128xf32, #tpu.memory_space<vmem>>
        %get3A_1340 = arith.index_cast %add3A_1266 : i32 to index
        %get3A_1341 = arith.constant 112 : index
        %get3A_1342 = tpu.vector_load %get3A_1339[%get3A_1340, %get3A_1341] {strides = array<i32>} : memref<128x128xf32, #tpu.memory_space<vmem>>, vector<1x16xf32>,
        %get3A_1343 = vector.shape_cast %get3A_1342 : vector<1x16xf32> to vector<16xf32>
        %mul3A_1344 = arith.mulf %get3A_1343, %mul3A_213 : vector<16xf32>
        %add3A_1345 = arith.addf %add3A_1335, %mul3A_1344 : vector<16xf32>
        %eq3A_1346 = arith.constant 9 : i32
        %eq3A_1347 = vector.broadcast %eq3A_1346 : i32 to vector<16xi32>
        %eq3A_1348 = arith.cmpi eq, %iota3A, %eq3A_1347 : vector<16xi32>
        %xor3A_1349 = arith.constant 8 : i32
        %xor3A_1350 = vector.broadcast %xor3A_1349 : i32 to vector<16xi32>
        %xor3A_1351 = arith.xori %iota3A, %xor3A_1350 : vector<16xi32>
        %broadcast_in_dim3A_1352 = vector.shape_cast %xor3A_1351 : vector<16xi32> to vector<16x1xi32>
        %gather3A_1353 = vector.shape_cast %broadcast_in_dim3A_1352 : vector<16x1xi32> to vector<16xi32>
        %gather3A_1354 = tpu.dynamic_gather %add3A_1345[%gather3A_1353] in [0] : vector<16xf32>, vector<16xi32> -> vector<16xf32>
        %add3A_1355 = arith.addf %add3A_1345, %gather3A_1354 : vector<16xf32>
        %xor3A_1356 = arith.constant 4 : i32
        %xor3A_1357 = vector.broadcast %xor3A_1356 : i32 to vector<16xi32>
        %xor3A_1358 = arith.xori %iota3A, %xor3A_1357 : vector<16xi32>
        %broadcast_in_dim3A_1359 = vector.shape_cast %xor3A_1358 : vector<16xi32> to vector<16x1xi32>
        %gather3A_1360 = vector.shape_cast %broadcast_in_dim3A_1359 : vector<16x1xi32> to vector<16xi32>
        %gather3A_1361 = tpu.dynamic_gather %add3A_1355[%gather3A_1360] in [0] : vector<16xf32>, vector<16xi32> -> vector<16xf32>
        %add3A_1362 = arith.addf %add3A_1355, %gather3A_1361 : vector<16xf32>
        %xor3A_1363 = arith.constant 2 : i32
        %xor3A_1364 = vector.broadcast %xor3A_1363 : i32 to vector<16xi32>
        %xor3A_1365 = arith.xori %iota3A, %xor3A_1364 : vector<16xi32>
        %broadcast_in_dim3A_1366 = vector.shape_cast %xor3A_1365 : vector<16xi32> to vector<16x1xi32>
        %gather3A_1367 = vector.shape_cast %broadcast_in_dim3A_1366 : vector<16x1xi32> to vector<16xi32>
        %gather3A_1368 = tpu.dynamic_gather %add3A_1362[%gather3A_1367] in [0] : vector<16xf32>, vector<16xi32> -> vector<16xf32>
        %add3A_1369 = arith.addf %add3A_1362, %gather3A_1368 : vector<16xf32>
        %xor3A_1370 = arith.constant 1 : i32
        %xor3A_1371 = vector.broadcast %xor3A_1370 : i32 to vector<16xi32>
        %xor3A_1372 = arith.xori %iota3A, %xor3A_1371 : vector<16xi32>
        %broadcast_in_dim3A_1373 = vector.shape_cast %xor3A_1372 : vector<16xi32> to vector<16x1xi32>
        %gather3A_1374 = vector.shape_cast %broadcast_in_dim3A_1373 : vector<16x1xi32> to vector<16xi32>
        %gather3A_1375 = tpu.dynamic_gather %add3A_1369[%gather3A_1374] in [0] : vector<16xf32>, vector<16xi32> -> vector<16xf32>
        %add3A_1376 = arith.addf %add3A_1369, %gather3A_1375 : vector<16xf32>
        %select_n3A_1377 = arith.select %eq3A_1348, %add3A_1376, %select_n3A_1262 : vector<16xi1>, vector<16xf32>
        %mul3A_1378 = arith.constant 16 : i32
        %mul3A_1379 = arith.muli %scan3A_227, %mul3A_1378 : i32
        %add3A_1380 = arith.constant 10 : i32
        %add3A_1381 = arith.addi %mul3A_1379, %add3A_1380 : i32
        %get3A_1382 = arith.constant 0 : i32
        %get3A_1383 = arith.constant 0 : i32
        %get3A_1384 = tpu.memref_slice %arg14[%select_n3A_93, %get3A_1382, %get3A_1383] : memref<4x128x128xf32, #tpu.memory_space<vmem>> -> memref<1x128x128xf32, #tpu.memory_space<vmem>>
        %get3A_1385 = tpu.memref_squeeze %get3A_1384 : memref<1x128x128xf32, #tpu.memory_space<vmem>> -> memref<128x128xf32, #tpu.memory_space<vmem>>
        %get3A_1386 = arith.index_cast %add3A_1381 : i32 to index
        %get3A_1387 = arith.constant 0 : index
        %get3A_1388 = tpu.vector_load %get3A_1385[%get3A_1386, %get3A_1387] {strides = array<i32>} : memref<128x128xf32, #tpu.memory_space<vmem>>, vector<1x16xf32>,
        %get3A_1389 = vector.shape_cast %get3A_1388 : vector<1x16xf32> to vector<16xf32>
        %mul3A_1390 = arith.mulf %get3A_1389, %mul3A_150 : vector<16xf32>
        %get3A_1391 = arith.constant 0 : i32
        %get3A_1392 = arith.constant 0 : i32
        %get3A_1393 = tpu.memref_slice %arg14[%select_n3A_93, %get3A_1391, %get3A_1392] : memref<4x128x128xf32, #tpu.memory_space<vmem>> -> memref<1x128x128xf32, #tpu.memory_space<vmem>>
        %get3A_1394 = tpu.memref_squeeze %get3A_1393 : memref<1x128x128xf32, #tpu.memory_space<vmem>> -> memref<128x128xf32, #tpu.memory_space<vmem>>
        %get3A_1395 = arith.index_cast %add3A_1381 : i32 to index
        %get3A_1396 = arith.constant 16 : index
        %get3A_1397 = tpu.vector_load %get3A_1394[%get3A_1395, %get3A_1396] {strides = array<i32>} : memref<128x128xf32, #tpu.memory_space<vmem>>, vector<1x16xf32>,
        %get3A_1398 = vector.shape_cast %get3A_1397 : vector<1x16xf32> to vector<16xf32>
        %mul3A_1399 = arith.mulf %get3A_1398, %mul3A_159 : vector<16xf32>
        %add3A_1400 = arith.addf %mul3A_1390, %mul3A_1399 : vector<16xf32>
        %get3A_1401 = arith.constant 0 : i32
        %get3A_1402 = arith.constant 0 : i32
        %get3A_1403 = tpu.memref_slice %arg14[%select_n3A_93, %get3A_1401, %get3A_1402] : memref<4x128x128xf32, #tpu.memory_space<vmem>> -> memref<1x128x128xf32, #tpu.memory_space<vmem>>
        %get3A_1404 = tpu.memref_squeeze %get3A_1403 : memref<1x128x128xf32, #tpu.memory_space<vmem>> -> memref<128x128xf32, #tpu.memory_space<vmem>>
        %get3A_1405 = arith.index_cast %add3A_1381 : i32 to index
        %get3A_1406 = arith.constant 32 : index
        %get3A_1407 = tpu.vector_load %get3A_1404[%get3A_1405, %get3A_1406] {strides = array<i32>} : memref<128x128xf32, #tpu.memory_space<vmem>>, vector<1x16xf32>,
        %get3A_1408 = vector.shape_cast %get3A_1407 : vector<1x16xf32> to vector<16xf32>
        %mul3A_1409 = arith.mulf %get3A_1408, %mul3A_168 : vector<16xf32>
        %add3A_1410 = arith.addf %add3A_1400, %mul3A_1409 : vector<16xf32>
        %get3A_1411 = arith.constant 0 : i32
        %get3A_1412 = arith.constant 0 : i32
        %get3A_1413 = tpu.memref_slice %arg14[%select_n3A_93, %get3A_1411, %get3A_1412] : memref<4x128x128xf32, #tpu.memory_space<vmem>> -> memref<1x128x128xf32, #tpu.memory_space<vmem>>
        %get3A_1414 = tpu.memref_squeeze %get3A_1413 : memref<1x128x128xf32, #tpu.memory_space<vmem>> -> memref<128x128xf32, #tpu.memory_space<vmem>>
        %get3A_1415 = arith.index_cast %add3A_1381 : i32 to index
        %get3A_1416 = arith.constant 48 : index
        %get3A_1417 = tpu.vector_load %get3A_1414[%get3A_1415, %get3A_1416] {strides = array<i32>} : memref<128x128xf32, #tpu.memory_space<vmem>>, vector<1x16xf32>,
        %get3A_1418 = vector.shape_cast %get3A_1417 : vector<1x16xf32> to vector<16xf32>
        %mul3A_1419 = arith.mulf %get3A_1418, %mul3A_177 : vector<16xf32>
        %add3A_1420 = arith.addf %add3A_1410, %mul3A_1419 : vector<16xf32>
        %get3A_1421 = arith.constant 0 : i32
        %get3A_1422 = arith.constant 0 : i32
        %get3A_1423 = tpu.memref_slice %arg14[%select_n3A_93, %get3A_1421, %get3A_1422] : memref<4x128x128xf32, #tpu.memory_space<vmem>> -> memref<1x128x128xf32, #tpu.memory_space<vmem>>
        %get3A_1424 = tpu.memref_squeeze %get3A_1423 : memref<1x128x128xf32, #tpu.memory_space<vmem>> -> memref<128x128xf32, #tpu.memory_space<vmem>>
        %get3A_1425 = arith.index_cast %add3A_1381 : i32 to index
        %get3A_1426 = arith.constant 64 : index
        %get3A_1427 = tpu.vector_load %get3A_1424[%get3A_1425, %get3A_1426] {strides = array<i32>} : memref<128x128xf32, #tpu.memory_space<vmem>>, vector<1x16xf32>,
        %get3A_1428 = vector.shape_cast %get3A_1427 : vector<1x16xf32> to vector<16xf32>
        %mul3A_1429 = arith.mulf %get3A_1428, %mul3A_186 : vector<16xf32>
        %add3A_1430 = arith.addf %add3A_1420, %mul3A_1429 : vector<16xf32>
        %get3A_1431 = arith.constant 0 : i32
        %get3A_1432 = arith.constant 0 : i32
        %get3A_1433 = tpu.memref_slice %arg14[%select_n3A_93, %get3A_1431, %get3A_1432] : memref<4x128x128xf32, #tpu.memory_space<vmem>> -> memref<1x128x128xf32, #tpu.memory_space<vmem>>
        %get3A_1434 = tpu.memref_squeeze %get3A_1433 : memref<1x128x128xf32, #tpu.memory_space<vmem>> -> memref<128x128xf32, #tpu.memory_space<vmem>>
        %get3A_1435 = arith.index_cast %add3A_1381 : i32 to index
        %get3A_1436 = arith.constant 80 : index
        %get3A_1437 = tpu.vector_load %get3A_1434[%get3A_1435, %get3A_1436] {strides = array<i32>} : memref<128x128xf32, #tpu.memory_space<vmem>>, vector<1x16xf32>,
        %get3A_1438 = vector.shape_cast %get3A_1437 : vector<1x16xf32> to vector<16xf32>
        %mul3A_1439 = arith.mulf %get3A_1438, %mul3A_195 : vector<16xf32>
        %add3A_1440 = arith.addf %add3A_1430, %mul3A_1439 : vector<16xf32>
        %get3A_1441 = arith.constant 0 : i32
        %get3A_1442 = arith.constant 0 : i32
        %get3A_1443 = tpu.memref_slice %arg14[%select_n3A_93, %get3A_1441, %get3A_1442] : memref<4x128x128xf32, #tpu.memory_space<vmem>> -> memref<1x128x128xf32, #tpu.memory_space<vmem>>
        %get3A_1444 = tpu.memref_squeeze %get3A_1443 : memref<1x128x128xf32, #tpu.memory_space<vmem>> -> memref<128x128xf32, #tpu.memory_space<vmem>>
        %get3A_1445 = arith.index_cast %add3A_1381 : i32 to index
        %get3A_1446 = arith.constant 96 : index
        %get3A_1447 = tpu.vector_load %get3A_1444[%get3A_1445, %get3A_1446] {strides = array<i32>} : memref<128x128xf32, #tpu.memory_space<vmem>>, vector<1x16xf32>,
        %get3A_1448 = vector.shape_cast %get3A_1447 : vector<1x16xf32> to vector<16xf32>
        %mul3A_1449 = arith.mulf %get3A_1448, %mul3A_204 : vector<16xf32>
        %add3A_1450 = arith.addf %add3A_1440, %mul3A_1449 : vector<16xf32>
        %get3A_1451 = arith.constant 0 : i32
        %get3A_1452 = arith.constant 0 : i32
        %get3A_1453 = tpu.memref_slice %arg14[%select_n3A_93, %get3A_1451, %get3A_1452] : memref<4x128x128xf32, #tpu.memory_space<vmem>> -> memref<1x128x128xf32, #tpu.memory_space<vmem>>
        %get3A_1454 = tpu.memref_squeeze %get3A_1453 : memref<1x128x128xf32, #tpu.memory_space<vmem>> -> memref<128x128xf32, #tpu.memory_space<vmem>>
        %get3A_1455 = arith.index_cast %add3A_1381 : i32 to index
        %get3A_1456 = arith.constant 112 : index
        %get3A_1457 = tpu.vector_load %get3A_1454[%get3A_1455, %get3A_1456] {strides = array<i32>} : memref<128x128xf32, #tpu.memory_space<vmem>>, vector<1x16xf32>,
        %get3A_1458 = vector.shape_cast %get3A_1457 : vector<1x16xf32> to vector<16xf32>
        %mul3A_1459 = arith.mulf %get3A_1458, %mul3A_213 : vector<16xf32>
        %add3A_1460 = arith.addf %add3A_1450, %mul3A_1459 : vector<16xf32>
        %eq3A_1461 = arith.constant 10 : i32
        %eq3A_1462 = vector.broadcast %eq3A_1461 : i32 to vector<16xi32>
        %eq3A_1463 = arith.cmpi eq, %iota3A, %eq3A_1462 : vector<16xi32>
        %xor3A_1464 = arith.constant 8 : i32
        %xor3A_1465 = vector.broadcast %xor3A_1464 : i32 to vector<16xi32>
        %xor3A_1466 = arith.xori %iota3A, %xor3A_1465 : vector<16xi32>
        %broadcast_in_dim3A_1467 = vector.shape_cast %xor3A_1466 : vector<16xi32> to vector<16x1xi32>
        %gather3A_1468 = vector.shape_cast %broadcast_in_dim3A_1467 : vector<16x1xi32> to vector<16xi32>
        %gather3A_1469 = tpu.dynamic_gather %add3A_1460[%gather3A_1468] in [0] : vector<16xf32>, vector<16xi32> -> vector<16xf32>
        %add3A_1470 = arith.addf %add3A_1460, %gather3A_1469 : vector<16xf32>
        %xor3A_1471 = arith.constant 4 : i32
        %xor3A_1472 = vector.broadcast %xor3A_1471 : i32 to vector<16xi32>
        %xor3A_1473 = arith.xori %iota3A, %xor3A_1472 : vector<16xi32>
        %broadcast_in_dim3A_1474 = vector.shape_cast %xor3A_1473 : vector<16xi32> to vector<16x1xi32>
        %gather3A_1475 = vector.shape_cast %broadcast_in_dim3A_1474 : vector<16x1xi32> to vector<16xi32>
        %gather3A_1476 = tpu.dynamic_gather %add3A_1470[%gather3A_1475] in [0] : vector<16xf32>, vector<16xi32> -> vector<16xf32>
        %add3A_1477 = arith.addf %add3A_1470, %gather3A_1476 : vector<16xf32>
        %xor3A_1478 = arith.constant 2 : i32
        %xor3A_1479 = vector.broadcast %xor3A_1478 : i32 to vector<16xi32>
        %xor3A_1480 = arith.xori %iota3A, %xor3A_1479 : vector<16xi32>
        %broadcast_in_dim3A_1481 = vector.shape_cast %xor3A_1480 : vector<16xi32> to vector<16x1xi32>
        %gather3A_1482 = vector.shape_cast %broadcast_in_dim3A_1481 : vector<16x1xi32> to vector<16xi32>
        %gather3A_1483 = tpu.dynamic_gather %add3A_1477[%gather3A_1482] in [0] : vector<16xf32>, vector<16xi32> -> vector<16xf32>
        %add3A_1484 = arith.addf %add3A_1477, %gather3A_1483 : vector<16xf32>
        %xor3A_1485 = arith.constant 1 : i32
        %xor3A_1486 = vector.broadcast %xor3A_1485 : i32 to vector<16xi32>
        %xor3A_1487 = arith.xori %iota3A, %xor3A_1486 : vector<16xi32>
        %broadcast_in_dim3A_1488 = vector.shape_cast %xor3A_1487 : vector<16xi32> to vector<16x1xi32>
        %gather3A_1489 = vector.shape_cast %broadcast_in_dim3A_1488 : vector<16x1xi32> to vector<16xi32>
        %gather3A_1490 = tpu.dynamic_gather %add3A_1484[%gather3A_1489] in [0] : vector<16xf32>, vector<16xi32> -> vector<16xf32>
        %add3A_1491 = arith.addf %add3A_1484, %gather3A_1490 : vector<16xf32>
        %select_n3A_1492 = arith.select %eq3A_1463, %add3A_1491, %select_n3A_1377 : vector<16xi1>, vector<16xf32>
        %mul3A_1493 = arith.constant 16 : i32
        %mul3A_1494 = arith.muli %scan3A_227, %mul3A_1493 : i32
        %add3A_1495 = arith.constant 11 : i32
        %add3A_1496 = arith.addi %mul3A_1494, %add3A_1495 : i32
        %get3A_1497 = arith.constant 0 : i32
        %get3A_1498 = arith.constant 0 : i32
        %get3A_1499 = tpu.memref_slice %arg14[%select_n3A_93, %get3A_1497, %get3A_1498] : memref<4x128x128xf32, #tpu.memory_space<vmem>> -> memref<1x128x128xf32, #tpu.memory_space<vmem>>
        %get3A_1500 = tpu.memref_squeeze %get3A_1499 : memref<1x128x128xf32, #tpu.memory_space<vmem>> -> memref<128x128xf32, #tpu.memory_space<vmem>>
        %get3A_1501 = arith.index_cast %add3A_1496 : i32 to index
        %get3A_1502 = arith.constant 0 : index
        %get3A_1503 = tpu.vector_load %get3A_1500[%get3A_1501, %get3A_1502] {strides = array<i32>} : memref<128x128xf32, #tpu.memory_space<vmem>>, vector<1x16xf32>,
        %get3A_1504 = vector.shape_cast %get3A_1503 : vector<1x16xf32> to vector<16xf32>
        %mul3A_1505 = arith.mulf %get3A_1504, %mul3A_150 : vector<16xf32>
        %get3A_1506 = arith.constant 0 : i32
        %get3A_1507 = arith.constant 0 : i32
        %get3A_1508 = tpu.memref_slice %arg14[%select_n3A_93, %get3A_1506, %get3A_1507] : memref<4x128x128xf32, #tpu.memory_space<vmem>> -> memref<1x128x128xf32, #tpu.memory_space<vmem>>
        %get3A_1509 = tpu.memref_squeeze %get3A_1508 : memref<1x128x128xf32, #tpu.memory_space<vmem>> -> memref<128x128xf32, #tpu.memory_space<vmem>>
        %get3A_1510 = arith.index_cast %add3A_1496 : i32 to index
        %get3A_1511 = arith.constant 16 : index
        %get3A_1512 = tpu.vector_load %get3A_1509[%get3A_1510, %get3A_1511] {strides = array<i32>} : memref<128x128xf32, #tpu.memory_space<vmem>>, vector<1x16xf32>,
        %get3A_1513 = vector.shape_cast %get3A_1512 : vector<1x16xf32> to vector<16xf32>
        %mul3A_1514 = arith.mulf %get3A_1513, %mul3A_159 : vector<16xf32>
        %add3A_1515 = arith.addf %mul3A_1505, %mul3A_1514 : vector<16xf32>
        %get3A_1516 = arith.constant 0 : i32
        %get3A_1517 = arith.constant 0 : i32
        %get3A_1518 = tpu.memref_slice %arg14[%select_n3A_93, %get3A_1516, %get3A_1517] : memref<4x128x128xf32, #tpu.memory_space<vmem>> -> memref<1x128x128xf32, #tpu.memory_space<vmem>>
        %get3A_1519 = tpu.memref_squeeze %get3A_1518 : memref<1x128x128xf32, #tpu.memory_space<vmem>> -> memref<128x128xf32, #tpu.memory_space<vmem>>
        %get3A_1520 = arith.index_cast %add3A_1496 : i32 to index
        %get3A_1521 = arith.constant 32 : index
        %get3A_1522 = tpu.vector_load %get3A_1519[%get3A_1520, %get3A_1521] {strides = array<i32>} : memref<128x128xf32, #tpu.memory_space<vmem>>, vector<1x16xf32>,
        %get3A_1523 = vector.shape_cast %get3A_1522 : vector<1x16xf32> to vector<16xf32>
        %mul3A_1524 = arith.mulf %get3A_1523, %mul3A_168 : vector<16xf32>
        %add3A_1525 = arith.addf %add3A_1515, %mul3A_1524 : vector<16xf32>
        %get3A_1526 = arith.constant 0 : i32
        %get3A_1527 = arith.constant 0 : i32
        %get3A_1528 = tpu.memref_slice %arg14[%select_n3A_93, %get3A_1526, %get3A_1527] : memref<4x128x128xf32, #tpu.memory_space<vmem>> -> memref<1x128x128xf32, #tpu.memory_space<vmem>>
        %get3A_1529 = tpu.memref_squeeze %get3A_1528 : memref<1x128x128xf32, #tpu.memory_space<vmem>> -> memref<128x128xf32, #tpu.memory_space<vmem>>
        %get3A_1530 = arith.index_cast %add3A_1496 : i32 to index
        %get3A_1531 = arith.constant 48 : index
        %get3A_1532 = tpu.vector_load %get3A_1529[%get3A_1530, %get3A_1531] {strides = array<i32>} : memref<128x128xf32, #tpu.memory_space<vmem>>, vector<1x16xf32>,
        %get3A_1533 = vector.shape_cast %get3A_1532 : vector<1x16xf32> to vector<16xf32>
        %mul3A_1534 = arith.mulf %get3A_1533, %mul3A_177 : vector<16xf32>
        %add3A_1535 = arith.addf %add3A_1525, %mul3A_1534 : vector<16xf32>
        %get3A_1536 = arith.constant 0 : i32
        %get3A_1537 = arith.constant 0 : i32
        %get3A_1538 = tpu.memref_slice %arg14[%select_n3A_93, %get3A_1536, %get3A_1537] : memref<4x128x128xf32, #tpu.memory_space<vmem>> -> memref<1x128x128xf32, #tpu.memory_space<vmem>>
        %get3A_1539 = tpu.memref_squeeze %get3A_1538 : memref<1x128x128xf32, #tpu.memory_space<vmem>> -> memref<128x128xf32, #tpu.memory_space<vmem>>
        %get3A_1540 = arith.index_cast %add3A_1496 : i32 to index
        %get3A_1541 = arith.constant 64 : index
        %get3A_1542 = tpu.vector_load %get3A_1539[%get3A_1540, %get3A_1541] {strides = array<i32>} : memref<128x128xf32, #tpu.memory_space<vmem>>, vector<1x16xf32>,
        %get3A_1543 = vector.shape_cast %get3A_1542 : vector<1x16xf32> to vector<16xf32>
        %mul3A_1544 = arith.mulf %get3A_1543, %mul3A_186 : vector<16xf32>
        %add3A_1545 = arith.addf %add3A_1535, %mul3A_1544 : vector<16xf32>
        %get3A_1546 = arith.constant 0 : i32
        %get3A_1547 = arith.constant 0 : i32
        %get3A_1548 = tpu.memref_slice %arg14[%select_n3A_93, %get3A_1546, %get3A_1547] : memref<4x128x128xf32, #tpu.memory_space<vmem>> -> memref<1x128x128xf32, #tpu.memory_space<vmem>>
        %get3A_1549 = tpu.memref_squeeze %get3A_1548 : memref<1x128x128xf32, #tpu.memory_space<vmem>> -> memref<128x128xf32, #tpu.memory_space<vmem>>
        %get3A_1550 = arith.index_cast %add3A_1496 : i32 to index
        %get3A_1551 = arith.constant 80 : index
        %get3A_1552 = tpu.vector_load %get3A_1549[%get3A_1550, %get3A_1551] {strides = array<i32>} : memref<128x128xf32, #tpu.memory_space<vmem>>, vector<1x16xf32>,
        %get3A_1553 = vector.shape_cast %get3A_1552 : vector<1x16xf32> to vector<16xf32>
        %mul3A_1554 = arith.mulf %get3A_1553, %mul3A_195 : vector<16xf32>
        %add3A_1555 = arith.addf %add3A_1545, %mul3A_1554 : vector<16xf32>
        %get3A_1556 = arith.constant 0 : i32
        %get3A_1557 = arith.constant 0 : i32
        %get3A_1558 = tpu.memref_slice %arg14[%select_n3A_93, %get3A_1556, %get3A_1557] : memref<4x128x128xf32, #tpu.memory_space<vmem>> -> memref<1x128x128xf32, #tpu.memory_space<vmem>>
        %get3A_1559 = tpu.memref_squeeze %get3A_1558 : memref<1x128x128xf32, #tpu.memory_space<vmem>> -> memref<128x128xf32, #tpu.memory_space<vmem>>
        %get3A_1560 = arith.index_cast %add3A_1496 : i32 to index
        %get3A_1561 = arith.constant 96 : index
        %get3A_1562 = tpu.vector_load %get3A_1559[%get3A_1560, %get3A_1561] {strides = array<i32>} : memref<128x128xf32, #tpu.memory_space<vmem>>, vector<1x16xf32>,
        %get3A_1563 = vector.shape_cast %get3A_1562 : vector<1x16xf32> to vector<16xf32>
        %mul3A_1564 = arith.mulf %get3A_1563, %mul3A_204 : vector<16xf32>
        %add3A_1565 = arith.addf %add3A_1555, %mul3A_1564 : vector<16xf32>
        %get3A_1566 = arith.constant 0 : i32
        %get3A_1567 = arith.constant 0 : i32
        %get3A_1568 = tpu.memref_slice %arg14[%select_n3A_93, %get3A_1566, %get3A_1567] : memref<4x128x128xf32, #tpu.memory_space<vmem>> -> memref<1x128x128xf32, #tpu.memory_space<vmem>>
        %get3A_1569 = tpu.memref_squeeze %get3A_1568 : memref<1x128x128xf32, #tpu.memory_space<vmem>> -> memref<128x128xf32, #tpu.memory_space<vmem>>
        %get3A_1570 = arith.index_cast %add3A_1496 : i32 to index
        %get3A_1571 = arith.constant 112 : index
        %get3A_1572 = tpu.vector_load %get3A_1569[%get3A_1570, %get3A_1571] {strides = array<i32>} : memref<128x128xf32, #tpu.memory_space<vmem>>, vector<1x16xf32>,
        %get3A_1573 = vector.shape_cast %get3A_1572 : vector<1x16xf32> to vector<16xf32>
        %mul3A_1574 = arith.mulf %get3A_1573, %mul3A_213 : vector<16xf32>
        %add3A_1575 = arith.addf %add3A_1565, %mul3A_1574 : vector<16xf32>
        %eq3A_1576 = arith.constant 11 : i32
        %eq3A_1577 = vector.broadcast %eq3A_1576 : i32 to vector<16xi32>
        %eq3A_1578 = arith.cmpi eq, %iota3A, %eq3A_1577 : vector<16xi32>
        %xor3A_1579 = arith.constant 8 : i32
        %xor3A_1580 = vector.broadcast %xor3A_1579 : i32 to vector<16xi32>
        %xor3A_1581 = arith.xori %iota3A, %xor3A_1580 : vector<16xi32>
        %broadcast_in_dim3A_1582 = vector.shape_cast %xor3A_1581 : vector<16xi32> to vector<16x1xi32>
        %gather3A_1583 = vector.shape_cast %broadcast_in_dim3A_1582 : vector<16x1xi32> to vector<16xi32>
        %gather3A_1584 = tpu.dynamic_gather %add3A_1575[%gather3A_1583] in [0] : vector<16xf32>, vector<16xi32> -> vector<16xf32>
        %add3A_1585 = arith.addf %add3A_1575, %gather3A_1584 : vector<16xf32>
        %xor3A_1586 = arith.constant 4 : i32
        %xor3A_1587 = vector.broadcast %xor3A_1586 : i32 to vector<16xi32>
        %xor3A_1588 = arith.xori %iota3A, %xor3A_1587 : vector<16xi32>
        %broadcast_in_dim3A_1589 = vector.shape_cast %xor3A_1588 : vector<16xi32> to vector<16x1xi32>
        %gather3A_1590 = vector.shape_cast %broadcast_in_dim3A_1589 : vector<16x1xi32> to vector<16xi32>
        %gather3A_1591 = tpu.dynamic_gather %add3A_1585[%gather3A_1590] in [0] : vector<16xf32>, vector<16xi32> -> vector<16xf32>
        %add3A_1592 = arith.addf %add3A_1585, %gather3A_1591 : vector<16xf32>
        %xor3A_1593 = arith.constant 2 : i32
        %xor3A_1594 = vector.broadcast %xor3A_1593 : i32 to vector<16xi32>
        %xor3A_1595 = arith.xori %iota3A, %xor3A_1594 : vector<16xi32>
        %broadcast_in_dim3A_1596 = vector.shape_cast %xor3A_1595 : vector<16xi32> to vector<16x1xi32>
        %gather3A_1597 = vector.shape_cast %broadcast_in_dim3A_1596 : vector<16x1xi32> to vector<16xi32>
        %gather3A_1598 = tpu.dynamic_gather %add3A_1592[%gather3A_1597] in [0] : vector<16xf32>, vector<16xi32> -> vector<16xf32>
        %add3A_1599 = arith.addf %add3A_1592, %gather3A_1598 : vector<16xf32>
        %xor3A_1600 = arith.constant 1 : i32
        %xor3A_1601 = vector.broadcast %xor3A_1600 : i32 to vector<16xi32>
        %xor3A_1602 = arith.xori %iota3A, %xor3A_1601 : vector<16xi32>
        %broadcast_in_dim3A_1603 = vector.shape_cast %xor3A_1602 : vector<16xi32> to vector<16x1xi32>
        %gather3A_1604 = vector.shape_cast %broadcast_in_dim3A_1603 : vector<16x1xi32> to vector<16xi32>
        %gather3A_1605 = tpu.dynamic_gather %add3A_1599[%gather3A_1604] in [0] : vector<16xf32>, vector<16xi32> -> vector<16xf32>
        %add3A_1606 = arith.addf %add3A_1599, %gather3A_1605 : vector<16xf32>
        %select_n3A_1607 = arith.select %eq3A_1578, %add3A_1606, %select_n3A_1492 : vector<16xi1>, vector<16xf32>
        %mul3A_1608 = arith.constant 16 : i32
        %mul3A_1609 = arith.muli %scan3A_227, %mul3A_1608 : i32
        %add3A_1610 = arith.constant 12 : i32
        %add3A_1611 = arith.addi %mul3A_1609, %add3A_1610 : i32
        %get3A_1612 = arith.constant 0 : i32
        %get3A_1613 = arith.constant 0 : i32
        %get3A_1614 = tpu.memref_slice %arg14[%select_n3A_93, %get3A_1612, %get3A_1613] : memref<4x128x128xf32, #tpu.memory_space<vmem>> -> memref<1x128x128xf32, #tpu.memory_space<vmem>>
        %get3A_1615 = tpu.memref_squeeze %get3A_1614 : memref<1x128x128xf32, #tpu.memory_space<vmem>> -> memref<128x128xf32, #tpu.memory_space<vmem>>
        %get3A_1616 = arith.index_cast %add3A_1611 : i32 to index
        %get3A_1617 = arith.constant 0 : index
        %get3A_1618 = tpu.vector_load %get3A_1615[%get3A_1616, %get3A_1617] {strides = array<i32>} : memref<128x128xf32, #tpu.memory_space<vmem>>, vector<1x16xf32>,
        %get3A_1619 = vector.shape_cast %get3A_1618 : vector<1x16xf32> to vector<16xf32>
        %mul3A_1620 = arith.mulf %get3A_1619, %mul3A_150 : vector<16xf32>
        %get3A_1621 = arith.constant 0 : i32
        %get3A_1622 = arith.constant 0 : i32
        %get3A_1623 = tpu.memref_slice %arg14[%select_n3A_93, %get3A_1621, %get3A_1622] : memref<4x128x128xf32, #tpu.memory_space<vmem>> -> memref<1x128x128xf32, #tpu.memory_space<vmem>>
        %get3A_1624 = tpu.memref_squeeze %get3A_1623 : memref<1x128x128xf32, #tpu.memory_space<vmem>> -> memref<128x128xf32, #tpu.memory_space<vmem>>
        %get3A_1625 = arith.index_cast %add3A_1611 : i32 to index
        %get3A_1626 = arith.constant 16 : index
        %get3A_1627 = tpu.vector_load %get3A_1624[%get3A_1625, %get3A_1626] {strides = array<i32>} : memref<128x128xf32, #tpu.memory_space<vmem>>, vector<1x16xf32>,
        %get3A_1628 = vector.shape_cast %get3A_1627 : vector<1x16xf32> to vector<16xf32>
        %mul3A_1629 = arith.mulf %get3A_1628, %mul3A_159 : vector<16xf32>
        %add3A_1630 = arith.addf %mul3A_1620, %mul3A_1629 : vector<16xf32>
        %get3A_1631 = arith.constant 0 : i32
        %get3A_1632 = arith.constant 0 : i32
        %get3A_1633 = tpu.memref_slice %arg14[%select_n3A_93, %get3A_1631, %get3A_1632] : memref<4x128x128xf32, #tpu.memory_space<vmem>> -> memref<1x128x128xf32, #tpu.memory_space<vmem>>
        %get3A_1634 = tpu.memref_squeeze %get3A_1633 : memref<1x128x128xf32, #tpu.memory_space<vmem>> -> memref<128x128xf32, #tpu.memory_space<vmem>>
        %get3A_1635 = arith.index_cast %add3A_1611 : i32 to index
        %get3A_1636 = arith.constant 32 : index
        %get3A_1637 = tpu.vector_load %get3A_1634[%get3A_1635, %get3A_1636] {strides = array<i32>} : memref<128x128xf32, #tpu.memory_space<vmem>>, vector<1x16xf32>,
        %get3A_1638 = vector.shape_cast %get3A_1637 : vector<1x16xf32> to vector<16xf32>
        %mul3A_1639 = arith.mulf %get3A_1638, %mul3A_168 : vector<16xf32>
        %add3A_1640 = arith.addf %add3A_1630, %mul3A_1639 : vector<16xf32>
        %get3A_1641 = arith.constant 0 : i32
        %get3A_1642 = arith.constant 0 : i32
        %get3A_1643 = tpu.memref_slice %arg14[%select_n3A_93, %get3A_1641, %get3A_1642] : memref<4x128x128xf32, #tpu.memory_space<vmem>> -> memref<1x128x128xf32, #tpu.memory_space<vmem>>
        %get3A_1644 = tpu.memref_squeeze %get3A_1643 : memref<1x128x128xf32, #tpu.memory_space<vmem>> -> memref<128x128xf32, #tpu.memory_space<vmem>>
        %get3A_1645 = arith.index_cast %add3A_1611 : i32 to index
        %get3A_1646 = arith.constant 48 : index
        %get3A_1647 = tpu.vector_load %get3A_1644[%get3A_1645, %get3A_1646] {strides = array<i32>} : memref<128x128xf32, #tpu.memory_space<vmem>>, vector<1x16xf32>,
        %get3A_1648 = vector.shape_cast %get3A_1647 : vector<1x16xf32> to vector<16xf32>
        %mul3A_1649 = arith.mulf %get3A_1648, %mul3A_177 : vector<16xf32>
        %add3A_1650 = arith.addf %add3A_1640, %mul3A_1649 : vector<16xf32>
        %get3A_1651 = arith.constant 0 : i32
        %get3A_1652 = arith.constant 0 : i32
        %get3A_1653 = tpu.memref_slice %arg14[%select_n3A_93, %get3A_1651, %get3A_1652] : memref<4x128x128xf32, #tpu.memory_space<vmem>> -> memref<1x128x128xf32, #tpu.memory_space<vmem>>
        %get3A_1654 = tpu.memref_squeeze %get3A_1653 : memref<1x128x128xf32, #tpu.memory_space<vmem>> -> memref<128x128xf32, #tpu.memory_space<vmem>>
        %get3A_1655 = arith.index_cast %add3A_1611 : i32 to index
        %get3A_1656 = arith.constant 64 : index
        %get3A_1657 = tpu.vector_load %get3A_1654[%get3A_1655, %get3A_1656] {strides = array<i32>} : memref<128x128xf32, #tpu.memory_space<vmem>>, vector<1x16xf32>,
        %get3A_1658 = vector.shape_cast %get3A_1657 : vector<1x16xf32> to vector<16xf32>
        %mul3A_1659 = arith.mulf %get3A_1658, %mul3A_186 : vector<16xf32>
        %add3A_1660 = arith.addf %add3A_1650, %mul3A_1659 : vector<16xf32>
        %get3A_1661 = arith.constant 0 : i32
        %get3A_1662 = arith.constant 0 : i32
        %get3A_1663 = tpu.memref_slice %arg14[%select_n3A_93, %get3A_1661, %get3A_1662] : memref<4x128x128xf32, #tpu.memory_space<vmem>> -> memref<1x128x128xf32, #tpu.memory_space<vmem>>
        %get3A_1664 = tpu.memref_squeeze %get3A_1663 : memref<1x128x128xf32, #tpu.memory_space<vmem>> -> memref<128x128xf32, #tpu.memory_space<vmem>>
        %get3A_1665 = arith.index_cast %add3A_1611 : i32 to index
        %get3A_1666 = arith.constant 80 : index
        %get3A_1667 = tpu.vector_load %get3A_1664[%get3A_1665, %get3A_1666] {strides = array<i32>} : memref<128x128xf32, #tpu.memory_space<vmem>>, vector<1x16xf32>,
        %get3A_1668 = vector.shape_cast %get3A_1667 : vector<1x16xf32> to vector<16xf32>
        %mul3A_1669 = arith.mulf %get3A_1668, %mul3A_195 : vector<16xf32>
        %add3A_1670 = arith.addf %add3A_1660, %mul3A_1669 : vector<16xf32>
        %get3A_1671 = arith.constant 0 : i32
        %get3A_1672 = arith.constant 0 : i32
        %get3A_1673 = tpu.memref_slice %arg14[%select_n3A_93, %get3A_1671, %get3A_1672] : memref<4x128x128xf32, #tpu.memory_space<vmem>> -> memref<1x128x128xf32, #tpu.memory_space<vmem>>
        %get3A_1674 = tpu.memref_squeeze %get3A_1673 : memref<1x128x128xf32, #tpu.memory_space<vmem>> -> memref<128x128xf32, #tpu.memory_space<vmem>>
        %get3A_1675 = arith.index_cast %add3A_1611 : i32 to index
        %get3A_1676 = arith.constant 96 : index
        %get3A_1677 = tpu.vector_load %get3A_1674[%get3A_1675, %get3A_1676] {strides = array<i32>} : memref<128x128xf32, #tpu.memory_space<vmem>>, vector<1x16xf32>,
        %get3A_1678 = vector.shape_cast %get3A_1677 : vector<1x16xf32> to vector<16xf32>
        %mul3A_1679 = arith.mulf %get3A_1678, %mul3A_204 : vector<16xf32>
        %add3A_1680 = arith.addf %add3A_1670, %mul3A_1679 : vector<16xf32>
        %get3A_1681 = arith.constant 0 : i32
        %get3A_1682 = arith.constant 0 : i32
        %get3A_1683 = tpu.memref_slice %arg14[%select_n3A_93, %get3A_1681, %get3A_1682] : memref<4x128x128xf32, #tpu.memory_space<vmem>> -> memref<1x128x128xf32, #tpu.memory_space<vmem>>
        %get3A_1684 = tpu.memref_squeeze %get3A_1683 : memref<1x128x128xf32, #tpu.memory_space<vmem>> -> memref<128x128xf32, #tpu.memory_space<vmem>>
        %get3A_1685 = arith.index_cast %add3A_1611 : i32 to index
        %get3A_1686 = arith.constant 112 : index
        %get3A_1687 = tpu.vector_load %get3A_1684[%get3A_1685, %get3A_1686] {strides = array<i32>} : memref<128x128xf32, #tpu.memory_space<vmem>>, vector<1x16xf32>,
        %get3A_1688 = vector.shape_cast %get3A_1687 : vector<1x16xf32> to vector<16xf32>
        %mul3A_1689 = arith.mulf %get3A_1688, %mul3A_213 : vector<16xf32>
        %add3A_1690 = arith.addf %add3A_1680, %mul3A_1689 : vector<16xf32>
        %eq3A_1691 = arith.constant 12 : i32
        %eq3A_1692 = vector.broadcast %eq3A_1691 : i32 to vector<16xi32>
        %eq3A_1693 = arith.cmpi eq, %iota3A, %eq3A_1692 : vector<16xi32>
        %xor3A_1694 = arith.constant 8 : i32
        %xor3A_1695 = vector.broadcast %xor3A_1694 : i32 to vector<16xi32>
        %xor3A_1696 = arith.xori %iota3A, %xor3A_1695 : vector<16xi32>
        %broadcast_in_dim3A_1697 = vector.shape_cast %xor3A_1696 : vector<16xi32> to vector<16x1xi32>
        %gather3A_1698 = vector.shape_cast %broadcast_in_dim3A_1697 : vector<16x1xi32> to vector<16xi32>
        %gather3A_1699 = tpu.dynamic_gather %add3A_1690[%gather3A_1698] in [0] : vector<16xf32>, vector<16xi32> -> vector<16xf32>
        %add3A_1700 = arith.addf %add3A_1690, %gather3A_1699 : vector<16xf32>
        %xor3A_1701 = arith.constant 4 : i32
        %xor3A_1702 = vector.broadcast %xor3A_1701 : i32 to vector<16xi32>
        %xor3A_1703 = arith.xori %iota3A, %xor3A_1702 : vector<16xi32>
        %broadcast_in_dim3A_1704 = vector.shape_cast %xor3A_1703 : vector<16xi32> to vector<16x1xi32>
        %gather3A_1705 = vector.shape_cast %broadcast_in_dim3A_1704 : vector<16x1xi32> to vector<16xi32>
        %gather3A_1706 = tpu.dynamic_gather %add3A_1700[%gather3A_1705] in [0] : vector<16xf32>, vector<16xi32> -> vector<16xf32>
        %add3A_1707 = arith.addf %add3A_1700, %gather3A_1706 : vector<16xf32>
        %xor3A_1708 = arith.constant 2 : i32
        %xor3A_1709 = vector.broadcast %xor3A_1708 : i32 to vector<16xi32>
        %xor3A_1710 = arith.xori %iota3A, %xor3A_1709 : vector<16xi32>
        %broadcast_in_dim3A_1711 = vector.shape_cast %xor3A_1710 : vector<16xi32> to vector<16x1xi32>
        %gather3A_1712 = vector.shape_cast %broadcast_in_dim3A_1711 : vector<16x1xi32> to vector<16xi32>
        %gather3A_1713 = tpu.dynamic_gather %add3A_1707[%gather3A_1712] in [0] : vector<16xf32>, vector<16xi32> -> vector<16xf32>
        %add3A_1714 = arith.addf %add3A_1707, %gather3A_1713 : vector<16xf32>
        %xor3A_1715 = arith.constant 1 : i32
        %xor3A_1716 = vector.broadcast %xor3A_1715 : i32 to vector<16xi32>
        %xor3A_1717 = arith.xori %iota3A, %xor3A_1716 : vector<16xi32>
        %broadcast_in_dim3A_1718 = vector.shape_cast %xor3A_1717 : vector<16xi32> to vector<16x1xi32>
        %gather3A_1719 = vector.shape_cast %broadcast_in_dim3A_1718 : vector<16x1xi32> to vector<16xi32>
        %gather3A_1720 = tpu.dynamic_gather %add3A_1714[%gather3A_1719] in [0] : vector<16xf32>, vector<16xi32> -> vector<16xf32>
        %add3A_1721 = arith.addf %add3A_1714, %gather3A_1720 : vector<16xf32>
        %select_n3A_1722 = arith.select %eq3A_1693, %add3A_1721, %select_n3A_1607 : vector<16xi1>, vector<16xf32>
        %mul3A_1723 = arith.constant 16 : i32
        %mul3A_1724 = arith.muli %scan3A_227, %mul3A_1723 : i32
        %add3A_1725 = arith.constant 13 : i32
        %add3A_1726 = arith.addi %mul3A_1724, %add3A_1725 : i32
        %get3A_1727 = arith.constant 0 : i32
        %get3A_1728 = arith.constant 0 : i32
        %get3A_1729 = tpu.memref_slice %arg14[%select_n3A_93, %get3A_1727, %get3A_1728] : memref<4x128x128xf32, #tpu.memory_space<vmem>> -> memref<1x128x128xf32, #tpu.memory_space<vmem>>
        %get3A_1730 = tpu.memref_squeeze %get3A_1729 : memref<1x128x128xf32, #tpu.memory_space<vmem>> -> memref<128x128xf32, #tpu.memory_space<vmem>>
        %get3A_1731 = arith.index_cast %add3A_1726 : i32 to index
        %get3A_1732 = arith.constant 0 : index
        %get3A_1733 = tpu.vector_load %get3A_1730[%get3A_1731, %get3A_1732] {strides = array<i32>} : memref<128x128xf32, #tpu.memory_space<vmem>>, vector<1x16xf32>,
        %get3A_1734 = vector.shape_cast %get3A_1733 : vector<1x16xf32> to vector<16xf32>
        %mul3A_1735 = arith.mulf %get3A_1734, %mul3A_150 : vector<16xf32>
        %get3A_1736 = arith.constant 0 : i32
        %get3A_1737 = arith.constant 0 : i32
        %get3A_1738 = tpu.memref_slice %arg14[%select_n3A_93, %get3A_1736, %get3A_1737] : memref<4x128x128xf32, #tpu.memory_space<vmem>> -> memref<1x128x128xf32, #tpu.memory_space<vmem>>
        %get3A_1739 = tpu.memref_squeeze %get3A_1738 : memref<1x128x128xf32, #tpu.memory_space<vmem>> -> memref<128x128xf32, #tpu.memory_space<vmem>>
        %get3A_1740 = arith.index_cast %add3A_1726 : i32 to index
        %get3A_1741 = arith.constant 16 : index
        %get3A_1742 = tpu.vector_load %get3A_1739[%get3A_1740, %get3A_1741] {strides = array<i32>} : memref<128x128xf32, #tpu.memory_space<vmem>>, vector<1x16xf32>,
        %get3A_1743 = vector.shape_cast %get3A_1742 : vector<1x16xf32> to vector<16xf32>
        %mul3A_1744 = arith.mulf %get3A_1743, %mul3A_159 : vector<16xf32>
        %add3A_1745 = arith.addf %mul3A_1735, %mul3A_1744 : vector<16xf32>
        %get3A_1746 = arith.constant 0 : i32
        %get3A_1747 = arith.constant 0 : i32
        %get3A_1748 = tpu.memref_slice %arg14[%select_n3A_93, %get3A_1746, %get3A_1747] : memref<4x128x128xf32, #tpu.memory_space<vmem>> -> memref<1x128x128xf32, #tpu.memory_space<vmem>>
        %get3A_1749 = tpu.memref_squeeze %get3A_1748 : memref<1x128x128xf32, #tpu.memory_space<vmem>> -> memref<128x128xf32, #tpu.memory_space<vmem>>
        %get3A_1750 = arith.index_cast %add3A_1726 : i32 to index
        %get3A_1751 = arith.constant 32 : index
        %get3A_1752 = tpu.vector_load %get3A_1749[%get3A_1750, %get3A_1751] {strides = array<i32>} : memref<128x128xf32, #tpu.memory_space<vmem>>, vector<1x16xf32>,
        %get3A_1753 = vector.shape_cast %get3A_1752 : vector<1x16xf32> to vector<16xf32>
        %mul3A_1754 = arith.mulf %get3A_1753, %mul3A_168 : vector<16xf32>
        %add3A_1755 = arith.addf %add3A_1745, %mul3A_1754 : vector<16xf32>
        %get3A_1756 = arith.constant 0 : i32
        %get3A_1757 = arith.constant 0 : i32
        %get3A_1758 = tpu.memref_slice %arg14[%select_n3A_93, %get3A_1756, %get3A_1757] : memref<4x128x128xf32, #tpu.memory_space<vmem>> -> memref<1x128x128xf32, #tpu.memory_space<vmem>>
        %get3A_1759 = tpu.memref_squeeze %get3A_1758 : memref<1x128x128xf32, #tpu.memory_space<vmem>> -> memref<128x128xf32, #tpu.memory_space<vmem>>
        %get3A_1760 = arith.index_cast %add3A_1726 : i32 to index
        %get3A_1761 = arith.constant 48 : index
        %get3A_1762 = tpu.vector_load %get3A_1759[%get3A_1760, %get3A_1761] {strides = array<i32>} : memref<128x128xf32, #tpu.memory_space<vmem>>, vector<1x16xf32>,
        %get3A_1763 = vector.shape_cast %get3A_1762 : vector<1x16xf32> to vector<16xf32>
        %mul3A_1764 = arith.mulf %get3A_1763, %mul3A_177 : vector<16xf32>
        %add3A_1765 = arith.addf %add3A_1755, %mul3A_1764 : vector<16xf32>
        %get3A_1766 = arith.constant 0 : i32
        %get3A_1767 = arith.constant 0 : i32
        %get3A_1768 = tpu.memref_slice %arg14[%select_n3A_93, %get3A_1766, %get3A_1767] : memref<4x128x128xf32, #tpu.memory_space<vmem>> -> memref<1x128x128xf32, #tpu.memory_space<vmem>>
        %get3A_1769 = tpu.memref_squeeze %get3A_1768 : memref<1x128x128xf32, #tpu.memory_space<vmem>> -> memref<128x128xf32, #tpu.memory_space<vmem>>
        %get3A_1770 = arith.index_cast %add3A_1726 : i32 to index
        %get3A_1771 = arith.constant 64 : index
        %get3A_1772 = tpu.vector_load %get3A_1769[%get3A_1770, %get3A_1771] {strides = array<i32>} : memref<128x128xf32, #tpu.memory_space<vmem>>, vector<1x16xf32>,
        %get3A_1773 = vector.shape_cast %get3A_1772 : vector<1x16xf32> to vector<16xf32>
        %mul3A_1774 = arith.mulf %get3A_1773, %mul3A_186 : vector<16xf32>
        %add3A_1775 = arith.addf %add3A_1765, %mul3A_1774 : vector<16xf32>
        %get3A_1776 = arith.constant 0 : i32
        %get3A_1777 = arith.constant 0 : i32
        %get3A_1778 = tpu.memref_slice %arg14[%select_n3A_93, %get3A_1776, %get3A_1777] : memref<4x128x128xf32, #tpu.memory_space<vmem>> -> memref<1x128x128xf32, #tpu.memory_space<vmem>>
        %get3A_1779 = tpu.memref_squeeze %get3A_1778 : memref<1x128x128xf32, #tpu.memory_space<vmem>> -> memref<128x128xf32, #tpu.memory_space<vmem>>
        %get3A_1780 = arith.index_cast %add3A_1726 : i32 to index
        %get3A_1781 = arith.constant 80 : index
        %get3A_1782 = tpu.vector_load %get3A_1779[%get3A_1780, %get3A_1781] {strides = array<i32>} : memref<128x128xf32, #tpu.memory_space<vmem>>, vector<1x16xf32>,
        %get3A_1783 = vector.shape_cast %get3A_1782 : vector<1x16xf32> to vector<16xf32>
        %mul3A_1784 = arith.mulf %get3A_1783, %mul3A_195 : vector<16xf32>
        %add3A_1785 = arith.addf %add3A_1775, %mul3A_1784 : vector<16xf32>
        %get3A_1786 = arith.constant 0 : i32
        %get3A_1787 = arith.constant 0 : i32
        %get3A_1788 = tpu.memref_slice %arg14[%select_n3A_93, %get3A_1786, %get3A_1787] : memref<4x128x128xf32, #tpu.memory_space<vmem>> -> memref<1x128x128xf32, #tpu.memory_space<vmem>>
        %get3A_1789 = tpu.memref_squeeze %get3A_1788 : memref<1x128x128xf32, #tpu.memory_space<vmem>> -> memref<128x128xf32, #tpu.memory_space<vmem>>
        %get3A_1790 = arith.index_cast %add3A_1726 : i32 to index
        %get3A_1791 = arith.constant 96 : index
        %get3A_1792 = tpu.vector_load %get3A_1789[%get3A_1790, %get3A_1791] {strides = array<i32>} : memref<128x128xf32, #tpu.memory_space<vmem>>, vector<1x16xf32>,
        %get3A_1793 = vector.shape_cast %get3A_1792 : vector<1x16xf32> to vector<16xf32>
        %mul3A_1794 = arith.mulf %get3A_1793, %mul3A_204 : vector<16xf32>
        %add3A_1795 = arith.addf %add3A_1785, %mul3A_1794 : vector<16xf32>
        %get3A_1796 = arith.constant 0 : i32
        %get3A_1797 = arith.constant 0 : i32
        %get3A_1798 = tpu.memref_slice %arg14[%select_n3A_93, %get3A_1796, %get3A_1797] : memref<4x128x128xf32, #tpu.memory_space<vmem>> -> memref<1x128x128xf32, #tpu.memory_space<vmem>>
        %get3A_1799 = tpu.memref_squeeze %get3A_1798 : memref<1x128x128xf32, #tpu.memory_space<vmem>> -> memref<128x128xf32, #tpu.memory_space<vmem>>
        %get3A_1800 = arith.index_cast %add3A_1726 : i32 to index
        %get3A_1801 = arith.constant 112 : index
        %get3A_1802 = tpu.vector_load %get3A_1799[%get3A_1800, %get3A_1801] {strides = array<i32>} : memref<128x128xf32, #tpu.memory_space<vmem>>, vector<1x16xf32>,
        %get3A_1803 = vector.shape_cast %get3A_1802 : vector<1x16xf32> to vector<16xf32>
        %mul3A_1804 = arith.mulf %get3A_1803, %mul3A_213 : vector<16xf32>
        %add3A_1805 = arith.addf %add3A_1795, %mul3A_1804 : vector<16xf32>
        %eq3A_1806 = arith.constant 13 : i32
        %eq3A_1807 = vector.broadcast %eq3A_1806 : i32 to vector<16xi32>
        %eq3A_1808 = arith.cmpi eq, %iota3A, %eq3A_1807 : vector<16xi32>
        %xor3A_1809 = arith.constant 8 : i32
        %xor3A_1810 = vector.broadcast %xor3A_1809 : i32 to vector<16xi32>
        %xor3A_1811 = arith.xori %iota3A, %xor3A_1810 : vector<16xi32>
        %broadcast_in_dim3A_1812 = vector.shape_cast %xor3A_1811 : vector<16xi32> to vector<16x1xi32>
        %gather3A_1813 = vector.shape_cast %broadcast_in_dim3A_1812 : vector<16x1xi32> to vector<16xi32>
        %gather3A_1814 = tpu.dynamic_gather %add3A_1805[%gather3A_1813] in [0] : vector<16xf32>, vector<16xi32> -> vector<16xf32>
        %add3A_1815 = arith.addf %add3A_1805, %gather3A_1814 : vector<16xf32>
        %xor3A_1816 = arith.constant 4 : i32
        %xor3A_1817 = vector.broadcast %xor3A_1816 : i32 to vector<16xi32>
        %xor3A_1818 = arith.xori %iota3A, %xor3A_1817 : vector<16xi32>
        %broadcast_in_dim3A_1819 = vector.shape_cast %xor3A_1818 : vector<16xi32> to vector<16x1xi32>
        %gather3A_1820 = vector.shape_cast %broadcast_in_dim3A_1819 : vector<16x1xi32> to vector<16xi32>
        %gather3A_1821 = tpu.dynamic_gather %add3A_1815[%gather3A_1820] in [0] : vector<16xf32>, vector<16xi32> -> vector<16xf32>
        %add3A_1822 = arith.addf %add3A_1815, %gather3A_1821 : vector<16xf32>
        %xor3A_1823 = arith.constant 2 : i32
        %xor3A_1824 = vector.broadcast %xor3A_1823 : i32 to vector<16xi32>
        %xor3A_1825 = arith.xori %iota3A, %xor3A_1824 : vector<16xi32>
        %broadcast_in_dim3A_1826 = vector.shape_cast %xor3A_1825 : vector<16xi32> to vector<16x1xi32>
        %gather3A_1827 = vector.shape_cast %broadcast_in_dim3A_1826 : vector<16x1xi32> to vector<16xi32>
        %gather3A_1828 = tpu.dynamic_gather %add3A_1822[%gather3A_1827] in [0] : vector<16xf32>, vector<16xi32> -> vector<16xf32>
        %add3A_1829 = arith.addf %add3A_1822, %gather3A_1828 : vector<16xf32>
        %xor3A_1830 = arith.constant 1 : i32
        %xor3A_1831 = vector.broadcast %xor3A_1830 : i32 to vector<16xi32>
        %xor3A_1832 = arith.xori %iota3A, %xor3A_1831 : vector<16xi32>
        %broadcast_in_dim3A_1833 = vector.shape_cast %xor3A_1832 : vector<16xi32> to vector<16x1xi32>
        %gather3A_1834 = vector.shape_cast %broadcast_in_dim3A_1833 : vector<16x1xi32> to vector<16xi32>
        %gather3A_1835 = tpu.dynamic_gather %add3A_1829[%gather3A_1834] in [0] : vector<16xf32>, vector<16xi32> -> vector<16xf32>
        %add3A_1836 = arith.addf %add3A_1829, %gather3A_1835 : vector<16xf32>
        %select_n3A_1837 = arith.select %eq3A_1808, %add3A_1836, %select_n3A_1722 : vector<16xi1>, vector<16xf32>
        %mul3A_1838 = arith.constant 16 : i32
        %mul3A_1839 = arith.muli %scan3A_227, %mul3A_1838 : i32
        %add3A_1840 = arith.constant 14 : i32
        %add3A_1841 = arith.addi %mul3A_1839, %add3A_1840 : i32
        %get3A_1842 = arith.constant 0 : i32
        %get3A_1843 = arith.constant 0 : i32
        %get3A_1844 = tpu.memref_slice %arg14[%select_n3A_93, %get3A_1842, %get3A_1843] : memref<4x128x128xf32, #tpu.memory_space<vmem>> -> memref<1x128x128xf32, #tpu.memory_space<vmem>>
        %get3A_1845 = tpu.memref_squeeze %get3A_1844 : memref<1x128x128xf32, #tpu.memory_space<vmem>> -> memref<128x128xf32, #tpu.memory_space<vmem>>
        %get3A_1846 = arith.index_cast %add3A_1841 : i32 to index
        %get3A_1847 = arith.constant 0 : index
        %get3A_1848 = tpu.vector_load %get3A_1845[%get3A_1846, %get3A_1847] {strides = array<i32>} : memref<128x128xf32, #tpu.memory_space<vmem>>, vector<1x16xf32>,
        %get3A_1849 = vector.shape_cast %get3A_1848 : vector<1x16xf32> to vector<16xf32>
        %mul3A_1850 = arith.mulf %get3A_1849, %mul3A_150 : vector<16xf32>
        %get3A_1851 = arith.constant 0 : i32
        %get3A_1852 = arith.constant 0 : i32
        %get3A_1853 = tpu.memref_slice %arg14[%select_n3A_93, %get3A_1851, %get3A_1852] : memref<4x128x128xf32, #tpu.memory_space<vmem>> -> memref<1x128x128xf32, #tpu.memory_space<vmem>>
        %get3A_1854 = tpu.memref_squeeze %get3A_1853 : memref<1x128x128xf32, #tpu.memory_space<vmem>> -> memref<128x128xf32, #tpu.memory_space<vmem>>
        %get3A_1855 = arith.index_cast %add3A_1841 : i32 to index
        %get3A_1856 = arith.constant 16 : index
        %get3A_1857 = tpu.vector_load %get3A_1854[%get3A_1855, %get3A_1856] {strides = array<i32>} : memref<128x128xf32, #tpu.memory_space<vmem>>, vector<1x16xf32>,
        %get3A_1858 = vector.shape_cast %get3A_1857 : vector<1x16xf32> to vector<16xf32>
        %mul3A_1859 = arith.mulf %get3A_1858, %mul3A_159 : vector<16xf32>
        %add3A_1860 = arith.addf %mul3A_1850, %mul3A_1859 : vector<16xf32>
        %get3A_1861 = arith.constant 0 : i32
        %get3A_1862 = arith.constant 0 : i32
        %get3A_1863 = tpu.memref_slice %arg14[%select_n3A_93, %get3A_1861, %get3A_1862] : memref<4x128x128xf32, #tpu.memory_space<vmem>> -> memref<1x128x128xf32, #tpu.memory_space<vmem>>
        %get3A_1864 = tpu.memref_squeeze %get3A_1863 : memref<1x128x128xf32, #tpu.memory_space<vmem>> -> memref<128x128xf32, #tpu.memory_space<vmem>>
        %get3A_1865 = arith.index_cast %add3A_1841 : i32 to index
        %get3A_1866 = arith.constant 32 : index
        %get3A_1867 = tpu.vector_load %get3A_1864[%get3A_1865, %get3A_1866] {strides = array<i32>} : memref<128x128xf32, #tpu.memory_space<vmem>>, vector<1x16xf32>,
        %get3A_1868 = vector.shape_cast %get3A_1867 : vector<1x16xf32> to vector<16xf32>
        %mul3A_1869 = arith.mulf %get3A_1868, %mul3A_168 : vector<16xf32>
        %add3A_1870 = arith.addf %add3A_1860, %mul3A_1869 : vector<16xf32>
        %get3A_1871 = arith.constant 0 : i32
        %get3A_1872 = arith.constant 0 : i32
        %get3A_1873 = tpu.memref_slice %arg14[%select_n3A_93, %get3A_1871, %get3A_1872] : memref<4x128x128xf32, #tpu.memory_space<vmem>> -> memref<1x128x128xf32, #tpu.memory_space<vmem>>
        %get3A_1874 = tpu.memref_squeeze %get3A_1873 : memref<1x128x128xf32, #tpu.memory_space<vmem>> -> memref<128x128xf32, #tpu.memory_space<vmem>>
        %get3A_1875 = arith.index_cast %add3A_1841 : i32 to index
        %get3A_1876 = arith.constant 48 : index
        %get3A_1877 = tpu.vector_load %get3A_1874[%get3A_1875, %get3A_1876] {strides = array<i32>} : memref<128x128xf32, #tpu.memory_space<vmem>>, vector<1x16xf32>,
        %get3A_1878 = vector.shape_cast %get3A_1877 : vector<1x16xf32> to vector<16xf32>
        %mul3A_1879 = arith.mulf %get3A_1878, %mul3A_177 : vector<16xf32>
        %add3A_1880 = arith.addf %add3A_1870, %mul3A_1879 : vector<16xf32>
        %get3A_1881 = arith.constant 0 : i32
        %get3A_1882 = arith.constant 0 : i32
        %get3A_1883 = tpu.memref_slice %arg14[%select_n3A_93, %get3A_1881, %get3A_1882] : memref<4x128x128xf32, #tpu.memory_space<vmem>> -> memref<1x128x128xf32, #tpu.memory_space<vmem>>
        %get3A_1884 = tpu.memref_squeeze %get3A_1883 : memref<1x128x128xf32, #tpu.memory_space<vmem>> -> memref<128x128xf32, #tpu.memory_space<vmem>>
        %get3A_1885 = arith.index_cast %add3A_1841 : i32 to index
        %get3A_1886 = arith.constant 64 : index
        %get3A_1887 = tpu.vector_load %get3A_1884[%get3A_1885, %get3A_1886] {strides = array<i32>} : memref<128x128xf32, #tpu.memory_space<vmem>>, vector<1x16xf32>,
        %get3A_1888 = vector.shape_cast %get3A_1887 : vector<1x16xf32> to vector<16xf32>
        %mul3A_1889 = arith.mulf %get3A_1888, %mul3A_186 : vector<16xf32>
        %add3A_1890 = arith.addf %add3A_1880, %mul3A_1889 : vector<16xf32>
        %get3A_1891 = arith.constant 0 : i32
        %get3A_1892 = arith.constant 0 : i32
        %get3A_1893 = tpu.memref_slice %arg14[%select_n3A_93, %get3A_1891, %get3A_1892] : memref<4x128x128xf32, #tpu.memory_space<vmem>> -> memref<1x128x128xf32, #tpu.memory_space<vmem>>
        %get3A_1894 = tpu.memref_squeeze %get3A_1893 : memref<1x128x128xf32, #tpu.memory_space<vmem>> -> memref<128x128xf32, #tpu.memory_space<vmem>>
        %get3A_1895 = arith.index_cast %add3A_1841 : i32 to index
        %get3A_1896 = arith.constant 80 : index
        %get3A_1897 = tpu.vector_load %get3A_1894[%get3A_1895, %get3A_1896] {strides = array<i32>} : memref<128x128xf32, #tpu.memory_space<vmem>>, vector<1x16xf32>,
        %get3A_1898 = vector.shape_cast %get3A_1897 : vector<1x16xf32> to vector<16xf32>
        %mul3A_1899 = arith.mulf %get3A_1898, %mul3A_195 : vector<16xf32>
        %add3A_1900 = arith.addf %add3A_1890, %mul3A_1899 : vector<16xf32>
        %get3A_1901 = arith.constant 0 : i32
        %get3A_1902 = arith.constant 0 : i32
        %get3A_1903 = tpu.memref_slice %arg14[%select_n3A_93, %get3A_1901, %get3A_1902] : memref<4x128x128xf32, #tpu.memory_space<vmem>> -> memref<1x128x128xf32, #tpu.memory_space<vmem>>
        %get3A_1904 = tpu.memref_squeeze %get3A_1903 : memref<1x128x128xf32, #tpu.memory_space<vmem>> -> memref<128x128xf32, #tpu.memory_space<vmem>>
        %get3A_1905 = arith.index_cast %add3A_1841 : i32 to index
        %get3A_1906 = arith.constant 96 : index
        %get3A_1907 = tpu.vector_load %get3A_1904[%get3A_1905, %get3A_1906] {strides = array<i32>} : memref<128x128xf32, #tpu.memory_space<vmem>>, vector<1x16xf32>,
        %get3A_1908 = vector.shape_cast %get3A_1907 : vector<1x16xf32> to vector<16xf32>
        %mul3A_1909 = arith.mulf %get3A_1908, %mul3A_204 : vector<16xf32>
        %add3A_1910 = arith.addf %add3A_1900, %mul3A_1909 : vector<16xf32>
        %get3A_1911 = arith.constant 0 : i32
        %get3A_1912 = arith.constant 0 : i32
        %get3A_1913 = tpu.memref_slice %arg14[%select_n3A_93, %get3A_1911, %get3A_1912] : memref<4x128x128xf32, #tpu.memory_space<vmem>> -> memref<1x128x128xf32, #tpu.memory_space<vmem>>
        %get3A_1914 = tpu.memref_squeeze %get3A_1913 : memref<1x128x128xf32, #tpu.memory_space<vmem>> -> memref<128x128xf32, #tpu.memory_space<vmem>>
        %get3A_1915 = arith.index_cast %add3A_1841 : i32 to index
        %get3A_1916 = arith.constant 112 : index
        %get3A_1917 = tpu.vector_load %get3A_1914[%get3A_1915, %get3A_1916] {strides = array<i32>} : memref<128x128xf32, #tpu.memory_space<vmem>>, vector<1x16xf32>,
        %get3A_1918 = vector.shape_cast %get3A_1917 : vector<1x16xf32> to vector<16xf32>
        %mul3A_1919 = arith.mulf %get3A_1918, %mul3A_213 : vector<16xf32>
        %add3A_1920 = arith.addf %add3A_1910, %mul3A_1919 : vector<16xf32>
        %eq3A_1921 = arith.constant 14 : i32
        %eq3A_1922 = vector.broadcast %eq3A_1921 : i32 to vector<16xi32>
        %eq3A_1923 = arith.cmpi eq, %iota3A, %eq3A_1922 : vector<16xi32>
        %xor3A_1924 = arith.constant 8 : i32
        %xor3A_1925 = vector.broadcast %xor3A_1924 : i32 to vector<16xi32>
        %xor3A_1926 = arith.xori %iota3A, %xor3A_1925 : vector<16xi32>
        %broadcast_in_dim3A_1927 = vector.shape_cast %xor3A_1926 : vector<16xi32> to vector<16x1xi32>
        %gather3A_1928 = vector.shape_cast %broadcast_in_dim3A_1927 : vector<16x1xi32> to vector<16xi32>
        %gather3A_1929 = tpu.dynamic_gather %add3A_1920[%gather3A_1928] in [0] : vector<16xf32>, vector<16xi32> -> vector<16xf32>
        %add3A_1930 = arith.addf %add3A_1920, %gather3A_1929 : vector<16xf32>
        %xor3A_1931 = arith.constant 4 : i32
        %xor3A_1932 = vector.broadcast %xor3A_1931 : i32 to vector<16xi32>
        %xor3A_1933 = arith.xori %iota3A, %xor3A_1932 : vector<16xi32>
        %broadcast_in_dim3A_1934 = vector.shape_cast %xor3A_1933 : vector<16xi32> to vector<16x1xi32>
        %gather3A_1935 = vector.shape_cast %broadcast_in_dim3A_1934 : vector<16x1xi32> to vector<16xi32>
        %gather3A_1936 = tpu.dynamic_gather %add3A_1930[%gather3A_1935] in [0] : vector<16xf32>, vector<16xi32> -> vector<16xf32>
        %add3A_1937 = arith.addf %add3A_1930, %gather3A_1936 : vector<16xf32>
        %xor3A_1938 = arith.constant 2 : i32
        %xor3A_1939 = vector.broadcast %xor3A_1938 : i32 to vector<16xi32>
        %xor3A_1940 = arith.xori %iota3A, %xor3A_1939 : vector<16xi32>
        %broadcast_in_dim3A_1941 = vector.shape_cast %xor3A_1940 : vector<16xi32> to vector<16x1xi32>
        %gather3A_1942 = vector.shape_cast %broadcast_in_dim3A_1941 : vector<16x1xi32> to vector<16xi32>
        %gather3A_1943 = tpu.dynamic_gather %add3A_1937[%gather3A_1942] in [0] : vector<16xf32>, vector<16xi32> -> vector<16xf32>
        %add3A_1944 = arith.addf %add3A_1937, %gather3A_1943 : vector<16xf32>
        %xor3A_1945 = arith.constant 1 : i32
        %xor3A_1946 = vector.broadcast %xor3A_1945 : i32 to vector<16xi32>
        %xor3A_1947 = arith.xori %iota3A, %xor3A_1946 : vector<16xi32>
        %broadcast_in_dim3A_1948 = vector.shape_cast %xor3A_1947 : vector<16xi32> to vector<16x1xi32>
        %gather3A_1949 = vector.shape_cast %broadcast_in_dim3A_1948 : vector<16x1xi32> to vector<16xi32>
        %gather3A_1950 = tpu.dynamic_gather %add3A_1944[%gather3A_1949] in [0] : vector<16xf32>, vector<16xi32> -> vector<16xf32>
        %add3A_1951 = arith.addf %add3A_1944, %gather3A_1950 : vector<16xf32>
        %select_n3A_1952 = arith.select %eq3A_1923, %add3A_1951, %select_n3A_1837 : vector<16xi1>, vector<16xf32>
        %mul3A_1953 = arith.constant 16 : i32
        %mul3A_1954 = arith.muli %scan3A_227, %mul3A_1953 : i32
        %add3A_1955 = arith.constant 15 : i32
        %add3A_1956 = arith.addi %mul3A_1954, %add3A_1955 : i32
        %get3A_1957 = arith.constant 0 : i32
        %get3A_1958 = arith.constant 0 : i32
        %get3A_1959 = tpu.memref_slice %arg14[%select_n3A_93, %get3A_1957, %get3A_1958] : memref<4x128x128xf32, #tpu.memory_space<vmem>> -> memref<1x128x128xf32, #tpu.memory_space<vmem>>
        %get3A_1960 = tpu.memref_squeeze %get3A_1959 : memref<1x128x128xf32, #tpu.memory_space<vmem>> -> memref<128x128xf32, #tpu.memory_space<vmem>>
        %get3A_1961 = arith.index_cast %add3A_1956 : i32 to index
        %get3A_1962 = arith.constant 0 : index
        %get3A_1963 = tpu.vector_load %get3A_1960[%get3A_1961, %get3A_1962] {strides = array<i32>} : memref<128x128xf32, #tpu.memory_space<vmem>>, vector<1x16xf32>,
        %get3A_1964 = vector.shape_cast %get3A_1963 : vector<1x16xf32> to vector<16xf32>
        %mul3A_1965 = arith.mulf %get3A_1964, %mul3A_150 : vector<16xf32>
        %get3A_1966 = arith.constant 0 : i32
        %get3A_1967 = arith.constant 0 : i32
        %get3A_1968 = tpu.memref_slice %arg14[%select_n3A_93, %get3A_1966, %get3A_1967] : memref<4x128x128xf32, #tpu.memory_space<vmem>> -> memref<1x128x128xf32, #tpu.memory_space<vmem>>
        %get3A_1969 = tpu.memref_squeeze %get3A_1968 : memref<1x128x128xf32, #tpu.memory_space<vmem>> -> memref<128x128xf32, #tpu.memory_space<vmem>>
        %get3A_1970 = arith.index_cast %add3A_1956 : i32 to index
        %get3A_1971 = arith.constant 16 : index
        %get3A_1972 = tpu.vector_load %get3A_1969[%get3A_1970, %get3A_1971] {strides = array<i32>} : memref<128x128xf32, #tpu.memory_space<vmem>>, vector<1x16xf32>,
        %get3A_1973 = vector.shape_cast %get3A_1972 : vector<1x16xf32> to vector<16xf32>
        %mul3A_1974 = arith.mulf %get3A_1973, %mul3A_159 : vector<16xf32>
        %add3A_1975 = arith.addf %mul3A_1965, %mul3A_1974 : vector<16xf32>
        %get3A_1976 = arith.constant 0 : i32
        %get3A_1977 = arith.constant 0 : i32
        %get3A_1978 = tpu.memref_slice %arg14[%select_n3A_93, %get3A_1976, %get3A_1977] : memref<4x128x128xf32, #tpu.memory_space<vmem>> -> memref<1x128x128xf32, #tpu.memory_space<vmem>>
        %get3A_1979 = tpu.memref_squeeze %get3A_1978 : memref<1x128x128xf32, #tpu.memory_space<vmem>> -> memref<128x128xf32, #tpu.memory_space<vmem>>
        %get3A_1980 = arith.index_cast %add3A_1956 : i32 to index
        %get3A_1981 = arith.constant 32 : index
        %get3A_1982 = tpu.vector_load %get3A_1979[%get3A_1980, %get3A_1981] {strides = array<i32>} : memref<128x128xf32, #tpu.memory_space<vmem>>, vector<1x16xf32>,
        %get3A_1983 = vector.shape_cast %get3A_1982 : vector<1x16xf32> to vector<16xf32>
        %mul3A_1984 = arith.mulf %get3A_1983, %mul3A_168 : vector<16xf32>
        %add3A_1985 = arith.addf %add3A_1975, %mul3A_1984 : vector<16xf32>
        %get3A_1986 = arith.constant 0 : i32
        %get3A_1987 = arith.constant 0 : i32
        %get3A_1988 = tpu.memref_slice %arg14[%select_n3A_93, %get3A_1986, %get3A_1987] : memref<4x128x128xf32, #tpu.memory_space<vmem>> -> memref<1x128x128xf32, #tpu.memory_space<vmem>>
        %get3A_1989 = tpu.memref_squeeze %get3A_1988 : memref<1x128x128xf32, #tpu.memory_space<vmem>> -> memref<128x128xf32, #tpu.memory_space<vmem>>
        %get3A_1990 = arith.index_cast %add3A_1956 : i32 to index
        %get3A_1991 = arith.constant 48 : index
        %get3A_1992 = tpu.vector_load %get3A_1989[%get3A_1990, %get3A_1991] {strides = array<i32>} : memref<128x128xf32, #tpu.memory_space<vmem>>, vector<1x16xf32>,
        %get3A_1993 = vector.shape_cast %get3A_1992 : vector<1x16xf32> to vector<16xf32>
        %mul3A_1994 = arith.mulf %get3A_1993, %mul3A_177 : vector<16xf32>
        %add3A_1995 = arith.addf %add3A_1985, %mul3A_1994 : vector<16xf32>
        %get3A_1996 = arith.constant 0 : i32
        %get3A_1997 = arith.constant 0 : i32
        %get3A_1998 = tpu.memref_slice %arg14[%select_n3A_93, %get3A_1996, %get3A_1997] : memref<4x128x128xf32, #tpu.memory_space<vmem>> -> memref<1x128x128xf32, #tpu.memory_space<vmem>>
        %get3A_1999 = tpu.memref_squeeze %get3A_1998 : memref<1x128x128xf32, #tpu.memory_space<vmem>> -> memref<128x128xf32, #tpu.memory_space<vmem>>
        %get3A_2000 = arith.index_cast %add3A_1956 : i32 to index
        %get3A_2001 = arith.constant 64 : index
        %get3A_2002 = tpu.vector_load %get3A_1999[%get3A_2000, %get3A_2001] {strides = array<i32>} : memref<128x128xf32, #tpu.memory_space<vmem>>, vector<1x16xf32>,
        %get3A_2003 = vector.shape_cast %get3A_2002 : vector<1x16xf32> to vector<16xf32>
        %mul3A_2004 = arith.mulf %get3A_2003, %mul3A_186 : vector<16xf32>
        %add3A_2005 = arith.addf %add3A_1995, %mul3A_2004 : vector<16xf32>
        %get3A_2006 = arith.constant 0 : i32
        %get3A_2007 = arith.constant 0 : i32
        %get3A_2008 = tpu.memref_slice %arg14[%select_n3A_93, %get3A_2006, %get3A_2007] : memref<4x128x128xf32, #tpu.memory_space<vmem>> -> memref<1x128x128xf32, #tpu.memory_space<vmem>>
        %get3A_2009 = tpu.memref_squeeze %get3A_2008 : memref<1x128x128xf32, #tpu.memory_space<vmem>> -> memref<128x128xf32, #tpu.memory_space<vmem>>
        %get3A_2010 = arith.index_cast %add3A_1956 : i32 to index
        %get3A_2011 = arith.constant 80 : index
        %get3A_2012 = tpu.vector_load %get3A_2009[%get3A_2010, %get3A_2011] {strides = array<i32>} : memref<128x128xf32, #tpu.memory_space<vmem>>, vector<1x16xf32>,
        %get3A_2013 = vector.shape_cast %get3A_2012 : vector<1x16xf32> to vector<16xf32>
        %mul3A_2014 = arith.mulf %get3A_2013, %mul3A_195 : vector<16xf32>
        %add3A_2015 = arith.addf %add3A_2005, %mul3A_2014 : vector<16xf32>
        %get3A_2016 = arith.constant 0 : i32
        %get3A_2017 = arith.constant 0 : i32
        %get3A_2018 = tpu.memref_slice %arg14[%select_n3A_93, %get3A_2016, %get3A_2017] : memref<4x128x128xf32, #tpu.memory_space<vmem>> -> memref<1x128x128xf32, #tpu.memory_space<vmem>>
        %get3A_2019 = tpu.memref_squeeze %get3A_2018 : memref<1x128x128xf32, #tpu.memory_space<vmem>> -> memref<128x128xf32, #tpu.memory_space<vmem>>
        %get3A_2020 = arith.index_cast %add3A_1956 : i32 to index
        %get3A_2021 = arith.constant 96 : index
        %get3A_2022 = tpu.vector_load %get3A_2019[%get3A_2020, %get3A_2021] {strides = array<i32>} : memref<128x128xf32, #tpu.memory_space<vmem>>, vector<1x16xf32>,
        %get3A_2023 = vector.shape_cast %get3A_2022 : vector<1x16xf32> to vector<16xf32>
        %mul3A_2024 = arith.mulf %get3A_2023, %mul3A_204 : vector<16xf32>
        %add3A_2025 = arith.addf %add3A_2015, %mul3A_2024 : vector<16xf32>
        %get3A_2026 = arith.constant 0 : i32
        %get3A_2027 = arith.constant 0 : i32
        %get3A_2028 = tpu.memref_slice %arg14[%select_n3A_93, %get3A_2026, %get3A_2027] : memref<4x128x128xf32, #tpu.memory_space<vmem>> -> memref<1x128x128xf32, #tpu.memory_space<vmem>>
        %get3A_2029 = tpu.memref_squeeze %get3A_2028 : memref<1x128x128xf32, #tpu.memory_space<vmem>> -> memref<128x128xf32, #tpu.memory_space<vmem>>
        %get3A_2030 = arith.index_cast %add3A_1956 : i32 to index
        %get3A_2031 = arith.constant 112 : index
        %get3A_2032 = tpu.vector_load %get3A_2029[%get3A_2030, %get3A_2031] {strides = array<i32>} : memref<128x128xf32, #tpu.memory_space<vmem>>, vector<1x16xf32>,
        %get3A_2033 = vector.shape_cast %get3A_2032 : vector<1x16xf32> to vector<16xf32>
        %mul3A_2034 = arith.mulf %get3A_2033, %mul3A_213 : vector<16xf32>
        %add3A_2035 = arith.addf %add3A_2025, %mul3A_2034 : vector<16xf32>
        %eq3A_2036 = arith.constant 15 : i32
        %eq3A_2037 = vector.broadcast %eq3A_2036 : i32 to vector<16xi32>
        %eq3A_2038 = arith.cmpi eq, %iota3A, %eq3A_2037 : vector<16xi32>
        %xor3A_2039 = arith.constant 8 : i32
        %xor3A_2040 = vector.broadcast %xor3A_2039 : i32 to vector<16xi32>
        %xor3A_2041 = arith.xori %iota3A, %xor3A_2040 : vector<16xi32>
        %broadcast_in_dim3A_2042 = vector.shape_cast %xor3A_2041 : vector<16xi32> to vector<16x1xi32>
        %gather3A_2043 = vector.shape_cast %broadcast_in_dim3A_2042 : vector<16x1xi32> to vector<16xi32>
        %gather3A_2044 = tpu.dynamic_gather %add3A_2035[%gather3A_2043] in [0] : vector<16xf32>, vector<16xi32> -> vector<16xf32>
        %add3A_2045 = arith.addf %add3A_2035, %gather3A_2044 : vector<16xf32>
        %xor3A_2046 = arith.constant 4 : i32
        %xor3A_2047 = vector.broadcast %xor3A_2046 : i32 to vector<16xi32>
        %xor3A_2048 = arith.xori %iota3A, %xor3A_2047 : vector<16xi32>
        %broadcast_in_dim3A_2049 = vector.shape_cast %xor3A_2048 : vector<16xi32> to vector<16x1xi32>
        %gather3A_2050 = vector.shape_cast %broadcast_in_dim3A_2049 : vector<16x1xi32> to vector<16xi32>
        %gather3A_2051 = tpu.dynamic_gather %add3A_2045[%gather3A_2050] in [0] : vector<16xf32>, vector<16xi32> -> vector<16xf32>
        %add3A_2052 = arith.addf %add3A_2045, %gather3A_2051 : vector<16xf32>
        %xor3A_2053 = arith.constant 2 : i32
        %xor3A_2054 = vector.broadcast %xor3A_2053 : i32 to vector<16xi32>
        %xor3A_2055 = arith.xori %iota3A, %xor3A_2054 : vector<16xi32>
        %broadcast_in_dim3A_2056 = vector.shape_cast %xor3A_2055 : vector<16xi32> to vector<16x1xi32>
        %gather3A_2057 = vector.shape_cast %broadcast_in_dim3A_2056 : vector<16x1xi32> to vector<16xi32>
        %gather3A_2058 = tpu.dynamic_gather %add3A_2052[%gather3A_2057] in [0] : vector<16xf32>, vector<16xi32> -> vector<16xf32>
        %add3A_2059 = arith.addf %add3A_2052, %gather3A_2058 : vector<16xf32>
        %xor3A_2060 = arith.constant 1 : i32
        %xor3A_2061 = vector.broadcast %xor3A_2060 : i32 to vector<16xi32>
        %xor3A_2062 = arith.xori %iota3A, %xor3A_2061 : vector<16xi32>
        %broadcast_in_dim3A_2063 = vector.shape_cast %xor3A_2062 : vector<16xi32> to vector<16x1xi32>
        %gather3A_2064 = vector.shape_cast %broadcast_in_dim3A_2063 : vector<16x1xi32> to vector<16xi32>
        %gather3A_2065 = tpu.dynamic_gather %add3A_2059[%gather3A_2064] in [0] : vector<16xf32>, vector<16xi32> -> vector<16xf32>
        %add3A_2066 = arith.addf %add3A_2059, %gather3A_2065 : vector<16xf32>
        %select_n3A_2067 = arith.select %eq3A_2038, %add3A_2066, %select_n3A_1952 : vector<16xi1>, vector<16xf32>
        %mul3A_2068 = arith.constant 128 : i32
        %mul3A_2069 = arith.muli %select_n3A_130, %mul3A_2068 : i32
        %mul3A_2070 = arith.constant 16 : i32
        %mul3A_2071 = arith.muli %scan3A_227, %mul3A_2070 : i32
        %add3A_2072 = arith.addi %mul3A_2069, %mul3A_2071 : i32
        %swap3A = arith.index_cast %select_n3A_114 : i32 to index
        %swap3A_2073 = arith.index_cast %add3A_2072 : i32 to index
        %swap3A_2074 = tpu.vector_load %arg13[%swap3A, %swap3A_2073] {strides = array<i32>} : memref<32x256xf32, #tpu.memory_space<vmem>>, vector<1x16xf32>,
        %swap3A_2075 = vector.shape_cast %swap3A_2074 : vector<1x16xf32> to vector<16xf32>
        %swap3A_2076 = vector.shape_cast %select_n3A_2067 : vector<16xf32> to vector<1x16xf32>
        tpu.vector_store %arg13[%swap3A, %swap3A_2073], %swap3A_2076 {strides = array<i32>} : memref<32x256xf32, #tpu.memory_space<vmem>>, vector<1x16xf32>,
        %scan3A_2077 = arith.constant 0 : i32
        scf.yield %scan3A_2077 : i32
      }
      %scan3A_220 = arith.constant 8 : i32
      %add3A_221 = arith.constant 4 : i32
      %add3A_222 = arith.addi %scan3A_83, %add3A_221 : i32
      %lt3A_223 = arith.constant 64 : i32
      %lt3A_224 = arith.cmpi slt, %add3A_222, %lt3A_223 : i32
      %convert_element_type3A = arith.extui %lt3A_224 : i1 to i32
      %cond3A = arith.constant 0 : i32
      %cond3A_225 = arith.cmpi ne, %convert_element_type3A, %cond3A : i32
      scf.if %cond3A_225 {
        %jit3A_227 = arith.constant 2 : i32
        %div3A_228 = arith.divsi %add3A_222, %jit3A_227 : i32
        %sign3A_229 = arith.constant 0 : i32
        %sign3A_230 = arith.cmpi sgt, %add3A_222, %sign3A_229 : i32
        %sign3A_231 = arith.extui %sign3A_230 : i1 to i32
        %sign3A_232 = arith.constant 0 : i32
        %sign3A_233 = arith.cmpi slt, %add3A_222, %sign3A_232 : i32
        %sign3A_234 = arith.extui %sign3A_233 : i1 to i32
        %sign3A_235 = arith.subi %sign3A_231, %sign3A_234 : i32
        %sign3A_236 = arith.constant 0 : i32
        %sign3A_237 = arith.cmpi sgt, %jit3A_227, %sign3A_236 : i32
        %sign3A_238 = arith.extui %sign3A_237 : i1 to i32
        %sign3A_239 = arith.constant 0 : i32
        %sign3A_240 = arith.cmpi slt, %jit3A_227, %sign3A_239 : i32
        %sign3A_241 = arith.extui %sign3A_240 : i1 to i32
        %sign3A_242 = arith.subi %sign3A_238, %sign3A_241 : i32
        %ne3A_243 = arith.cmpi ne, %sign3A_235, %sign3A_242 : i32
        %rem3A_244 = arith.remsi %add3A_222, %jit3A_227 : i32
        %ne3A_245 = arith.constant 0 : i32
        %ne3A_246 = arith.cmpi ne, %rem3A_244, %ne3A_245 : i32
        %and3A_247 = arith.andi %ne3A_243, %ne3A_246 : i1
        %sub3A_248 = arith.constant 1 : i32
        %sub3A_249 = arith.subi %div3A_228, %sub3A_248 : i32
        %select_n3A_250 = arith.select %and3A_247, %sub3A_249, %div3A_228 : i32
        %jit3A_251 = arith.constant 2 : i32
        %eq3A_252 = arith.constant 0 : i32
        %eq3A_253 = arith.cmpi eq, %jit3A_251, %eq3A_252 : i32
        %jit3A_254 = arith.constant 1 : i32
        %select_n3A_255 = arith.select %eq3A_253, %jit3A_254, %jit3A_251 : i32
        %rem3A_256 = arith.remsi %add3A_222, %select_n3A_255 : i32
        %ne3A_257 = arith.constant 0 : i32
        %ne3A_258 = arith.cmpi ne, %rem3A_256, %ne3A_257 : i32
        %lt3A_259 = arith.constant 0 : i32
        %lt3A_260 = arith.cmpi slt, %rem3A_256, %lt3A_259 : i32
        %lt3A_261 = arith.constant 0 : i32
        %lt3A_262 = arith.cmpi slt, %select_n3A_255, %lt3A_261 : i32
        %ne3A_263 = arith.xori %lt3A_260, %lt3A_262 : i1
        %and3A_264 = arith.andi %ne3A_263, %ne3A_258 : i1
        %add3A_265 = arith.addi %rem3A_256, %select_n3A_255 : i32
        %select_n3A_266 = arith.select %and3A_264, %add3A_265, %rem3A_256 : i32
        %dma_start3A_267 = arith.constant 0 : i32
        %dma_start3A_268 = arith.constant 0 : i32
        %dma_start3A_269 = tpu.memref_slice %arg14[%select_n3A_93, %dma_start3A_267, %dma_start3A_268] : memref<4x128x128xf32, #tpu.memory_space<vmem>> -> memref<1x128x128xf32, #tpu.memory_space<vmem>>
        %dma_start3A_270 = tpu.memref_squeeze %dma_start3A_269 : memref<1x128x128xf32, #tpu.memory_space<vmem>> -> memref<128x128xf32, #tpu.memory_space<vmem>>
        %dma_start3A_271 = arith.constant 0 : i32
        %dma_start3A_272 = tpu.memref_slice %arg10[%select_n3A_250, %select_n3A_266, %dma_start3A_271] : memref<32x2x128xi32, #tpu.memory_space<vmem>> -> memref<1x1x128xi32, #tpu.memory_space<vmem>>
        %dma_start3A_273 = tpu.memref_squeeze %dma_start3A_272 : memref<1x1x128xi32, #tpu.memory_space<vmem>> -> memref<128xi32, #tpu.memory_space<vmem>>
        %dma_start3A_274 = arith.constant 0 : i32
        %dma_start3A_275 = arith.constant 0 : i32
        %dma_start3A_276 = tpu.memref_slice %arg5[%dma_start3A_274, %dma_start3A_275] : memref<100000x128xf32, #tpu.memory_space<hbm>> -> memref<100000x128xf32, #tpu.memory_space<hbm>>
        %dma_start3A_277 = tpu.memref_slice %arg17[%select_n3A_93] : memref<4x!tpu.dma_semaphore, #tpu.memory_space<semaphore_mem>> -> memref<1x!tpu.dma_semaphore, #tpu.memory_space<semaphore_mem>>
        %dma_start3A_278 = tpu.memref_squeeze %dma_start3A_277 : memref<1x!tpu.dma_semaphore, #tpu.memory_space<semaphore_mem>> -> memref<!tpu.dma_semaphore, #tpu.memory_space<semaphore_mem>>
        tpu.enqueue_indirect_dma source(%dma_start3A_276 : memref<100000x128xf32, #tpu.memory_space<hbm>>) target(%dma_start3A_270 : memref<128x128xf32, #tpu.memory_space<vmem>>) offsets(%dma_start3A_273 : memref<128xi32, #tpu.memory_space<vmem>>) semaphore(%dma_start3A_278 : memref<!tpu.dma_semaphore, #tpu.memory_space<semaphore_mem>>)
      } else {
      }
      %scan3A_226 = arith.constant 0 : i32
      scf.yield %scan3A_226 : i32
    }
    %scan3A_82 = arith.constant 64 : i32
    "tpu.region"() ({
      %run_scoped3A = tpu.sem_alloc : memref<!tpu.dma_semaphore, #tpu.memory_space<semaphore_mem>>
      %dma_start3A_83 = arith.constant 0 : i32
      %dma_start3A_84 = tpu.memref_slice %arg7[%mul3A_2, %dma_start3A_83] : memref<1024x256xf32, #tpu.memory_space<hbm>> -> memref<32x256xf32, #tpu.memory_space<hbm>>
      %dma_start3A_85 = arith.constant 0 : i32
      %dma_start3A_86 = tpu.memref_slice %arg7[%mul3A_2, %dma_start3A_85] : memref<1024x256xf32, #tpu.memory_space<hbm>> -> memref<32x256xf32, #tpu.memory_space<hbm>>
      tpu.enqueue_dma source(%arg13 : memref<32x256xf32, #tpu.memory_space<vmem>>) target(%dma_start3A_86 : memref<32x256xf32, #tpu.memory_space<hbm>>) target_semaphore(%run_scoped3A : memref<!tpu.dma_semaphore, #tpu.memory_space<semaphore_mem>>)
      %dma_wait3A_87 = arith.constant 0 : i32
      %dma_wait3A_88 = tpu.memref_slice %arg7[%mul3A_2, %dma_wait3A_87] : memref<1024x256xf32, #tpu.memory_space<hbm>> -> memref<32x256xf32, #tpu.memory_space<hbm>>
      %dma_wait3A_89 = arith.constant 0 : i32
      %dma_wait3A_90 = tpu.memref_slice %arg7[%mul3A_2, %dma_wait3A_89] : memref<1024x256xf32, #tpu.memory_space<hbm>> -> memref<32x256xf32, #tpu.memory_space<hbm>>
      tpu.wait_dma2 semaphore(%run_scoped3A : memref<!tpu.dma_semaphore, #tpu.memory_space<semaphore_mem>>) src(%arg13 : memref<32x256xf32, #tpu.memory_space<vmem>>) dst(%dma_wait3A_90 : memref<32x256xf32, #tpu.memory_space<hbm>>)
      tpu.yield
    }) : () -> ()
    return
  }
}

</mosaic_0001>

<sc_bundles>
// kernel: _launch.3.cloned.1.call-start
scs
__scs_entry_jumppad:
0x0: {  	(pc) =	sbr.rel $0x88, $3  }
0x1: {  	(tag) =	ssettag $0x0;
	lr =	simm.s32 $0x1  }
0x2: {  	[smem:$0x3F9C] =	sst lr;
	_ =	strace $0xD0000000  }
0x3: {  	_ = 	snop  }
0x4: {  	_ = 	snop  }
0x5: {  	_ = 	snop  }
0x6: {  	_ = 	snop  }
0x7: {  	_ = 	snop  }
__scs_overlays_trampoline_lowered:
0x8: {  	[smem:$0x3FAB] =	sst s0  }
0x9: {  	[smem:$0x3FAC] =	sst s1  }
0xa: {  	[smem:$0x3FAD] =	sst s2  }
0xb: {  	[smem:$0x3FAE] =	sst s3  }
0xc: {  	[smem:$0x3FAF] =	sst s4  }
0xd: {  	[smem:$0x3FB0] =	sst s5  }
0xe: {  	[smem:$0x3FB1] =	sst s6  }
0xf: {  	[smem:$0x3FB2] =	sst s7  }
0x10: {  	[smem:$0x3FB3] =	sst s8  }
0x11: {  	[smem:$0x3FB4] =	sst s9;
	s0 =	simm.s32 @!p0 $0x0  }
0x12: {  	s1 =	sld [smem:$0x3F9A];
	s0 =	simm.s32 @p0 $0x1  }
0x13: {  	[smem:$0x3FB5] =	sst s0;
	s0 =	simm.s32 @!p1 $0x0  }
0x14: {  	s2 =	sld [smem:$0x3F99];
	s0 =	simm.s32 @p1 $0x1  }
0x15: {  	[smem:$0x3FB6] =	sst s0;
	s0 =	simm.s32 @!p2 $0x0  }
0x16: {  	s3 =	sld [smem:$0x3FDB];
	s0 =	simm.s32 @p2 $0x1  }
0x17: {  	s4 =	simm.s32 $0x1BF5;
	[smem:$0x3FB8] =	sst s0  }
0x18: {  	s0 =	sld [smem:$0x3F9B];
	_ =	swait.ge [sflag:s4], $0x0  }
0x19: {  	s7 =	sld [smem:$0x3F9C]  }
0x1a: {  	s8 =	sadd.s32 $0xFFFFE003, lr  }
0x1b: {  	s9 =	sadd.s32 $0xFFFFFEF7, lr;
	s5 =	simm.s32 $0xFFFFFFFF;
	p2 =	slt.u32 s8, $0xFFFFF086  }
0x1c: {  	p1 =	slt.u32 s9, $0xF7A;
	s5 =	simm.s32 @!p2 $0x0  }
0x1d: {  	s5 =	simm.s32 @p1 $0x1;
	p0 =	seq.s32 s7, s2  }
0x1e: {  	s7 =	smul.u32 @!p0 $0xF7A, s2;
	p2 =	seq.s32 @!p0 s5, $0x0  }
0x1f: {  	s9 =	smul.u32 $0xF7A, s1;
	s8 =	simm.s32 @!p0 $0x1BF5;
	p2 =	por !p2, p0  }
0x20: {  	[sflag:s8] =	ssyncset.s32 @!p0 $0xFFFFF086;
	s6 =	sadd.s32 @!p0 s3, s7;
	s7 =	simm.s32 @!p0 $0x108  }
0x21: {  	s3 =	sadd.s32 s3, s9;
	s6 =	sadd.s32 @!p0 $0x88, s6;
	s7 =	simm.s32 @p2 $0x1082  }
0x22: {  	[simem:s7], [sflag:s8] =	dma.local @!p0 [hbm:s6], $0xF7A  }
0x23: {  	s9 =	sor.u32 $0xD0000000, s2;
	s6 =	simm.s32 $0x108;
	_ =	swait.ge @!p0 [sflag:s8], $0x0  }
0x24: {  	s3 =	sadd.s32 $0x88, s3;
	s6 =	simm.s32 @!p1 $0x1082;
	[sflag:s4] =	ssyncset.s32 $0xFFFFF086  }
0x25: {  	[simem:s6], [sflag:s4] =	dma.local [hbm:s3], $0xF7A  }
0x26: {  	[smem:$0x3F9C] =	sst s1;
	(tag) =	ssettag s2;
	_ =	strace s9  }
0x27: {  	s1 =	sld [smem:$0x3FAC]  }
0x28: {  	s2 =	sld [smem:$0x3FAD]  }
0x29: {  	s4 =	sld [smem:$0x3FAF]  }
0x2a: {  	p0 =	seq.s32 s5, $0x0;
	s5 =	sld [smem:$0x3FB0]  }
0x2b: {  	s6 =	sld [smem:$0x3FB1]  }
0x2c: {  	s7 =	sld [smem:$0x3FB2]  }
0x2d: {  	s3 =	simm.s32 $0x108;
	s8 =	sld [smem:$0x3FB3]  }
0x2e: {  	s3 =	simm.s32 @!p0 $0x1082;
	s9 =	sld [smem:$0x3FB4]  }
0x2f: {  	lr =	sadd.s32 s0, s3;
	s0 =	sld [smem:$0x3FAB]  }
0x30: {  	s3 =	sld [smem:$0x3FAE]  }
0x31: {  	[smem:$0x3FB7] =	sst s10  }
0x32: {  	s10 =	sld [smem:$0x3FB5];
	_ =	sdelay $0x3  }
0x33: {  	p0 =	seq.s32 s10, $0x1;
	s10 =	sld [smem:$0x3FB7];
	_ =	sdelay $0x3  }
0x34: {  	[smem:$0x3FB7] =	sst s10  }
0x35: {  	s10 =	sld [smem:$0x3FB6];
	_ =	sdelay $0x3  }
0x36: {  	p1 =	seq.s32 s10, $0x1;
	s10 =	sld [smem:$0x3FB7];
	_ =	sdelay $0x3  }
0x37: {  	[smem:$0x3FB7] =	sst s10  }
0x38: {  	s10 =	sld [smem:$0x3FB8]  }
0x39: {  	_ = 	snop;
	(pc) =	sbr.ind lr, $3  }
0x3a: {  	_ = 	snop  }
0x3b: {  	_ = 	snop  }
0x3c: {  	p2 =	seq.s32 s10, $0x1;
	s10 =	sld [smem:$0x3FB7]  }
0x3d: {  	_ =	shalt  }
0x3e: {  	_ =	shalt  }
0x3f: {  	_ =	shalt  }
0x40: {  	_ =	shalt  }
0x41: {  	_ =	shalt  }
0x42: {  	_ =	shalt  }
0x43: {  	_ =	shalt  }
0x44: {  	_ =	shalt  }
0x45: {  	_ =	shalt  }
0x46: {  	_ =	shalt  }
0x47: {  	_ =	shalt  }
0x48: {  	_ =	shalt  }
0x49: {  	_ =	shalt  }
0x4a: {  	_ =	shalt  }
0x4b: {  	_ =	shalt  }
0x4c: {  	_ =	shalt  }
0x4d: {  	_ =	shalt  }
0x4e: {  	_ =	shalt  }
0x4f: {  	_ =	shalt  }
0x50: {  	_ =	shalt  }
0x51: {  	_ =	shalt  }
0x52: {  	_ =	shalt  }
0x53: {  	_ =	shalt  }
0x54: {  	_ =	shalt  }
0x55: {  	_ =	shalt  }
0x56: {  	_ =	shalt  }
0x57: {  	_ =	shalt  }
0x58: {  	_ =	shalt  }
0x59: {  	_ =	shalt  }
0x5a: {  	_ =	shalt  }
0x5b: {  	_ =	shalt  }
0x5c: {  	_ =	shalt  }
0x5d: {  	_ =	shalt  }
0x5e: {  	_ =	shalt  }
0x5f: {  	_ =	shalt  }
0x60: {  	_ =	shalt  }
0x61: {  	_ =	shalt  }
0x62: {  	_ =	shalt  }
0x63: {  	_ =	shalt  }
0x64: {  	_ =	shalt  }
0x65: {  	_ =	shalt  }
0x66: {  	_ =	shalt  }
0x67: {  	_ =	shalt  }
0x68: {  	_ =	shalt  }
0x69: {  	_ =	shalt  }
0x6a: {  	_ =	shalt  }
0x6b: {  	_ =	shalt  }
0x6c: {  	_ =	shalt  }
0x6d: {  	_ =	shalt  }
0x6e: {  	_ =	shalt  }
0x6f: {  	_ =	shalt  }
0x70: {  	_ =	shalt  }
0x71: {  	_ =	shalt  }
0x72: {  	_ =	shalt  }
0x73: {  	_ =	shalt  }
0x74: {  	_ =	shalt  }
0x75: {  	_ =	shalt  }
0x76: {  	_ =	shalt  }
0x77: {  	_ =	shalt  }
0x78: {  	_ =	shalt  }
0x79: {  	_ =	shalt  }
0x7a: {  	_ =	shalt  }
0x7b: {  	_ =	shalt  }
0x7c: {  	_ =	shalt  }
0x7d: {  	_ =	shalt  }
0x7e: {  	_ =	shalt  }
0x7f: {  	_ =	shalt  }
0x80: {  	_ =	shalt  }
0x81: {  	_ =	shalt  }
0x82: {  	_ =	shalt  }
0x83: {  	_ =	shalt  }
0x84: {  	_ =	shalt  }
0x85: {  	_ =	shalt  }
0x86: {  	_ =	shalt  }
0x87: {  	_ =	shalt  }
.Lfunc_end0:
.L_simem_size_0:
called_computation_lowered:
.L_overlay_start_0:
0x88: {  	s2 =	sld [smem:$0x3FD9]  }
0x89: {  	s3 =	sld [smem:$0x3FFE];
	_ =	sdelay $0x1  }
0x8a: {  	s1 =	srdreg.scid  }
0x8b: {  	s0 =	sand.u32 $0x1, s1  }
0x8c: {  	s18 =	sshll.u32 s0, $0xA;
	s2 =	sadd.s32 s3, s2  }
0x8d: {  	s2 =	sadd.s32 s2, s18  }
0x8e: {  	[smem:$0x3FC3] =	sst s2  }
0x8f: {  	_ = 	snop  }
0x90: {  	s2 =	sld [smem:$0x3FC9]  }
0x91: {  	s19 =	sld [smem:$0x3FC8]  }
0x92: {  	s4 =	sld [smem:$0x3FC7]  }
0x93: {  	s5 =	sld [smem:$0x3FC6]  }
0x94: {  	s6 =	sld [smem:$0x3FC5]  }
0x95: {  	s7 =	sld [smem:$0x3FD0];
	(tm) =	ssettm $0x1  }
0x96: {  	s8 =	sld [smem:$0x3FFB];
	_ =	sdelay $0x3  }
0x97: {  	_ =	strace s8  }
0x98: {  	s8 =	sld [smem:$0x3FFC];
	_ =	sdelay $0x3  }
0x99: {  	_ =	strace s8  }
0x9a: {  	s8 =	sld [smem:$0x3FFD];
	_ =	sdelay $0x3  }
0x9b: {  	_ =	strace s8  }
0x9c: {  	_ =	strace $0x8FFFFFFF  }
0x9d: {  	s20 =	sld [smem:$0x3FDB];
	_ =	sdelay $0x1  }
0x9e: {  	s9 =	simm.s32 $_scs_section_size  }
0x9f: {  	s10 =	simm.s32 $_size__tile_overlayer_lowered;
	s11 =	simm.s32 $_tile_overlayer_lowered  }
0xa0: {  	s23 =	simm.s32 $0x1BFF;
	s22 =	sshll.u32 s11, $0x1;
	s8 =	sadd.s32 s9, s20  }
0xa1: {  	s12 =	simm.s32 $0x0;
	s21 =	sshll.u32 s10, $0x1;
	s10 =	sadd.s32 s22, s8  }
0xa2: {  	[timem:s12], [sflag:s23] =	dma.local [hbm:s10], s21  }
0xa3: {  	_ =	swait.ge [sflag:s23], s21  }
0xa4: {  	s9 =	ssub.s32 $0x0, s21;
	[sflag:s23] =	ssyncset.done $0x0  }
0xa5: {  	[sflag:s23] =	ssyncadd.s32 s9;
	_ =	sdelay $0x1  }
0xa6: {  	s24 =	simm.s32 $0x1B8B  }
0xa7: {  	_ =	swait.ge [sflag:s24], $0x1  }
0xa8: {  	[sflag:s24] =	ssyncset.done $0x0  }
0xa9: {  	s25 =	simm.s32 $0x1B8E;
	[sflag:s24] =	ssyncadd.s32 $0xFFFFFFFF  }
0xaa: {  	s26 =	simm.s32 $execute0_lowered;
	[smem:$0x3FD2] =	sst s25  }
0xab: {  	s9 =	sshll.u32 s26, $0x1;
	_ =	strace $0x80000046;
	[dreg:$0x1] =	wrdreg $0xFFFFFFFF  }
0xac: {  	s28 =	simm.s32 $_size_execute0_lowered;
	s8 =	sadd.s32 s8, s9;
	[dreg:$0x0] =	wrdreg $0x0  }
0xad: {  	s9 =	sshll.u32 s28, $0x1;
	[dreg:$0x2] =	wrdreg s8  }
0xae: {  	[dreg:$0x3] =	wrdreg s9  }
0xaf: {  	[dreg:$0x4] =	wrdreg $0xC0  }
0xb0: {  	_ =	task [dreg:s12], $0x5FFFF  }
0xb1: {  	[dreg:$0x1] =	wrdreg $0xFFFFFFFF  }
0xb2: {  	[dreg:$0x0] =	wrdreg $0x60  }
0xb3: {  	[dreg:$0x2] =	wrdreg s2  }
0xb4: {  	[dreg:$0x3] =	wrdreg s19  }
0xb5: {  	[dreg:$0x4] =	wrdreg s4  }
0xb6: {  	[dreg:$0x5] =	wrdreg s5  }
0xb7: {  	[dreg:$0x6] =	wrdreg s6  }
0xb8: {  	[dreg:$0x7] =	wrdreg s7  }
0xb9: {  	[dreg:$0x8] =	wrdreg $0x9  }
0xba: {  	_ =	task.clear_ibuf [dreg:s12], $0x9FFFF;
	_ =	strace $0x90000046  }
0xbb: {  	s29 =	simm.s32 $0x9;
	_ =	strace $0x80000048  }
0xbc: {  	_ =	swait.ge [sflag:s29], $0x1  }
0xbd: {  	[sflag:s29] =	ssyncadd.s32 $0xFFFFFFFF  }
0xbe: {  	_ =	strace $0x90000048  }
0xbf: {  	_ =	sfence  }
0xc0: {  	s30 =	sld [smem:$0x0];
	_ =	sdelay $0x2  }
0xc1: {  	s31 =	sshll.u32 s1, $0xD;
	s1 =	sshrl.u32 s1, $0x2  }
0xc2: {  	s3 =	sand.u32 $0x4000, s31;
	s1 =	sadd.s32 s1, s30  }
0xc3: {  	s0 =	sor.u32 s3, s0;
	s1 =	sshll.u32 s1, $0x11  }
0xc4: {  	s0 =	sor.u32 s1, s0  }
0xc5: {  	s0 =	sadd.s32 $0x8F2B, s0  }
0xc6: {  	[sflag:s0] =	ssyncadd.remote.s32 $0x1  }
0xc7: {  	_ =	sfence.sel $0xFFFF  }
0xc8: {  	[dreg:$0x0] =	wrdreg $0xFFFFFFFF;
	(pc) =	sbr.abs _section_cstart, $3  }
0xc9: {  	[dreg:$0x1] =	wrdreg $0xFFFFFFFF  }
0xca: {  	_ =	task.clear_ibuf [dreg:s12], $0x2FFFF;
	_ =	strace $0x9FFFFFFF  }
0xcb: {  	(tm) =	ssettm $0x7FFFFFFF  }
tec
execute0_lowered:
.L_overlay_start_1:
0x0: {  	(tag) =	ssettag $0x1  }
0x1: {  	s1 =	rddreg [dreg:$0x0]  }
0x2: {  	v0 =	vimm.s32 $0xFEDCBA98;
	s2 =	rddreg [dreg:$0x1];
	v1 =	vimm.s32 $0x76543210  }
0x3: {  	s3 =	rddreg [dreg:$0x2];
	v2 =	vimm.s32 $0xBA98FEDC;
	v3 =	vimm.s32 $0x32107654;
	v4 =	vimm.s32 $0xDCFE98BA  }
0x4: {  	s0 =	rddreg [dreg:$0x3];
	v5 =	vimm.s32 $0x54761032;
	v6 =	vimm.s32 $0xEFCDAB89;
	v7 =	vimm.s32 $0x67452301  }
0x5: {  	s8 =	rddreg [dreg:$0x5];
	vm0 =	vmmov $0x1;
	vm1 =	vmmov $0x3;
	vm2 =	vmmov $0x7  }
0x6: {  	s4 =	srdreg.scid;
	s6 =	stileid.u32;
	vm3 =	vmmov $0xf;
	vm4 =	vmmov $0x1f;
	vm5 =	vmmov $0x3f  }
0x7: {  	s11 =	simm.s32 $0x80;
	s12 =	simm.s32 $0x100;
	s13 =	simm.s32 $0x20;
	vm6 =	vmmov $0x7f;
	vm7 =	vmmov $0xff;
	vm8 =	vmmov $0x1ff  }
0x8: {  	s15 =	simm.s32 $0x3100;
	s16 =	simm.s32 $0x6100;
	s17 =	simm.s32 $0x180;
	vm9 =	vmmov $0x3ff;
	vm10 =	vmmov $0x7ff;
	vm11 =	vmmov $0xfff  }
0x9: {  	s18 =	simm.s32 $0xA100;
	s19 =	simm.s32 $0x200;
	s20 =	simm.s32 $0xE100;
	v0 =	vunpack.c.l.s4.s8 v0;
	v1 =	vunpack.c.l.s4.s8 v1;
	v2 =	vunpack.c.l.s4.s8 v2  }
0xa: {  	s21 =	simm.s32 $0x280;
	s22 =	simm.s32 $0x12100;
	s23 =	simm.s32 $0x1;
	v3 =	vunpack.c.l.s4.s8 v3;
	v4 =	vunpack.c.l.s4.s8 v4;
	v5 =	vunpack.c.l.s4.s8 v5  }
0xb: {  	s24 =	simm.s32 $0x2;
	s25 =	simm.s32 $0x4100;
	s26 =	simm.s32 $0x0;
	v6 =	vunpack.c.l.s4.s8 v6;
	v7 =	vunpack.c.l.s4.s8 v7;
	v0 =	vunpack.c.0.s8.s32 v0  }
0xc: {  	s5 =	sand.u32 $0x1, s4;
	s4 =	simm.s32 $0x0;
	s6 =	sshll.u32 s6, $0x6;
	v2 =	vunpack.c.0.s8.s32 v2;
	v3 =	vunpack.c.0.s8.s32 v3;
	v4 =	vunpack.c.0.s8.s32 v4  }
0xd: {  	s7 =	sshll.u32 s5, $0x5;
	[smem:$0x7FF] =	sst s4;
	s5 =	ssub.s32 $0x2, s5;
	v5 =	vunpack.c.0.s8.s32 v5;
	v6 =	vunpack.c.0.s8.s32 v6;
	v7 =	vunpack.c.0.s8.s32 v7  }
0xe: {  	vm12 =	vmmov $0x1fff;
	s6 =	sor.u32 s7, s6;
	_ =	strace $0x80000047;
	s30 =	sshrl.u32 s5, $0x1;
	v1 =	vunpack.c.0.s8.s32 v1;
	v2 =	vcombine.low v3, v2  }
0xf: {  	s9 =	sshrl.u32 s6, $0x3;
	s10 =	ssub.s32 s5, s30;
	s31 =	sshll.u32 s6, $0x5;
	v3 =	vcombine.low v5, v4;
	v4 =	vcombine.low v7, v6;
	v0 =	vand.u32 $0xF, v0  }
0x10: {  	vm13 =	vmmov $0x3fff;
	vm14 =	vmmov $0x7fff;
	s5 =	sadd.s32 s1, s9;
	s6 =	sadd.s32 s2, s9;
	s7 =	sadd.s32 s3, s31;
	v0 =	vcombine.low v0, v1  }
0x11: {  	s8 =	sadd.s32 s8, s31;
	s9 =	smax.u32 s10, $0x1;
	s10 =	simm.s32 $0x7;
	v1 =	vand.u32 $0xF, v2;
	v2 =	vand.u32 $0xF, v3;
	v3 =	vand.u32 $0xF, v4  }
.LBB2_1:
0x12: {  	[tilespmem:s4], [sflag:$0x7] =	stream.linear.gather [hbm4b:s5+s4], $0x20, $0x38;
	[tilespmem:$0x16100] =	vst v63  }
0x13: {  	_ =	swait.ge [sflag:s10], $0x20  }
0x14: {  	[sflag:s10] =	ssyncset.done $0x0  }
0x15: {  	[sflag:s10] =	ssyncadd.s32 $0xFFFFFFE0  }
0x16: {  	[tilespmem:s11], [sflag:$0x7] =	stream.linear.gather [hbm4b:s6+s4], $0x20, $0x38;
	[tilespmem:$0x16100] =	vst v63  }
0x17: {  	_ =	swait.ge [sflag:s10], $0x20  }
0x18: {  	[sflag:s10] =	ssyncset.done $0x0  }
0x19: {  	[sflag:s10] =	ssyncadd.s32 $0xFFFFFFE0  }
0x1a: {  	[tilespmem:s12], [sflag:$0x7] =	stream.linear.gather [hbm4b:s7+s4], $0x2000, $0x38;
	[tilespmem:$0x16100] =	vst v63  }
0x1b: {  	_ =	swait.ge [sflag:s10], $0x2000  }
0x1c: {  	[sflag:s10] =	ssyncset.done $0x0  }
0x1d: {  	s1 =	simm.s32 $0x2100;
	[sflag:s10] =	ssyncadd.s32 $0xFFFFE000  }
0x1e: {  	[tilespmem:s1], [sflag:$0x1] =	stream.indirect.gather [hbm4b:s0+s13], $0x80, s4, s13, $0xb8;
	[tilespmem:$0x16100] =	vst v63  }
0x1f: {  	s31 =	rddreg [dreg:$0x4]  }
0x20: {  	[tilespmem:s15], [sflag:$0x2] =	stream.indirect.gather [hbm4b:s31+s13], $0x80, s11, s13, $0xb8;
	[tilespmem:$0x16100] =	vst v63  }
0x21: {  	_ = 	snop  }
0x22: {  	[tilespmem:s16], [sflag:$0x3] =	stream.indirect.gather [hbm4b:s0+s11], $0x80, s12, s11, $0xb8;
	[tilespmem:$0x16100] =	vst v63  }
0x23: {  	_ = 	snop  }
0x24: {  	[tilespmem:s18], [sflag:$0x4] =	stream.indirect.gather [hbm4b:s0+s11], $0x80, s17, s11, $0xb8;
	[tilespmem:$0x16100] =	vst v63  }
0x25: {  	_ = 	snop  }
0x26: {  	[tilespmem:s20], [sflag:$0x5] =	stream.indirect.gather [hbm4b:s0+s11], $0x80, s19, s11, $0xb8;
	[tilespmem:$0x16100] =	vst v63  }
0x27: {  	_ = 	snop  }
0x28: {  	[tilespmem:s22], [sflag:$0x6] =	stream.indirect.gather [hbm4b:s0+s11], $0x80, s21, s11, $0xb8;
	[tilespmem:$0x16100] =	vst v63  }
0x29: {  	_ =	swait.ge [sflag:s23], $0x1000  }
0x2a: {  	[sflag:s23] =	ssyncset.done $0x0  }
0x2b: {  	[sflag:s23] =	ssyncadd.s32 $0xFFFFF000  }
0x2c: {  	_ =	swait.ge [sflag:s24], $0x1000  }
0x2d: {  	p0 =	por $0x0, $0x0;
	[sflag:s24] =	ssyncset.done $0x0  }
0x2e: {  	s28 =	simm.s32 $0x0;
	s29 =	simm.s32 $0x0;
	[sflag:s24] =	ssyncadd.s32 $0xFFFFF000  }
.LBB2_2:
0x2f: {  	s1 =	sand.u32 $0x3, s29  }
0x30: {  	s30 =	sadd.s32 $0x3, s1  }
0x31: {  	_ =	swait.ge [sflag:s30], $0x4000  }
0x32: {  	s2 =	sshll.u32 s29, $0x6;
	[sflag:s30] =	ssyncset.done $0x0  }
0x33: {  	s2 =	sand.u32 $0xFFFFFF80, s2;
	[sflag:s30] =	ssyncadd.s32 $0xFFFFC000  }
0x34: {  	v4 =	vld [tilespmem:s2+$0x2100]  }
0x35: {  	v5 =	vld [tilespmem:s2+$0x3100]  }
0x36: {  	v6 =	vld [tilespmem:s2+$0x2110]  }
0x37: {  	v7 =	vld [tilespmem:s2+$0x3110]  }
0x38: {  	v8 =	vld [tilespmem:s2+$0x2120]  }
0x39: {  	v9 =	vld [tilespmem:s2+$0x3120]  }
0x3a: {  	v12 =	vld [tilespmem:s2+$0x2130]  }
0x3b: {  	v13 =	vld [tilespmem:s2+$0x3130]  }
0x3c: {  	v14 =	vld [tilespmem:s2+$0x2140]  }
0x3d: {  	v15 =	vld [tilespmem:s2+$0x3140]  }
0x3e: {  	v16 =	vld [tilespmem:s2+$0x2150]  }
0x3f: {  	v17 =	vld [tilespmem:s2+$0x3150]  }
0x40: {  	v18 =	vld [tilespmem:s2+$0x2160]  }
0x41: {  	s3 =	sand.u32 $0x3, s28;
	v19 =	vld [tilespmem:s2+$0x3160]  }
0x42: {  	s3 =	sshll.u32 s3, $0xE;
	v20 =	vld [tilespmem:s2+$0x2170]  }
0x43: {  	s31 =	sadd.s32 $0x6500, s3;
	v21 =	vld [tilespmem:s2+$0x3170]  }
0x44: {  	v22 =	vld [tilespmem:s31+$0x3F0]  }
0x45: {  	v23 =	vld [tilespmem:s31+$0x370]  }
0x46: {  	v24 =	vld [tilespmem:s31+$0x3E0]  }
0x47: {  	v25 =	vld [tilespmem:s31+$0x2F0]  }
0x48: {  	v26 =	vld [tilespmem:s31+$0x360]  }
0x49: {  	v27 =	vld [tilespmem:s31+$0x3D0]  }
0x4a: {  	v28 =	vld [tilespmem:s31+$0x270]  }
0x4b: {  	v29 =	vld [tilespmem:s31+$0x2E0]  }
0x4c: {  	v30 =	vld [tilespmem:s31+$0x350]  }
0x4d: {  	v31 =	vld [tilespmem:s31+$0x3C0]  }
0x4e: {  	v32 =	vld [tilespmem:s31+$0x1F0]  }
0x4f: {  	v33 =	vld [tilespmem:s31+$0x260]  }
0x50: {  	v34 =	vld [tilespmem:s31+$0x2D0]  }
0x51: {  	v35 =	vld [tilespmem:s31+$0x340]  }
0x52: {  	v36 =	vld [tilespmem:s31+$0x3B0]  }
0x53: {  	v37 =	vld [tilespmem:s31+$0x170]  }
0x54: {  	v38 =	vld [tilespmem:s31+$0x1E0]  }
0x55: {  	v39 =	vld [tilespmem:s31+$0x250]  }
0x56: {  	v40 =	vld [tilespmem:s31+$0x2C0]  }
0x57: {  	v41 =	vld [tilespmem:s31+$0x330]  }
0x58: {  	v42 =	vld [tilespmem:s31+$0x3A0]  }
0x59: {  	v43 =	vld [tilespmem:s31+$0xF0]  }
0x5a: {  	v44 =	vld [tilespmem:s31+$0x160]  }
0x5b: {  	v45 =	vld [tilespmem:s31+$0x1D0]  }
0x5c: {  	v46 =	vld [tilespmem:s31+$0x240]  }
0x5d: {  	v49 =	vld [tilespmem:s31+$0x380];
	v10 =	vmul.f32 v5, v4  }
0x5e: {  	v50 =	vld [tilespmem:s31+$0x390];
	v11 =	vmul.f32 v7, v6;
	v9 =	vmul.f32 v9, v8  }
0x5f: {  	v47 =	vld [tilespmem:s31+$0x2B0];
	v8 =	vmul.f32 v13, v12;
	v4 =	vmul.f32 v21, v20  }
0x60: {  	v48 =	vld [tilespmem:s31+$0x320];
	v7 =	vmul.f32 v15, v14;
	v5 =	vmul.f32 v19, v18  }
0x61: {  	v51 =	vld [tilespmem:s31+$0x70];
	v6 =	vmul.f32 v17, v16;
	v16 =	vmul.f32 v22, v4  }
0x62: {  	v57 =	vld [tilespmem:s31+$0x280];
	v18 =	vmul.f32 v23, v4;
	v20 =	vmul.f32 v24, v5  }
0x63: {  	v58 =	vld [tilespmem:s31+$0x290];
	v12 =	vmul.f32 v49, v10;
	v19 =	vmul.f32 v50, v11  }
0x64: {  	v59 =	vld [tilespmem:s31+$0x200];
	v22 =	vmul.f32 v25, v4;
	v24 =	vmul.f32 v26, v5  }
0x65: {  	v60 =	vld [tilespmem:s31+$0x210];
	v26 =	vmul.f32 v27, v6;
	v28 =	vmul.f32 v28, v4  }
0x66: {  	v61 =	vld [tilespmem:s31+$0xD0];
	v29 =	vmul.f32 v29, v5;
	v30 =	vmul.f32 v30, v6  }
0x67: {  	v17 =	vld [tilespmem:s31+$0x230];
	v36 =	vmul.f32 v36, v8;
	v31 =	vmul.f32 v31, v7  }
0x68: {  	v21 =	vld [tilespmem:s31+$0x2A0];
	v33 =	vmul.f32 v33, v5;
	v34 =	vmul.f32 v34, v6  }
0x69: {  	v23 =	vld [tilespmem:s31+$0x300];
	v35 =	vmul.f32 v35, v7;
	v38 =	vmul.f32 v38, v5  }
0x6a: {  	v25 =	vld [tilespmem:s31+$0x310];
	v39 =	vmul.f32 v39, v6;
	v50 =	vmul.f32 v47, v8  }
0x6b: {  	v15 =	vld [tilespmem:s31+$0x1C0];
	v53 =	vmul.f32 v40, v7;
	v12 =	vadd.f32 v19, v12;
	v19 =	vmul.f32 v42, v9  }
0x6c: {  	v55 =	vld [tilespmem:s31+$0x190];
	v42 =	vmul.f32 v57, v10;
	v57 =	vmul.f32 v45, v6  }
0x6d: {  	v49 =	vld [tilespmem:s31+$0x60];
	v21 =	vmul.f32 v21, v9;
	v17 =	vmul.f32 v17, v8  }
0x6e: {  	v47 =	vld [tilespmem:s31+$0x50];
	v19 =	vadd.f32 v19, v12;
	v12 =	vmul.f32 v32, v4;
	v32 =	vmul.f32 v58, v11  }
0x6f: {  	v40 =	vld [tilespmem:s31+$0x40];
	v23 =	vmul.f32 v23, v10;
	v25 =	vmul.f32 v25, v11  }
0x70: {  	v62 =	vld [tilespmem:s31+$0x220];
	v15 =	vmul.f32 v15, v7;
	v36 =	vadd.f32 v36, v19;
	v32 =	vadd.f32 v32, v42  }
0x71: {  	v63 =	vld [tilespmem:s31+$0x1B0];
	v58 =	vmul.f32 v55, v11;
	v23 =	vadd.f32 v25, v23;
	v25 =	vmul.f32 v48, v9  }
0x72: {  	v49 =	vmul.f32 v49, v5;
	v31 =	vadd.f32 v31, v36;
	v21 =	vadd.f32 v21, v32;
	v32 =	vld [tilespmem:s31+$0xB0]  }
0x73: {  	v52 =	vld [tilespmem:s31+$0x180];
	v47 =	vmul.f32 v47, v6;
	v23 =	vadd.f32 v25, v23;
	v25 =	vmul.f32 v41, v8  }
0x74: {  	v40 =	vmul.f32 v40, v7;
	v19 =	vmul.f32 v37, v4;
	v26 =	vadd.f32 v26, v31;
	v31 =	vld [tilespmem:s31+$0x140]  }
0x75: {  	v37 =	vmul.f32 v60, v11;
	v21 =	vadd.f32 v50, v21;
	v50 =	vld [tilespmem:s31+$0xA0];
	v23 =	vadd.f32 v25, v23  }
0x76: {  	v56 =	vld [tilespmem:s31+$0x1A0];
	v36 =	vmul.f32 v61, v6;
	v20 =	vadd.f32 v20, v26;
	v26 =	vmul.f32 v59, v10  }
0x77: {  	v14 =	vld [tilespmem:s31+$0x150];
	v21 =	vadd.f32 v53, v21;
	v23 =	vadd.f32 v35, v23;
	v32 =	vmul.f32 v32, v8  }
0x78: {  	v53 =	vld [tilespmem:s31+$0x80];
	v16 =	vadd.f32 v16, v20;
	v20 =	vadd.f32 v37, v26;
	v26 =	vmul.f32 v62, v9  }
0x79: {  	v35 =	vld [tilespmem:s31+$0x120];
	v21 =	vadd.f32 v34, v21;
	v23 =	vadd.f32 v30, v23;
	v31 =	vmul.f32 v31, v7  }
0x7a: {  	v13 =	vld [tilespmem:s31+$0xE0];
	v50 =	vmul.f32 v50, v9;
	v54 =	vperm.xlane v16, v0;
	v26 =	vadd.f32 v26, v20  }
0x7b: {  	v37 =	vld [tilespmem:s31+$0x130];
	v20 =	vmul.f32 v43, v4;
	v21 =	vadd.f32 v29, v21;
	v23 =	vadd.f32 v24, v23  }
0x7c: {  	v27 =	vld [tilespmem:s31+$0xFFFFFFF0];
	v24 =	vmul.f32 v44, v5;
	v17 =	vadd.f32 v17, v26;
	v26 =	vmul.f32 v46, v7  }
0x7d: {  	v30 =	vld [tilespmem:s31+$0xC0];
	v53 =	vmul.f32 v53, v10;
	v16 =	vadd.f32 v16, v54;
	v21 =	vadd.f32 v22, v21  }
0x7e: {  	v45 =	vld [tilespmem:s31+$0xFFFFFEE0];
	v46 =	vmul.f32 v14, v6;
	v35 =	vmul.f32 v35, v9;
	v17 =	vadd.f32 v26, v17  }
0x7f: {  	v29 =	vld [tilespmem:s31+$0xFFFFFFD0];
	v18 =	vadd.f32 v18, v23;
	v23 =	vperm.xlane v16, v1;
	v26 =	vmul.f32 v52, v10  }
0x80: {  	v44 =	vld [tilespmem:s31+$0xFFFFFF60];
	v37 =	vmul.f32 v37, v8;
	v60 =	vperm.xlane v21, v0;
	v17 =	vadd.f32 v39, v17  }
0x81: {  	v55 =	vld [tilespmem:s31+$0x90];
	v16 =	vadd.f32 v16, v23;
	v23 =	vadd.f32 v58, v26;
	v26 =	vmul.f32 v56, v9  }
0x82: {  	v42 =	vld [tilespmem:s31+$0xFFFFFF70];
	v30 =	vmul.f32 v30, v7;
	v59 =	vperm.xlane v18, v0  }
0x83: {  	v62 =	vld [tilespmem:s31+$0x110];
	v17 =	vadd.f32 v33, v17;
	v22 =	vadd.f32 v26, v23;
	v23 =	vmul.f32 v63, v8  }
0x84: {  	v61 =	vld [tilespmem:s31+$0x100];
	v29 =	vmul.f32 v29, v6;
	v39 =	vmul.f32 v13, v5;
	v18 =	vadd.f32 v18, v59  }
0x85: {  	v41 =	vld [tilespmem:s31+$0xFFFFFE70];
	v44 =	vmul.f32 v44, v5;
	v17 =	vadd.f32 v28, v17;
	v22 =	vadd.f32 v23, v22  }
0x86: {  	v25 =	vld [tilespmem:s31+$0xFFFFFFE0];
	v33 =	vperm.xlane v16, v2;
	v28 =	vperm.xlane v18, v1  }
0x87: {  	v34 =	vld [tilespmem:s31+$0xFFFFFEF0];
	v23 =	vadd.f32 v21, v60;
	v13 =	vperm.xlane v17, v0;
	v14 =	vadd.f32 v15, v22  }
0x88: {  	v43 =	vld [tilespmem:s31+$0xFFFFFDE0];
	v26 =	vmul.f32 v51, v4;
	v60 =	vmul.f32 v62, v11;
	v18 =	vadd.f32 v18, v28  }
0x89: {  	v52 =	vld [tilespmem:s31+$0xFFFFFE60];
	v15 =	vperm.xlane v23, v1;
	v13 =	vadd.f32 v17, v13;
	v14 =	vadd.f32 v57, v14  }
0x8a: {  	v58 =	vld [tilespmem:s31+$0xFFFFFF90];
	v22 =	vmul.f32 v27, v4;
	v48 =	vperm.xlane v18, v2  }
0x8b: {  	v59 =	vld [tilespmem:s31+$0x10];
	v15 =	vadd.f32 v23, v15;
	v17 =	vperm.xlane v13, v1;
	v14 =	vadd.f32 v38, v14  }
0x8c: {  	v21 =	vld [tilespmem:s31+$0xFFFFFF50];
	v23 =	vmul.f32 v42, v4;
	v42 =	vmul.f32 v25, v5  }
0x8d: {  	s2 =	simm.s32 $0x1;
	v27 =	vld [tilespmem:s31+$0x30];
	v63 =	vperm.xlane v15, v2;
	v25 =	vadd.f32 v13, v17;
	v54 =	vadd.f32 v12, v14  }
0x8e: {  	s14 =	sshll.u32 s29, $0x9;
	s2 =	simm.s32 @!p0 $0x0;
	v17 =	vmul.f32 v34, v4;
	v34 =	vld [tilespmem:s31+$0x0];
	v13 =	vadd.f32 v16, v33;
	v16 =	vmul.f32 v61, v10  }
0x8f: {  	s3 =	sand.u32 $0xFFFFE000, s14;
	s14 =	sshll.u32 s29, $0x8;
	s2 =	sshll.u32 s2, $0xC;
	v51 =	vld [tilespmem:s31+$0xFFFFFF40];
	v15 =	vadd.f32 v15, v63;
	v63 =	vmul.f32 v55, v11;
	v57 =	vperm.xlane v54, v0  }
0x90: {  	s14 =	sand.u32 $0xE00, s14;
	s2 =	sor.u32 s2, s3;
	v14 =	vadd.f32 v18, v48;
	v18 =	vld [tilespmem:s31+$0x20];
	v56 =	vperm.xlane v25, v2;
	v61 =	vadd.f32 v60, v16  }
0x91: {  	s2 =	sor.u32 s14, s2;
	v33 =	vmul.f32 v59, v11;
	v59 =	vld [tilespmem:s31+$0xFFFFFFB0];
	v53 =	vadd.f32 v63, v53;
	v62 =	vadd.f32 v54, v57  }
0x92: {  	s2 =	sshrl.u32 s2, $0x2;
	v21 =	vmul.f32 v21, v6;
	v16 =	vadd.f32 v25, v56;
	v25 =	vld [tilespmem:s31+$0xFFFFFF80];
	v35 =	vadd.f32 v35, v61  }
0x93: {  	s2 =	sadd.s32 $0x4100, s2;
	v27 =	vmul.f32 v27, v8;
	v60 =	vld [tilespmem:s31+$0xFFFFFFA0];
	v61 =	vadd.f32 v50, v53;
	v34 =	vmul.f32 v34, v10  }
0x94: {  	v12 =	vmov s2;
	v55 =	vld [tilespmem:s31+$0xFFFFFF10];
	v57 =	vperm.xlane v62, v1;
	v35 =	vadd.f32 v37, v35  }
0x95: {  	v28 =	vld [tilespmem:s31+$0xFFFFFFC0];
	v18 =	vmul.f32 v18, v9;
	v32 =	vadd.f32 v32, v61;
	v33 =	vadd.f32 v33, v34  }
0x96: {  	v63 =	vmul.f32 v58, v11;
	v37 =	vadd.f32 v62, v57;
	v31 =	vadd.f32 v31, v35;
	v62 =	vld [tilespmem:s31+$0xFFFFFF00]  }
0x97: {  	v48 =	vld [tilespmem:s31+$0xFFFFFED0];
	v59 =	vmul.f32 v59, v8;
	v33 =	vadd.f32 v18, v33;
	v25 =	vmul.f32 v25, v10  }
0x98: {  	v58 =	vld [tilespmem:s31+$0xFFFFFF30];
	v30 =	vadd.f32 v30, v32;
	v57 =	vmul.f32 v60, v9;
	v31 =	vadd.f32 v46, v31  }
0x99: {  	v60 =	vmul.f32 v55, v11;
	v27 =	vadd.f32 v27, v33;
	v33 =	vld [tilespmem:s31+$0xFFFFFEC0];
	v56 =	vadd.f32 v63, v25  }
0x9a: {  	v18 =	vmul.f32 v41, v4;
	v30 =	vadd.f32 v36, v30;
	v63 =	vld [tilespmem:s31+$0xFFFFFE80];
	v24 =	vadd.f32 v24, v31  }
0x9b: {  	v31 =	vld [tilespmem:s31+$0xFFFFFF20];
	v27 =	vadd.f32 v40, v27;
	v32 =	vadd.f32 v57, v56;
	v34 =	vmul.f32 v62, v10  }
0x9c: {  	v53 =	vld [tilespmem:s31+$0xFFFFFE50];
	v19 =	vadd.f32 v19, v24;
	v24 =	vmul.f32 v28, v7;
	v28 =	vadd.f32 v39, v30  }
0x9d: {  	v54 =	vld [tilespmem:s31+$0xFFFFFDB0];
	v50 =	vperm.xlane v37, v2;
	v27 =	vadd.f32 v47, v27;
	v32 =	vadd.f32 v59, v32  }
0x9e: {  	v61 =	vld [tilespmem:s31+$0xFFFFFE40];
	v25 =	vmul.f32 v45, v5;
	v34 =	vadd.f32 v60, v34;
	v20 =	vadd.f32 v20, v28  }
0x9f: {  	v55 =	vld [tilespmem:s31+$0xFFFFFE20];
	v28 =	vperm.xlane v19, v0;
	v38 =	vmul.f32 v33, v7;
	v27 =	vadd.f32 v49, v27  }
0xa0: {  	v45 =	vld [tilespmem:s31+$0xFFFFFEB0];
	v63 =	vmul.f32 v63, v10;
	v31 =	vmul.f32 v31, v9;
	v24 =	vadd.f32 v24, v32  }
0xa1: {  	v57 =	vld [tilespmem:s31+$0xFFFFFE90];
	v19 =	vadd.f32 v19, v28;
	v26 =	vadd.f32 v26, v27;
	v27 =	vperm.xlane v20, v0  }
0xa2: {  	v49 =	vld [tilespmem:s31+$0xFFFFFEA0];
	v28 =	vadd.f32 v31, v34;
	v31 =	vmul.f32 v58, v8;
	v24 =	vadd.f32 v29, v24  }
0xa3: {  	v35 =	vld [tilespmem:s31+$0xFFFFFC40];
	v32 =	vmul.f32 v48, v6;
	v20 =	vadd.f32 v20, v27;
	v27 =	vperm.xlane v19, v1  }
0xa4: {  	v41 =	vld [tilespmem:s31+$0xFFFFFC30];
	v28 =	vadd.f32 v31, v28;
	v31 =	vmul.f32 v51, v7;
	v24 =	vadd.f32 v42, v24  }
0xa5: {  	v30 =	vld [tilespmem:s31+$0xFFFFFDD0];
	v48 =	vmul.f32 v45, v8;
	v29 =	vperm.xlane v26, v0;
	v62 =	vadd.f32 v19, v27  }
0xa6: {  	v46 =	vld [tilespmem:s31+$0xFFFFFC60];
	v58 =	vmul.f32 v57, v11;
	v19 =	vadd.f32 v31, v28;
	v22 =	vadd.f32 v22, v24  }
0xa7: {  	v36 =	vld [tilespmem:s31+$0xFFFFFDA0];
	v49 =	vmul.f32 v49, v9;
	v26 =	vadd.f32 v26, v29;
	v29 =	vperm.xlane v20, v1  }
0xa8: {  	v40 =	vld [tilespmem:s31+$0xFFFFFC70];
	v24 =	vmul.f32 v52, v5;
	v19 =	vadd.f32 v21, v19;
	v21 =	vperm.xlane v22, v0  }
0xa9: {  	v47 =	vld [tilespmem:s31+$0xFFFFFDC0];
	v31 =	vmul.f32 v53, v6;
	v27 =	vperm.xlane v26, v1;
	v56 =	vadd.f32 v20, v29  }
0xaa: {  	v33 =	vld [tilespmem:s31+$0xFFFFFE00];
	v20 =	vperm.xlane v62, v2;
	v29 =	vmul.f32 v30, v6;
	v21 =	vadd.f32 v22, v21  }
0xab: {  	v45 =	vld [tilespmem:s31+$0xFFFFFC00];
	v26 =	vadd.f32 v26, v27;
	v59 =	vperm.xlane v56, v2;
	v28 =	vadd.f32 v44, v19  }
0xac: {  	v30 =	vld [tilespmem:s31+$0xFFFFFE10];
	v27 =	vmul.f32 v43, v5;
	v19 =	vadd.f32 v37, v50;
	v22 =	vperm.xlane v21, v1  }
0xad: {  	v34 =	vld [tilespmem:s31+$0xFFFFFE30];
	v20 =	vadd.f32 v62, v20;
	v23 =	vadd.f32 v23, v28;
	v60 =	vperm.xlane v26, v2  }
0xae: {  	v51 =	vld [tilespmem:s31+$0xFFFFFC50];
	v37 =	vmul.f32 v61, v7;
	v28 =	vmul.f32 v40, v4;
	v62 =	vadd.f32 v21, v22  }
0xaf: {  	v42 =	vld [tilespmem:s31+$0xFFFFFD80];
	v61 =	vperm.xlane v23, v0;
	v21 =	vadd.f32 v56, v59;
	v22 =	vadd.f32 v26, v60  }
0xb0: {  	v43 =	vld [tilespmem:s31+$0xFFFFFD90];
	v26 =	vadd.f32 v58, v63;
	v60 =	vmul.f32 v33, v10;
	v33 =	vmul.f32 v47, v7  }
0xb1: {  	v44 =	vld [tilespmem:s31+$0xFFFFFC20];
	v59 =	vperm.xlane v62, v2;
	v39 =	vadd.f32 v23, v61;
	v61 =	vmul.f32 v30, v11  }
0xb2: {  	v40 =	vld [tilespmem:s31+$0xFFFFFD00];
	v63 =	vmul.f32 v55, v9;
	v30 =	vmul.f32 v46, v5;
	v26 =	vadd.f32 v49, v26  }
0xb3: {  	v47 =	vld [tilespmem:s31+$0xFFFFFC80];
	v23 =	vadd.f32 v62, v59;
	v62 =	vperm.xlane v39, v1;
	v52 =	vadd.f32 v61, v60  }
0xb4: {  	s1 =	sshll.u32 s1, $0xE;
	v46 =	vld [tilespmem:s31+$0xFFFFFC10];
	v49 =	vmul.f32 v34, v8;
	v34 =	vmul.f32 v51, v6;
	v50 =	vadd.f32 v48, v26  }
0xb5: {  	s3 =	simm.s32 $0x0;
	s2 =	sadd.s32 $0x6100, s1;
	s1 =	simm.s32 $0x40;
	v48 =	vld [tilespmem:s31+$0xFFFFFC90];
	v26 =	vadd.f32 v39, v62;
	v39 =	vmul.f32 v54, v8;
	v51 =	vadd.f32 v63, v52  }
.LBB2_3:
0xb6: {  	p1 =	sne.s32 s1, $0x1C0;
	v35 =	vmul.f32 v35, v7;
	v52 =	vld [tilespmem:s31+$0xFFFFFD10];
	v36 =	vmul.f32 v36, v9;
	v38 =	vadd.f32 v38, v50  }
0xb7: {  	v41 =	vmul.f32 v41, v8;
	v42 =	vmul.f32 v42, v10;
	v50 =	vld [tilespmem:s31+$0xFFFFFCA0];
	v49 =	vadd.f32 v49, v51  }
0xb8: {  	v44 =	vmul.f32 v44, v9;
	v43 =	vmul.f32 v43, v11;
	v51 =	vld [tilespmem:s31+$0xFFFFFD20];
	v32 =	vadd.f32 v32, v38  }
0xb9: {  	v38 =	vmul.f32 v45, v10;
	v45 =	vmul.f32 v46, v11;
	v46 =	vld [tilespmem:s31+$0xFFFFFCB0];
	v37 =	vadd.f32 v37, v49  }
0xba: {  	v47 =	vmul.f32 v47, v10;
	v48 =	vmul.f32 v48, v11;
	v49 =	vld [tilespmem:s31+$0xFFFFFD30];
	v25 =	vadd.f32 v25, v32  }
0xbb: {  	v40 =	vmul.f32 v40, v10;
	v32 =	vld [tilespmem:s31+$0xFFFFFCC0];
	v52 =	vmul.f32 v52, v11;
	v31 =	vadd.f32 v31, v37  }
0xbc: {  	v37 =	vadd.f32 v45, v38;
	v38 =	vadd.f32 v48, v47;
	v45 =	vmul.f32 v50, v9;
	v47 =	vld [tilespmem:s31+$0xFFFFFD40]  }
0xbd: {  	v42 =	vadd.f32 v43, v42;
	v48 =	vld [tilespmem:s31+$0xFFFFFCD0];
	v40 =	vadd.f32 v52, v40;
	v50 =	vmul.f32 v51, v9  }
0xbe: {  	v37 =	vadd.f32 v44, v37;
	v38 =	vadd.f32 v45, v38;
	v43 =	vmul.f32 v46, v8;
	v44 =	vld [tilespmem:s31+$0xFFFFFD50]  }
0xbf: {  	v36 =	vadd.f32 v36, v42;
	v45 =	vld [tilespmem:s31+$0xFFFFFCE0];
	v40 =	vadd.f32 v50, v40;
	v46 =	vmul.f32 v49, v8  }
0xc0: {  	v37 =	vadd.f32 v41, v37;
	v38 =	vadd.f32 v43, v38;
	v32 =	vmul.f32 v32, v7;
	v41 =	vld [tilespmem:s31+$0xFFFFFD60]  }
0xc1: {  	v36 =	vadd.f32 v39, v36;
	v42 =	vld [tilespmem:s31+$0xFFFFFCF0];
	v40 =	vadd.f32 v46, v40;
	v43 =	vmul.f32 v47, v7  }
0xc2: {  	v35 =	vadd.f32 v35, v37;
	v32 =	vadd.f32 v32, v38;
	v37 =	vmul.f32 v48, v6;
	v38 =	vld [tilespmem:s31+$0xFFFFFD70]  }
0xc3: {  	v33 =	vadd.f32 v33, v36;
	v39 =	vadd.f32 v43, v40;
	v40 =	vmul.f32 v44, v6;
	v36 =	vld [tilespmem:s31+$0xFFFFFDF0]  }
0xc4: {  	v34 =	vadd.f32 v34, v35;
	v32 =	vadd.f32 v37, v32;
	v35 =	vmul.f32 v45, v5  }
0xc5: {  	v29 =	vadd.f32 v29, v33;
	v37 =	vadd.f32 v40, v39;
	v39 =	vmul.f32 v41, v5  }
0xc6: {  	v30 =	vadd.f32 v30, v34;
	v32 =	vadd.f32 v35, v32;
	v33 =	vmul.f32 v42, v4  }
0xc7: {  	v27 =	vadd.f32 v27, v29;
	v34 =	vadd.f32 v39, v37;
	v35 =	vmul.f32 v38, v4  }
0xc8: {  	v28 =	vadd.f32 v28, v30;
	v29 =	vadd.f32 v33, v32;
	v30 =	vmul.f32 v36, v4  }
0xc9: {  	v24 =	vadd.f32 v24, v31;
	v31 =	vperm.xlane v26, v2;
	v32 =	vadd.f32 v35, v34  }
0xca: {  	v33 =	vperm.xlane v28, v0;
	v34 =	vperm.xlane v29, v0;
	v27 =	vadd.f32 v30, v27  }
0xcb: {  	v17 =	vadd.f32 v17, v25;
	v18 =	vadd.f32 v18, v24;
	v30 =	vperm.xlane v32, v0  }
0xcc: {  	v24 =	vadd.f32 v28, v33;
	v25 =	vadd.f32 v29, v34;
	v28 =	vperm.xlane v27, v0  }
0xcd: {  	v29 =	vadd.f32 v32, v30;
	v30 =	vperm.xlane v18, v0;
	v32 =	vperm.xlane v17, v0  }
0xce: {  	v33 =	vperm.xlane v24, v1;
	v34 =	vperm.xlane v25, v1;
	v27 =	vadd.f32 v27, v28  }
0xcf: {  	v28 =	vperm.xlane v29, v1;
	v18 =	vadd.f32 v18, v30;
	v17 =	vadd.f32 v17, v32  }
0xd0: {  	v24 =	vadd.f32 v24, v33;
	v25 =	vadd.f32 v25, v34;
	v30 =	vperm.xlane v27, v1  }
0xd1: {  	v28 =	vadd.f32 v29, v28;
	v29 =	vperm.xlane v18, v1;
	v32 =	vperm.xlane v17, v1  }
0xd2: {  	v33 =	vperm.xlane v24, v2;
	v34 =	vperm.xlane v25, v2;
	v27 =	vadd.f32 v27, v30  }
0xd3: {  	v30 =	vperm.xlane v28, v2;
	v18 =	vadd.f32 v18, v29;
	v17 =	vadd.f32 v17, v32  }
0xd4: {  	v24 =	vadd.f32 v24, v33;
	v25 =	vadd.f32 v25, v34;
	v29 =	vperm.xlane v27, v2  }
0xd5: {  	v28 =	vadd.f32 v28, v30;
	v30 =	vperm.xlane v18, v2;
	v32 =	vperm.xlane v17, v2  }
0xd6: {  	v33 =	vperm.xlane v24, v3;
	v34 =	vperm.xlane v25, v3;
	v27 =	vadd.f32 v27, v29  }
0xd7: {  	v29 =	vperm.xlane v28, v3;
	v18 =	vadd.f32 v18, v30;
	v17 =	vadd.f32 v17, v32  }
0xd8: {  	v24 =	vadd.f32 v24, v33;
	v25 =	vadd.f32 v25, v34;
	v30 =	vperm.xlane v27, v3  }
0xd9: {  	v26 =	vadd.f32 v26, v31;
	v28 =	vadd.f32 v28, v29;
	v29 =	vperm.xlane v18, v3  }
0xda: {  	v24 =	vsel vm0, v24, v25;
	v25 =	vadd.f32 v27, v30;
	v27 =	vperm.xlane v17, v3  }
0xdb: {  	v24 =	vsel vm1, v24, v28;
	v18 =	vadd.f32 v18, v29;
	v28 =	vperm.xlane v26, v3  }
0xdc: {  	v24 =	vsel vm2, v24, v25;
	v17 =	vadd.f32 v17, v27;
	v25 =	vperm.xlane v23, v3  }
0xdd: {  	v18 =	vsel vm3, v24, v18;
	v24 =	vadd.f32 v26, v28;
	v26 =	vperm.xlane v22, v3  }
0xde: {  	v17 =	vsel vm4, v18, v17;
	v18 =	vadd.f32 v23, v25;
	v23 =	vperm.xlane v21, v3  }
0xdf: {  	v17 =	vsel vm5, v17, v24;
	v22 =	vadd.f32 v22, v26;
	v24 =	vperm.xlane v20, v3  }
0xe0: {  	v17 =	vsel vm6, v17, v18;
	v18 =	vadd.f32 v21, v23;
	v21 =	vperm.xlane v19, v3  }
0xe1: {  	v17 =	vsel vm7, v17, v22;
	v20 =	vadd.f32 v20, v24;
	v22 =	vperm.xlane v16, v3  }
0xe2: {  	v17 =	vsel vm8, v17, v18;
	v18 =	vadd.f32 v19, v21;
	v19 =	vperm.xlane v15, v3  }
0xe3: {  	v17 =	vsel vm9, v17, v20;
	v16 =	vadd.f32 v16, v22;
	v20 =	vperm.xlane v14, v3  }
0xe4: {  	v17 =	vsel vm10, v17, v18;
	v15 =	vadd.f32 v15, v19;
	v18 =	vperm.xlane v13, v3  }
0xe5: {  	v16 =	vsel vm11, v17, v16;
	v14 =	vadd.f32 v14, v20  }
0xe6: {  	v15 =	vsel vm12, v16, v15;
	v13 =	vadd.f32 v13, v18  }
0xe7: {  	v14 =	vsel vm13, v15, v14  }
0xe8: {  	s14 =	sshra.s32 s3, $0x2;
	s3 =	smov.u32 s1;
	v13 =	vsel vm14, v14, v13  }
0xe9: {  	s31 =	sadd.s32 $0x800, s31;
	[tilespmem:v12+s14+$0x0 ss:$0x1] =	vst.idx.msk $0xffff, v13  }
0xea: {  	v14 =	vld [tilespmem:s31+$0x3F0]  }
0xeb: {  	v18 =	vld [tilespmem:s31+$0x370]  }
0xec: {  	v19 =	vld [tilespmem:s31+$0x3E0]  }
0xed: {  	v20 =	vld [tilespmem:s31+$0x2F0]  }
0xee: {  	v21 =	vld [tilespmem:s31+$0x360]  }
0xef: {  	v22 =	vld [tilespmem:s31+$0x3D0]  }
0xf0: {  	v23 =	vld [tilespmem:s31+$0x270]  }
0xf1: {  	v24 =	vld [tilespmem:s31+$0x2E0]  }
0xf2: {  	v25 =	vld [tilespmem:s31+$0x350]  }
0xf3: {  	v26 =	vld [tilespmem:s31+$0x3C0]  }
0xf4: {  	v27 =	vld [tilespmem:s31+$0x1F0]  }
0xf5: {  	v28 =	vld [tilespmem:s31+$0x260]  }
0xf6: {  	v29 =	vld [tilespmem:s31+$0x2D0]  }
0xf7: {  	v30 =	vld [tilespmem:s31+$0x340]  }
0xf8: {  	v31 =	vld [tilespmem:s31+$0x3B0]  }
0xf9: {  	v32 =	vld [tilespmem:s31+$0x170]  }
0xfa: {  	v33 =	vld [tilespmem:s31+$0x1E0]  }
0xfb: {  	v34 =	vld [tilespmem:s31+$0x250]  }
0xfc: {  	v35 =	vld [tilespmem:s31+$0x2C0]  }
0xfd: {  	v36 =	vld [tilespmem:s31+$0x330]  }
0xfe: {  	v37 =	vld [tilespmem:s31+$0x3A0]  }
0xff: {  	v38 =	vld [tilespmem:s31+$0xF0]  }
0x100: {  	v39 =	vld [tilespmem:s31+$0x160]  }
0x101: {  	v40 =	vld [tilespmem:s31+$0x1D0]  }
0x102: {  	v41 =	vld [tilespmem:s31+$0x240]  }
0x103: {  	v42 =	vld [tilespmem:s31+$0x2B0]  }
0x104: {  	v43 =	vld [tilespmem:s31+$0x320]  }
0x105: {  	v44 =	vld [tilespmem:s31+$0x380]  }
0x106: {  	v45 =	vld [tilespmem:s31+$0x390]  }
0x107: {  	v16 =	vld [tilespmem:s31+$0x70]  }
0x108: {  	v15 =	vld [tilespmem:s31+$0xE0]  }
0x109: {  	v13 =	vld [tilespmem:s31+$0x150]  }
0x10a: {  	v46 =	vmul.f32 v14, v4;
	v17 =	vld [tilespmem:s31+$0x1C0]  }
0x10b: {  	v48 =	vmul.f32 v18, v4;
	v49 =	vmul.f32 v19, v5;
	v47 =	vld [tilespmem:s31+$0x230]  }
0x10c: {  	v14 =	vmul.f32 v44, v10;
	v18 =	vmul.f32 v45, v11;
	v50 =	vld [tilespmem:s31+$0x2A0]  }
0x10d: {  	v21 =	vmul.f32 v21, v5;
	v44 =	vmul.f32 v20, v4;
	v19 =	vld [tilespmem:s31+$0x300]  }
0x10e: {  	v37 =	vmul.f32 v37, v9;
	v45 =	vmul.f32 v22, v6;
	v14 =	vadd.f32 v18, v14;
	v20 =	vld [tilespmem:s31+$0x310]  }
0x10f: {  	v23 =	vmul.f32 v23, v4;
	v51 =	vmul.f32 v24, v5;
	v18 =	vld [tilespmem:s31+$0xFFFFFFF0]  }
0x110: {  	v25 =	vmul.f32 v25, v6;
	v31 =	vmul.f32 v31, v8;
	v37 =	vadd.f32 v37, v14;
	v24 =	vld [tilespmem:s31+$0x280]  }
0x111: {  	v26 =	vmul.f32 v26, v7;
	v14 =	vmul.f32 v27, v4;
	v27 =	vld [tilespmem:s31+$0x290]  }
0x112: {  	v28 =	vmul.f32 v28, v5;
	v29 =	vmul.f32 v29, v6;
	v31 =	vadd.f32 v31, v37;
	v22 =	vld [tilespmem:s31+$0x60]  }
0x113: {  	v52 =	vmul.f32 v19, v10;
	v37 =	vld [tilespmem:s31+$0x200];
	v20 =	vmul.f32 v20, v11  }
0x114: {  	v30 =	vmul.f32 v30, v7;
	v19 =	vmul.f32 v32, v4;
	v26 =	vadd.f32 v26, v31;
	v32 =	vld [tilespmem:s31+$0x210]  }
0x115: {  	v33 =	vmul.f32 v33, v5;
	v43 =	vmul.f32 v43, v9;
	v31 =	vld [tilespmem:s31+$0xD0];
	v20 =	vadd.f32 v20, v52  }
0x116: {  	v24 =	vmul.f32 v24, v10;
	v26 =	vadd.f32 v45, v26;
	v52 =	vld [tilespmem:s31+$0x220];
	v27 =	vmul.f32 v27, v11  }
0x117: {  	v34 =	vmul.f32 v34, v6;
	v36 =	vmul.f32 v36, v8;
	v45 =	vld [tilespmem:s31+$0x140];
	v20 =	vadd.f32 v43, v20  }
0x118: {  	v26 =	vadd.f32 v49, v26;
	v43 =	vld [tilespmem:s31+$0x1B0];
	v24 =	vadd.f32 v27, v24;
	v27 =	vmul.f32 v50, v9  }
0x119: {  	v37 =	vmul.f32 v37, v10;
	v49 =	vld [tilespmem:s31+$0xFFFFFF70];
	v32 =	vmul.f32 v32, v11;
	v20 =	vadd.f32 v36, v20  }
0x11a: {  	v26 =	vadd.f32 v46, v26;
	v36 =	vld [tilespmem:s31+$0xFFFFFFE0];
	v24 =	vadd.f32 v27, v24;
	v27 =	vmul.f32 v42, v8  }
0x11b: {  	v42 =	vld [tilespmem:s31+$0x50];
	v32 =	vadd.f32 v32, v37;
	v37 =	vmul.f32 v52, v9;
	v20 =	vadd.f32 v30, v20  }
0x11c: {  	v30 =	vld [tilespmem:s31+$0x180];
	v24 =	vadd.f32 v27, v24;
	v27 =	vmul.f32 v35, v7;
	v35 =	vperm.xlane v26, v0  }
0x11d: {  	v46 =	vld [tilespmem:s31+$0x190];
	v32 =	vadd.f32 v37, v32;
	v37 =	vmul.f32 v47, v8;
	v25 =	vadd.f32 v25, v20  }
0x11e: {  	v20 =	vmul.f32 v38, v4;
	v47 =	vld [tilespmem:s31+$0xC0];
	v27 =	vadd.f32 v27, v24;
	v26 =	vadd.f32 v26, v35  }
0x11f: {  	v35 =	vld [tilespmem:s31+$0x1A0];
	v32 =	vadd.f32 v37, v32;
	v37 =	vmul.f32 v41, v7;
	v21 =	vadd.f32 v21, v25  }
0x120: {  	v38 =	vmul.f32 v40, v6;
	v24 =	vmul.f32 v39, v5;
	v25 =	vld [tilespmem:s31+$0x130];
	v27 =	vadd.f32 v29, v27  }
0x121: {  	v29 =	vld [tilespmem:s31+$0xFFFFFEF0];
	v32 =	vadd.f32 v37, v32;
	v21 =	vadd.f32 v48, v21;
	v37 =	vperm.xlane v26, v1  }
0x122: {  	v30 =	vmul.f32 v30, v10;
	v39 =	vld [tilespmem:s31+$0xFFFFFF60];
	v40 =	vmul.f32 v46, v11;
	v27 =	vadd.f32 v51, v27  }
0x123: {  	v41 =	vld [tilespmem:s31+$0xFFFFFFD0];
	v32 =	vadd.f32 v34, v32;
	v34 =	vperm.xlane v21, v0;
	v37 =	vadd.f32 v26, v37  }
0x124: {  	v46 =	vld [tilespmem:s31+$0x40];
	v26 =	vadd.f32 v40, v30;
	v30 =	vmul.f32 v35, v9;
	v27 =	vadd.f32 v44, v27  }
0x125: {  	v35 =	vld [tilespmem:s31+$0xB0];
	v28 =	vadd.f32 v28, v32;
	v32 =	vadd.f32 v21, v34;
	v34 =	vperm.xlane v37, v2  }
0x126: {  	v40 =	vld [tilespmem:s31+$0x120];
	v21 =	vadd.f32 v30, v26;
	v30 =	vmul.f32 v43, v8;
	v43 =	vperm.xlane v27, v0  }
0x127: {  	v26 =	vmul.f32 v16, v4;
	v44 =	vld [tilespmem:s31+$0xFFFFFE70];
	v16 =	vadd.f32 v23, v28;
	v23 =	vperm.xlane v32, v1  }
0x128: {  	v17 =	vmul.f32 v17, v7;
	v48 =	vld [tilespmem:s31+$0xFFFFFEE0];
	v28 =	vadd.f32 v30, v21;
	v27 =	vadd.f32 v27, v43  }
0x129: {  	v43 =	vmul.f32 v15, v5;
	v21 =	vld [tilespmem:s31+$0xFFFFFF50];
	v15 =	vperm.xlane v16, v0;
	v32 =	vadd.f32 v32, v23  }
0x12a: {  	v51 =	vmul.f32 v13, v6;
	v50 =	vld [tilespmem:s31+$0xFFFFFFC0];
	v13 =	vadd.f32 v17, v28;
	v17 =	vperm.xlane v27, v1  }
0x12b: {  	v23 =	vmul.f32 v18, v4;
	v18 =	vld [tilespmem:s31+$0x30];
	v15 =	vadd.f32 v16, v15;
	v16 =	vperm.xlane v32, v2  }
0x12c: {  	v52 =	vmul.f32 v22, v5;
	v53 =	vld [tilespmem:s31+$0xA0];
	v13 =	vadd.f32 v38, v13;
	v38 =	vadd.f32 v27, v17  }
0x12d: {  	v31 =	vmul.f32 v31, v6;
	v28 =	vld [tilespmem:s31+$0x100];
	v17 =	vperm.xlane v15, v1  }
0x12e: {  	v45 =	vmul.f32 v45, v7;
	v54 =	vld [tilespmem:s31+$0x110];
	v13 =	vadd.f32 v33, v13;
	v33 =	vperm.xlane v38, v2  }
0x12f: {  	v22 =	vmul.f32 v49, v4;
	v30 =	vmul.f32 v36, v5;
	v27 =	vld [tilespmem:s31+$0xFFFFFE60];
	v36 =	vadd.f32 v15, v17  }
0x130: {  	v42 =	vmul.f32 v42, v6;
	v47 =	vmul.f32 v47, v7;
	v49 =	vld [tilespmem:s31+$0x80];
	v55 =	vadd.f32 v14, v13  }
0x131: {  	v25 =	vmul.f32 v25, v8;
	v56 =	vld [tilespmem:s31+$0x90];
	v57 =	vperm.xlane v36, v2  }
0x132: {  	v17 =	vmul.f32 v29, v4;
	v13 =	vadd.f32 v37, v34;
	v58 =	vld [tilespmem:s31+$0x0];
	v59 =	vperm.xlane v55, v0  }
0x133: {  	v14 =	vadd.f32 v32, v16;
	v37 =	vmul.f32 v28, v10;
	v34 =	vld [tilespmem:s31+$0x10];
	v54 =	vmul.f32 v54, v11  }
0x134: {  	v32 =	vmul.f32 v41, v6;
	v15 =	vadd.f32 v38, v33;
	v28 =	vmul.f32 v39, v5;
	v29 =	vld [tilespmem:s31+$0xFFFFFED0]  }
0x135: {  	v38 =	vmul.f32 v40, v9;
	v39 =	vadd.f32 v55, v59;
	v33 =	vld [tilespmem:s31+$0x20];
	v37 =	vadd.f32 v54, v37  }
0x136: {  	v16 =	vadd.f32 v36, v57;
	v41 =	vmul.f32 v49, v10;
	v40 =	vld [tilespmem:s31+$0xFFFFFF40];
	v49 =	vmul.f32 v56, v11  }
0x137: {  	v53 =	vmul.f32 v53, v9;
	v36 =	vld [tilespmem:s31+$0xFFFFFF80];
	v37 =	vadd.f32 v38, v37;
	v38 =	vperm.xlane v39, v1  }
0x138: {  	v55 =	vmul.f32 v58, v10;
	v54 =	vld [tilespmem:s31+$0xFFFFFF90];
	v34 =	vmul.f32 v34, v11;
	v41 =	vadd.f32 v49, v41  }
0x139: {  	v35 =	vmul.f32 v35, v8;
	v49 =	vld [tilespmem:s31+$0xFFFFFFB0];
	v25 =	vadd.f32 v25, v37;
	v37 =	vadd.f32 v39, v38  }
0x13a: {  	v38 =	vld [tilespmem:s31+$0xFFFFFFA0];
	v34 =	vadd.f32 v34, v55;
	v33 =	vmul.f32 v33, v9;
	v39 =	vadd.f32 v53, v41  }
0x13b: {  	v46 =	vmul.f32 v46, v7;
	v41 =	vld [tilespmem:s31+$0xFFFFFDE0];
	v25 =	vadd.f32 v45, v25;
	v45 =	vperm.xlane v37, v2  }
0x13c: {  	v53 =	vld [tilespmem:s31+$0xFFFFFE50];
	v33 =	vadd.f32 v33, v34;
	v34 =	vmul.f32 v18, v8;
	v35 =	vadd.f32 v35, v39  }
0x13d: {  	v36 =	vmul.f32 v36, v10;
	v39 =	vld [tilespmem:s31+$0xFFFFFF00];
	v54 =	vmul.f32 v54, v11;
	v25 =	vadd.f32 v51, v25  }
0x13e: {  	v18 =	vmul.f32 v44, v4;
	v44 =	vld [tilespmem:s31+$0xFFFFFF10];
	v33 =	vadd.f32 v34, v33;
	v34 =	vadd.f32 v47, v35  }
0x13f: {  	v47 =	vld [tilespmem:s31+$0xFFFFFEC0];
	v35 =	vadd.f32 v54, v36;
	v36 =	vmul.f32 v38, v9;
	v24 =	vadd.f32 v24, v25  }
0x140: {  	v25 =	vmul.f32 v48, v5;
	v38 =	vld [tilespmem:s31+$0xFFFFFF20];
	v33 =	vadd.f32 v46, v33;
	v31 =	vadd.f32 v31, v34  }
0x141: {  	v34 =	vld [tilespmem:s31+$0xFFFFFF30];
	v35 =	vadd.f32 v36, v35;
	v36 =	vmul.f32 v49, v8;
	v19 =	vadd.f32 v19, v24  }
0x142: {  	v24 =	vmul.f32 v50, v7;
	v46 =	vld [tilespmem:s31+$0xFFFFFC70];
	v33 =	vadd.f32 v42, v33;
	v31 =	vadd.f32 v43, v31  }
0x143: {  	v39 =	vmul.f32 v39, v10;
	v42 =	vld [tilespmem:s31+$0xFFFFFDD0];
	v43 =	vmul.f32 v44, v11;
	v35 =	vadd.f32 v36, v35  }
0x144: {  	v44 =	vld [tilespmem:s31+$0xFFFFFE40];
	v33 =	vadd.f32 v52, v33;
	v20 =	vadd.f32 v20, v31;
	v31 =	vperm.xlane v19, v0  }
0x145: {  	v48 =	vld [tilespmem:s31+$0xFFFFFEB0];
	v36 =	vadd.f32 v43, v39;
	v38 =	vmul.f32 v38, v9;
	v24 =	vadd.f32 v24, v35  }
0x146: {  	v39 =	vld [tilespmem:s31+$0xFFFFFC60];
	v26 =	vadd.f32 v26, v33;
	v33 =	vperm.xlane v20, v0;
	v19 =	vadd.f32 v19, v31  }
0x147: {  	v34 =	vmul.f32 v34, v8;
	v49 =	vld [tilespmem:s31+$0xFFFFFDC0];
	v31 =	vadd.f32 v38, v36;
	v24 =	vadd.f32 v32, v24  }
0x148: {  	v50 =	vld [tilespmem:s31+$0xFFFFFE30];
	v32 =	vperm.xlane v26, v0;
	v20 =	vadd.f32 v20, v33;
	v33 =	vperm.xlane v19, v1  }
0x149: {  	v51 =	vld [tilespmem:s31+$0xFFFFFEA0];
	v31 =	vadd.f32 v34, v31;
	v34 =	vmul.f32 v40, v7;
	v24 =	vadd.f32 v30, v24  }
0x14a: {  	v52 =	vld [tilespmem:s31+$0xFFFFFC50];
	v26 =	vadd.f32 v26, v32;
	v30 =	vperm.xlane v20, v1;
	v33 =	vadd.f32 v19, v33  }
0x14b: {  	v21 =	vmul.f32 v21, v6;
	v54 =	vld [tilespmem:s31+$0xFFFFFDB0];
	v19 =	vadd.f32 v34, v31;
	v23 =	vadd.f32 v23, v24  }
0x14c: {  	v34 =	vld [tilespmem:s31+$0xFFFFFE20];
	v31 =	vperm.xlane v26, v1;
	v30 =	vadd.f32 v20, v30;
	v20 =	vperm.xlane v33, v2  }
0x14d: {  	v24 =	vmul.f32 v27, v5;
	v40 =	vld [tilespmem:s31+$0xFFFFFE80];
	v19 =	vadd.f32 v21, v19;
	v21 =	vperm.xlane v23, v0  }
0x14e: {  	v32 =	vmul.f32 v29, v6;
	v43 =	vld [tilespmem:s31+$0xFFFFFE90];
	v26 =	vadd.f32 v26, v31;
	v55 =	vperm.xlane v30, v2  }
0x14f: {  	v27 =	vmul.f32 v41, v5;
	v35 =	vld [tilespmem:s31+$0xFFFFFC40];
	v28 =	vadd.f32 v28, v19;
	v21 =	vadd.f32 v23, v21  }
0x150: {  	v38 =	vmul.f32 v47, v7;
	v31 =	vmul.f32 v53, v6;
	v19 =	vadd.f32 v37, v45;
	v36 =	vld [tilespmem:s31+$0xFFFFFDA0]  }
0x151: {  	v47 =	vperm.xlane v26, v2;
	v23 =	vld [tilespmem:s31+$0xFFFFFE00];
	v45 =	vadd.f32 v22, v28;
	v22 =	vperm.xlane v21, v1  }
0x152: {  	v29 =	vmul.f32 v42, v6;
	v20 =	vadd.f32 v33, v20;
	v28 =	vmul.f32 v46, v4;
	v46 =	vld [tilespmem:s31+$0xFFFFFE10]  }
0x153: {  	v37 =	vmul.f32 v44, v7;
	v41 =	vld [tilespmem:s31+$0xFFFFFC30];
	v33 =	vperm.xlane v45, v0;
	v53 =	vadd.f32 v21, v22  }
0x154: {  	v40 =	vmul.f32 v40, v10;
	v56 =	vmul.f32 v43, v11;
	v21 =	vadd.f32 v30, v55;
	v42 =	vld [tilespmem:s31+$0xFFFFFD80]  }
0x155: {  	v48 =	vmul.f32 v48, v8;
	v22 =	vadd.f32 v26, v47;
	v43 =	vld [tilespmem:s31+$0xFFFFFD90];
	v30 =	vperm.xlane v53, v2  }
0x156: {  	v47 =	vmul.f32 v51, v9;
	v26 =	vadd.f32 v56, v40;
	v51 =	vadd.f32 v45, v33;
	v44 =	vld [tilespmem:s31+$0xFFFFFC20]  }
.Ltmp0:
0x157: {  	v55 =	vmul.f32 v23, v10;
	v40 =	vld [tilespmem:s31+$0xFFFFFD00];
	v56 =	vmul.f32 v46, v11;
	v23 =	vadd.f32 v53, v30;
	(pc) =	sbr.rel @p1 .LBB2_3-.Ltmp0, $4  }
0x158: {  	v30 =	vmul.f32 v39, v5;
	v26 =	vadd.f32 v47, v26;
	v39 =	vperm.xlane v51, v1;
	v45 =	vld [tilespmem:s31+$0xFFFFFC00]  }
0x159: {  	v33 =	vmul.f32 v49, v7;
	v46 =	vld [tilespmem:s31+$0xFFFFFC10];
	v53 =	vadd.f32 v56, v55;
	v55 =	vmul.f32 v34, v9  }
0x15a: {  	v49 =	vmul.f32 v50, v8;
	v50 =	vadd.f32 v48, v26;
	v26 =	vadd.f32 v51, v39;
	v47 =	vld [tilespmem:s31+$0xFFFFFC80]  }
0x15b: {  	s1 =	sadd.s32 $0x40, s1;
	v34 =	vmul.f32 v52, v6;
	v39 =	vmul.f32 v54, v8;
	v48 =	vld [tilespmem:s31+$0xFFFFFC90];
	v51 =	vadd.f32 v55, v53  }
0x15c: {  	v35 =	vmul.f32 v35, v7;
	v52 =	vld [tilespmem:s31+$0xFFFFFD10]  }
0x15d: {  	v36 =	vmul.f32 v36, v9;
	v38 =	vadd.f32 v38, v50;
	v57 =	vld [tilespmem:s31+$0xFFFFFCA0];
	v42 =	vmul.f32 v42, v10  }
0x15e: {  	v44 =	vmul.f32 v44, v9;
	v58 =	vld [tilespmem:s31+$0xFFFFFD20];
	v43 =	vmul.f32 v43, v11;
	v49 =	vadd.f32 v49, v51  }
0x15f: {  	v62 =	vmul.f32 v40, v10;
	v59 =	vmul.f32 v45, v10;
	v32 =	vadd.f32 v32, v38  }
0x160: {  	v61 =	vld [tilespmem:s31+$0xFFFFFCB0];
	v60 =	vmul.f32 v46, v11;
	v37 =	vadd.f32 v37, v49;
	v47 =	vmul.f32 v47, v10  }
0x161: {  	v49 =	vld [tilespmem:s31+$0xFFFFFD30];
	v48 =	vmul.f32 v48, v11;
	v25 =	vadd.f32 v25, v32;
	v63 =	vmul.f32 v52, v11  }
0x162: {  	v32 =	vld [tilespmem:s31+$0xFFFFFCC0];
	v31 =	vadd.f32 v31, v37;
	v52 =	vadd.f32 v60, v59;
	v54 =	vmul.f32 v57, v9  }
0x163: {  	v55 =	vld [tilespmem:s31+$0xFFFFFD40];
	v57 =	vmul.f32 v58, v9;
	v58 =	vadd.f32 v43, v42;
	v53 =	vadd.f32 v48, v47  }
0x164: {  	v41 =	vmul.f32 v41, v8;
	v56 =	vld [tilespmem:s31+$0xFFFFFCD0];
	v17 =	vadd.f32 v17, v25;
	v10 =	vadd.f32 v63, v62  }
0x165: {  	v59 =	vmul.f32 v61, v8;
	v60 =	vld [tilespmem:s31+$0xFFFFFD50];
	v37 =	vadd.f32 v44, v52;
	v38 =	vadd.f32 v54, v53  }
0x166: {  	v61 =	vld [tilespmem:s31+$0xFFFFFCE0];
	v63 =	vadd.f32 v36, v58;
	v62 =	vmul.f32 v49, v8;
	v9 =	vadd.f32 v57, v10  }
0x167: {  	v46 =	vld [tilespmem:s31+$0xFFFFFD60];
	v41 =	vadd.f32 v41, v37;
	v32 =	vmul.f32 v32, v7;
	v44 =	vadd.f32 v59, v38  }
0x168: {  	v48 =	vld [tilespmem:s31+$0xFFFFFCF0];
	v49 =	vmul.f32 v55, v7;
	v50 =	vadd.f32 v39, v63;
	v8 =	vadd.f32 v62, v9  }
0x169: {  	v53 =	vmul.f32 v56, v6;
	v54 =	vld [tilespmem:s31+$0xFFFFFD70];
	v51 =	vadd.f32 v35, v41;
	v52 =	vadd.f32 v32, v44  }
0x16a: {  	v57 =	vld [tilespmem:s31+$0xFFFFFDF0];
	v55 =	vmul.f32 v60, v6;
	v56 =	vadd.f32 v33, v50;
	v7 =	vadd.f32 v49, v8  }
0x16b: {  	v58 =	vmul.f32 v61, v5;
	v10 =	vadd.f32 v34, v51;
	v11 =	vadd.f32 v53, v52  }
0x16c: {  	v5 =	vmul.f32 v46, v5;
	v59 =	vadd.f32 v29, v56;
	v6 =	vadd.f32 v55, v7  }
0x16d: {  	v62 =	vmul.f32 v48, v4;
	v60 =	vadd.f32 v30, v10;
	v61 =	vadd.f32 v58, v11  }
0x16e: {  	v63 =	vmul.f32 v54, v4;
	v7 =	vadd.f32 v27, v59;
	v5 =	vadd.f32 v5, v6  }
0x16f: {  	v4 =	vmul.f32 v57, v4;
	v8 =	vadd.f32 v28, v60;
	v10 =	vadd.f32 v62, v61  }
0x170: {  	v28 =	vadd.f32 v24, v31;
	v5 =	vadd.f32 v63, v5  }
0x171: {  	v4 =	vadd.f32 v4, v7;
	v30 =	vperm.xlane v8, v0;
	v31 =	vperm.xlane v10, v0  }
0x172: {  	v35 =	vperm.xlane v17, v0;
	v6 =	vadd.f32 v18, v28;
	v32 =	vperm.xlane v5, v0  }
0x173: {  	v33 =	vperm.xlane v4, v0;
	v8 =	vadd.f32 v8, v30;
	v10 =	vadd.f32 v10, v31  }
0x174: {  	v29 =	vperm.xlane v26, v2;
	v34 =	vperm.xlane v6, v0;
	v5 =	vadd.f32 v5, v32  }
0x175: {  	v4 =	vadd.f32 v4, v33;
	v36 =	vperm.xlane v8, v1;
	v37 =	vperm.xlane v10, v1  }
0x176: {  	v39 =	vadd.f32 v17, v35;
	v6 =	vadd.f32 v6, v34;
	v38 =	vperm.xlane v5, v1  }
0x177: {  	v40 =	vperm.xlane v4, v1;
	v8 =	vadd.f32 v8, v36;
	v10 =	vadd.f32 v10, v37  }
0x178: {  	v18 =	vperm.xlane v39, v1;
	v41 =	vperm.xlane v6, v1;
	v5 =	vadd.f32 v5, v38  }
0x179: {  	v4 =	vadd.f32 v4, v40;
	v24 =	vperm.xlane v8, v2;
	v25 =	vperm.xlane v10, v2  }
0x17a: {  	v7 =	vadd.f32 v39, v18;
	v6 =	vadd.f32 v6, v41;
	v42 =	vperm.xlane v5, v2  }
0x17b: {  	v43 =	vperm.xlane v4, v2;
	v8 =	vadd.f32 v8, v24;
	v10 =	vadd.f32 v10, v25  }
0x17c: {  	v18 =	vperm.xlane v7, v2;
	v44 =	vperm.xlane v6, v2;
	v5 =	vadd.f32 v5, v42  }
0x17d: {  	v4 =	vadd.f32 v4, v43;
	v24 =	vperm.xlane v8, v3;
	v25 =	vperm.xlane v10, v3  }
0x17e: {  	v7 =	vadd.f32 v7, v18;
	v6 =	vadd.f32 v6, v44;
	v45 =	vperm.xlane v5, v3  }
0x17f: {  	v46 =	vperm.xlane v4, v3;
	v8 =	vadd.f32 v8, v24;
	v10 =	vadd.f32 v10, v25  }
0x180: {  	v9 =	vadd.f32 v26, v29;
	v47 =	vperm.xlane v6, v3;
	v5 =	vadd.f32 v5, v45  }
0x181: {  	v48 =	vperm.xlane v7, v3;
	v4 =	vadd.f32 v4, v46;
	v8 =	vsel vm0, v8, v10  }
0x182: {  	v49 =	vperm.xlane v9, v3;
	v6 =	vadd.f32 v6, v47;
	v5 =	vsel vm1, v8, v5  }
0x183: {  	v50 =	vperm.xlane v23, v3;
	v4 =	vsel vm2, v5, v4;
	v5 =	vadd.f32 v7, v48  }
0x184: {  	v52 =	vperm.xlane v22, v3;
	v51 =	vadd.f32 v9, v49;
	v4 =	vsel vm3, v4, v6  }
0x185: {  	v53 =	vperm.xlane v21, v3;
	v4 =	vsel vm4, v4, v5;
	v5 =	vadd.f32 v23, v50  }
0x186: {  	v55 =	vperm.xlane v20, v3;
	v54 =	vadd.f32 v22, v52;
	v4 =	vsel vm5, v4, v51  }
0x187: {  	v56 =	vperm.xlane v19, v3;
	v4 =	vsel vm6, v4, v5;
	v5 =	vadd.f32 v21, v53  }
0x188: {  	v58 =	vperm.xlane v16, v3;
	v57 =	vadd.f32 v20, v55;
	v4 =	vsel vm7, v4, v54  }
0x189: {  	v59 =	vperm.xlane v15, v3;
	v4 =	vsel vm8, v4, v5;
	v5 =	vadd.f32 v19, v56  }
0x18a: {  	p1 =	sgt.u32 s29, $0x3B;
	v60 =	vadd.f32 v16, v58;
	v61 =	vperm.xlane v14, v3;
	v4 =	vsel vm9, v4, v57  }
0x18b: {  	s1 =	sshll.u32 @!p1 s29, $0x9;
	v62 =	vperm.xlane v13, v3;
	v4 =	vsel vm10, v4, v5;
	v5 =	vadd.f32 v15, v59  }
0x18c: {  	s1 =	sadd.s32 @!p1 $0x800, s1;
	v63 =	vadd.f32 v14, v61;
	v4 =	vsel vm11, v4, v60  }
0x18d: {  	s14 =	sshll.u32 @!p1 s29, $0x7;
	s1 =	sand.u32 @!p1 $0xFC00, s1;
	v4 =	vsel vm12, v4, v5;
	v5 =	vadd.f32 v13, v62  }
0x18e: {  	s14 =	sand.u32 @!p1 $0x80, s14;
	s1 =	sshrl.u32 @!p1 s1, $0x2;
	v4 =	vsel vm13, v4, v63  }
0x18f: {  	s3 =	sshra.s32 s3, $0x2;
	s1 =	sor.u32 @!p1 s14, s1;
	v4 =	vsel vm14, v4, v5  }
0x190: {  	s29 =	sadd.s32 $0x1, s29;
	s1 =	sadd.s32 @!p1 $0x100, s1;
	[tilespmem:v12+s3+$0x0 ss:$0x1] =	vst.idx.msk $0xffff, v4;
	s3 =	simm.s32 @!p1 $0x80  }
0x191: {  	[tilespmem:s2], [sflag:s30] =	stream.indirect.gather @!p1 [hbm4b:s0+s3], $0x80, s1, s3, $0xb8;
	[tilespmem:$0x16100] =	vst v63  }
0x192: {  	p1 =	sne.s32 s29, $0x40  }
.Ltmp1:
0x193: {  	_ = 	snop;
	(pc) =	sbr.rel @p1 .LBB2_2-.Ltmp1, $2  }
0x194: {  	_ =	sdelay $0x2  }
0x195: {  	p0 =	por !p0, !p0;
	s28 =	sadd.s32 $0x1, s28  }
0x196: {  	s26 =	sadd.s32 $0x1, s26  }
0x197: {  	p0 =	sne.s32 s26, s9  }
.Ltmp2:
0x198: {  	_ = 	snop;
	(pc) =	sbr.rel @p0 .LBB2_1-.Ltmp2, $4  }
0x199: {  	[hbm4b:s8+s4] =	stream.linear.scatter [tilespmem:s25], [sflag:$0x7], $0x2000, $0x38;
	[tilespmem:$0x16100] =	vst v63  }
0x19a: {  	_ =	swait.ge [sflag:s10], $0x2000  }
0x19b: {  	[sflag:s10] =	ssyncset.done $0x0  }
0x19c: {  	[sflag:s10] =	ssyncadd.s32 $0xFFFFE000  }
0x19d: {  	_ =	sfence.sel $0x180000  }
0x19e: {  	[bflag:$0x0] =	sbarrier.arrive $0xFFFF  }
0x19f: {  	_ =	strace $0x90000047  }
0x1a0: {  	s0 =	stileid.u32;
	[bflag:$0x2] =	sbarrier.arrive $0xFFFF  }
0x1a1: {  	p0 =	sne.s32 s0, $0x0;
	s0 =	rddreg [dreg:$0x6]  }
0x1a2: {  	s0 =	sadd.s32 @!p0 $0x100000, s0  }
0x1a3: {  	[sflag:s0] =	ssyncadd.tile.s32 @!p0 $0x1;
	_ =	shalt  }
.Lfunc_end2:
_tile_overlayer_lowered:
.L_overlay_start_2:
0x1a4: {  	(tag) =	ssettag $0x2  }
0x1a5: {  	s0 =	rddreg [dreg:$0x0];
	s2 =	stileid.u32  }
0x1a6: {  	s1 =	rddreg [dreg:$0x1];
	p0 =	sne.s32 s2, $0x0  }
0x1a7: {  	s3 =	rddreg [dreg:$0x2];
	[bflag:$0x3] =	sbarrier.arrive $0xFFFF;
	s2 =	simm.s32 @!p0 $0x1C07  }
0x1a8: {  	[timem:s3], [sflag:s2] =	dma.local @!p0 [hbm:s0], s1  }
0x1a9: {  	s0 =	simm.s32 @!p0 $0x7  }
0x1aa: {  	_ =	swait.ge @!p0 [sflag:s0], s1  }
0x1ab: {  	s1 =	ssub.s32 @!p0 $0x0, s1;
	[sflag:s0] =	ssyncset.done @!p0 $0x0  }
0x1ac: {  	[sflag:s0] =	ssyncadd.s32 @!p0 s1  }
0x1ad: {  	[bflag:$0x3] =	sbarrier.arrive $0xFFFF  }
0x1ae: {  	_ =	shalt  }

</sc_bundles>
